<compile_context>
chip_gen: v7x
topology: tpu7x:2x2x1
jax: 0.10.2.dev20260603
libtpu: 0.0.44.dev20260713+nightly
codegen_flags: <defaults>
</compile_context>

<pallas_src>
import functools

import jax
import jax.numpy as jnp
from jax import lax
from jax.experimental import pallas as pl
from jax.experimental.pallas import tpu as pltpu
from jax.experimental.pallas import tpu_sc as plsc

N = 10000
D = 128
B = 64
O = 64
NP = 10240
E = 320000
NC = 2
NS = 16
NW = NC * NS
CH = 128
CPT = 80
EPT = CH * CPT
EP = EPT * NW
RPT = NP // NS
DW = 16
RB = 256
NBLK = NP // RB

@functools.cache
def _sc_kernels():
    mesh = plsc.VectorSubcoreMesh(core_axis_name="c", subcore_axis_name="s",
                                  num_cores=NC, num_subcores=NS)

    @functools.partial(
        pl.kernel,
        out_type=jax.ShapeDtypeStruct((NC * NP, DW), jnp.float32),
        mesh=mesh,
        scratch_types=[
            pltpu.VMEM((EPT,), jnp.int32),
            pltpu.VMEM((CH,), jnp.int32),
            pltpu.VMEM((CH, DW), jnp.float32),
            pltpu.VMEM((64, DW), jnp.float32),
            pltpu.VMEM_SHARED((NP, DW), jnp.float32),
        ],
    )
    def sc_deg(dst_hbm, out_hbm, dstsl, dbuf, onesv, zbuf, acc):
        c = lax.axis_index("c")
        s = lax.axis_index("s")
        tid = c * NS + s
        ibase = pl.multiple_of(tid * EPT, 8)
        pltpu.sync_copy(dst_hbm.at[pl.ds(ibase, EPT)], dstsl)

        def fill_ones(j, _):
            onesv[j, pl.ds(0, 16)] = jnp.ones((16,), jnp.float32)
            return 0

        lax.fori_loop(0, CH, fill_ones, 0)

        def fill_zero(j, _):
            zbuf[j, pl.ds(0, 16)] = jnp.zeros((16,), jnp.float32)
            return 0

        lax.fori_loop(0, 64, fill_zero, 0)

        def zero_slab(j, _):
            pltpu.sync_copy(zbuf, acc.at[pl.ds(s * RPT + j * 64, 64)])
            return 0

        lax.fori_loop(0, RPT // 64, zero_slab, 0)
        plsc.subcore_barrier()

        def body(g, _):
            for k in range(CH // 16):
                dbuf[pl.ds(k * 16, 16)] = dstsl[pl.ds(g * CH + k * 16, 16)]
            pltpu.sync_copy(onesv, acc.at[dbuf], add=True)
            return 0

        lax.fori_loop(0, CPT, body, 0)
        plsc.subcore_barrier()
        pltpu.sync_copy(acc.at[pl.ds(s * RPT, RPT)],
                        out_hbm.at[pl.ds(c * NP + s * RPT, RPT)])

    NBUF = 2
    NIDX = 2 * NBUF

    @functools.partial(
        pl.kernel,
        out_type=jax.ShapeDtypeStruct((NC * NP, D), jnp.float32),
        mesh=mesh,
        scratch_types=[
            pltpu.VMEM((CH,), jnp.int32),
            pltpu.VMEM((CH,), jnp.int32),
            pltpu.VMEM((CH,), jnp.int32),
            pltpu.VMEM((CH,), jnp.int32),
            pltpu.VMEM((CH,), jnp.int32),
            pltpu.VMEM((CH,), jnp.int32),
            pltpu.VMEM((CH,), jnp.int32),
            pltpu.VMEM((CH,), jnp.int32),
            pltpu.VMEM((CH, D), jnp.float32),
            pltpu.VMEM((CH, D), jnp.float32),
            pltpu.VMEM((64, D), jnp.float32),
            pltpu.VMEM_SHARED((NP, D), jnp.float32),
            pltpu.SemaphoreType.DMA,
            pltpu.SemaphoreType.DMA,
            pltpu.SemaphoreType.DMA,
            pltpu.SemaphoreType.DMA,
            pltpu.SemaphoreType.DMA,
            pltpu.SemaphoreType.DMA,
        ],
    )
    def sc_mp(t_hbm, src_hbm, dst_hbm, out_hbm, s0, s1, s2, s3,
              d0, d1, d2, d3, m0, m1, zbuf, acc,
              ei0, ei1, ei2, ei3, g0, g1):
        sb = (s0, s1, s2, s3)
        db = (d0, d1, d2, d3)
        mb = (m0, m1)
        semi = (ei0, ei1, ei2, ei3)
        semg = (g0, g1)
        c = lax.axis_index("c")
        s = lax.axis_index("s")
        ebase = pl.multiple_of((c * NS + s) * EPT, 8)

        def load_idx(ch, j):
            off = ebase + ch * CH
            pltpu.async_copy(src_hbm.at[pl.ds(off, CH)], sb[j], semi[j])
            pltpu.async_copy(dst_hbm.at[pl.ds(off, CH)], db[j], semi[j])

        def wait_idx(j):
            pltpu.make_async_copy(src_hbm.at[pl.ds(0, CH)], sb[j],
                                  semi[j]).wait()
            pltpu.make_async_copy(dst_hbm.at[pl.ds(0, CH)], db[j],
                                  semi[j]).wait()

        def start_gather(j, b):
            pltpu.async_copy(t_hbm.at[sb[j]], mb[b], semg[b])

        def wait_gather(b):
            pltpu.make_async_copy(t_hbm.at[pl.ds(0, CH)], mb[b],
                                  semg[b]).wait()

        def fill_zero(i, _):
            j = i // 8
            k = i % 8
            zbuf[j, pl.ds(k * 16, 16)] = jnp.zeros((16,), jnp.float32)
            return 0

        lax.fori_loop(0, 64 * 8, fill_zero, 0)

        def zero_slab(j, _):
            pltpu.sync_copy(zbuf, acc.at[pl.ds(s * RPT + j * 64, 64)])
            return 0

        lax.fori_loop(0, RPT // 64, zero_slab, 0)
        plsc.subcore_barrier()

        def body(g, _):
            off = ebase + g * CH
            pltpu.sync_copy(src_hbm.at[pl.ds(off, CH)], sb[0])
            pltpu.sync_copy(dst_hbm.at[pl.ds(off, CH)], db[0])
            pltpu.async_copy(t_hbm.at[sb[0]], mb[0], semg[0]).wait()
            pltpu.sync_copy(mb[0], acc.at[db[0]], add=True)
            return 0

        lax.fori_loop(0, CPT, body, 0)

        plsc.subcore_barrier()
        pltpu.sync_copy(acc.at[pl.ds(s * RPT, RPT)],
                        out_hbm.at[pl.ds(c * NP + s * RPT, RPT)])

    NBUF = 2
    NIDX = 2 * NBUF

    @functools.partial(
        pl.kernel,
        out_type=jax.ShapeDtypeStruct((NC * NP, D), jnp.float32),
        mesh=mesh,
        scratch_types=[
            pltpu.VMEM((CH,), jnp.int32),
            pltpu.VMEM((CH,), jnp.int32),
            pltpu.VMEM((CH,), jnp.int32),
            pltpu.VMEM((CH,), jnp.int32),
            pltpu.VMEM((CH,), jnp.int32),
            pltpu.VMEM((CH,), jnp.int32),
            pltpu.VMEM((CH,), jnp.int32),
            pltpu.VMEM((CH,), jnp.int32),
            pltpu.VMEM((CH, D), jnp.float32),
            pltpu.VMEM((CH, D), jnp.float32),
            pltpu.VMEM((64, D), jnp.float32),
            pltpu.VMEM_SHARED((NP, D), jnp.float32),
            pltpu.SemaphoreType.DMA,
            pltpu.SemaphoreType.DMA,
            pltpu.SemaphoreType.DMA,
            pltpu.SemaphoreType.DMA,
            pltpu.SemaphoreType.DMA,
            pltpu.SemaphoreType.DMA,
        ],
    )
    def sc_mp(t_hbm, src_hbm, dst_hbm, out_hbm, s0, s1, s2, s3,
              d0, d1, d2, d3, m0, m1, zbuf, acc,
              ei0, ei1, ei2, ei3, g0, g1):
        sb = (s0, s1, s2, s3)
        db = (d0, d1, d2, d3)
        mb = (m0, m1)
        semi = (ei0, ei1, ei2, ei3)
        semg = (g0, g1)
        c = lax.axis_index("c")
        s = lax.axis_index("s")
        ebase = pl.multiple_of((c * NS + s) * EPT, 8)

        def load_idx(ch, j):
            off = ebase + ch * CH
            pltpu.async_copy(src_hbm.at[pl.ds(off, CH)], sb[j], semi[j])
            pltpu.async_copy(dst_hbm.at[pl.ds(off, CH)], db[j], semi[j])

        def wait_idx(j):
            pltpu.make_async_copy(src_hbm.at[pl.ds(0, CH)], sb[j],
                                  semi[j]).wait()
            pltpu.make_async_copy(dst_hbm.at[pl.ds(0, CH)], db[j],
                                  semi[j]).wait()

        def start_gather(j, b):
            pltpu.async_copy(t_hbm.at[sb[j]], mb[b], semg[b])

        def wait_gather(b):
            pltpu.make_async_copy(t_hbm.at[pl.ds(0, CH)], mb[b],
                                  semg[b]).wait()

        def fill_zero(i, _):
            j = i // 8
            k = i % 8
            zbuf[j, pl.ds(k * 16, 16)] = jnp.zeros((16,), jnp.float32)
            return 0

        lax.fori_loop(0, 64 * 8, fill_zero, 0)

        def zero_slab(j, _):
            pltpu.sync_copy(zbuf, acc.at[pl.ds(s * RPT + j * 64, 64)])
            return 0

        lax.fori_loop(0, RPT // 64, zero_slab, 0)
        plsc.subcore_barrier()

        for j in range(NIDX):
            load_idx(j, j)
        for b in range(NBUF):
            wait_idx(b)
            start_gather(b, b)

        def body(g, _):
            for j in range(NIDX):
                ch = g * NIDX + j
                b = j % NBUF
                wait_gather(b)
                pltpu.sync_copy(mb[b], acc.at[db[j]], add=True)
                jn = (j + NBUF) % NIDX
                wait_idx(jn)
                start_gather(jn, b)

                @pl.when(ch + NIDX < CPT)
                def _():
                    load_idx(ch + NIDX, j)
            return 0

        lax.fori_loop(0, CPT // NIDX - 1, body, 0)
        for j in range(NIDX):
            b = j % NBUF
            wait_gather(b)
            pltpu.sync_copy(mb[b], acc.at[db[j]], add=True)
            if j < NBUF:
                wait_idx(j + NBUF)
                start_gather(j + NBUF, b)

        plsc.subcore_barrier()
        pltpu.sync_copy(acc.at[pl.ds(s * RPT, RPT)],
                        out_hbm.at[pl.ds(c * NP + s * RPT, RPT)])

    return sc_deg, sc_mp


def _dinv_from(d0, d1):
    deg = d0 + d1 + 1.0
    return lax.rsqrt(deg)[:, 0:1]


def _tc1_body(x_ref, w_ref, d0_ref, d1_ref, t1_ref):
    dinv = _dinv_from(d0_ref[...], d1_ref[...])
    h = jnp.dot(x_ref[...], w_ref[...], preferred_element_type=jnp.float32)
    t1_ref[...] = h * dinv


_tc1 = pl.pallas_call(
    _tc1_body,
    grid=(NBLK,),
    in_specs=[
        pl.BlockSpec((RB, D), lambda i: (i, 0)),
        pl.BlockSpec((D, D), lambda i: (0, 0)),
        pl.BlockSpec((RB, DW), lambda i: (i, 0)),
        pl.BlockSpec((RB, DW), lambda i: (i + NBLK, 0)),
    ],
    out_specs=pl.BlockSpec((RB, D), lambda i: (i, 0)),
    out_shape=jax.ShapeDtypeStruct((NP, D), jnp.float32),
)


def _tc2_body(a0_ref, a1_ref, t1_ref, d0_ref, d1_ref, b1_ref, w2_ref, t2_ref):
    i = pl.program_id(0)
    dinv = _dinv_from(d0_ref[...], d1_ref[...])
    ssum = a0_ref[...] + a1_ref[...] + t1_ref[...]
    z = jnp.maximum(ssum * dinv + b1_ref[...], 0.0)
    rows = i * RB + lax.broadcasted_iota(jnp.int32, (RB, 1), 0)
    z = jnp.where(rows < N, z, 0.0)
    t2_ref[...] = jnp.dot(z, w2_ref[...],
                          preferred_element_type=jnp.float32) * dinv


_tc2 = pl.pallas_call(
    _tc2_body,
    grid=(NBLK,),
    in_specs=[
        pl.BlockSpec((RB, D), lambda i: (i, 0)),
        pl.BlockSpec((RB, D), lambda i: (i + NBLK, 0)),
        pl.BlockSpec((RB, D), lambda i: (i, 0)),
        pl.BlockSpec((RB, DW), lambda i: (i, 0)),
        pl.BlockSpec((RB, DW), lambda i: (i + NBLK, 0)),
        pl.BlockSpec((1, D), lambda i: (0, 0)),
        pl.BlockSpec((D, D), lambda i: (0, 0)),
    ],
    out_specs=pl.BlockSpec((RB, D), lambda i: (i, 0)),
    out_shape=jax.ShapeDtypeStruct((NP, D), jnp.float32),
)


def _tc3_body(a0_ref, a1_ref, t2_ref, d0_ref, d1_ref, b2_ref, batch_ref,
              wfc_ref, bfc_ref, out_ref, sums, cnts):
    i = pl.program_id(0)

    @pl.when(i == 0)
    def _():
        sums[...] = jnp.zeros_like(sums)
        cnts[...] = jnp.zeros_like(cnts)

    dinv = _dinv_from(d0_ref[...], d1_ref[...])
    ssum = a0_ref[...] + a1_ref[...] + t2_ref[...]
    h = jnp.maximum(ssum * dinv + b2_ref[...], 0.0)
    bvec = batch_ref[0, 0, :]
    oh = (bvec[:, None] == lax.broadcasted_iota(jnp.int32, (RB, B), 1)
          ).astype(jnp.float32)
    dims = (((0,), (0,)), ((), ()))
    sums[...] += lax.dot_general(oh, h, dims,
                                 preferred_element_type=jnp.float32)
    cnts[...] += lax.dot_general(oh, jnp.ones((RB, D), jnp.float32), dims,
                                 preferred_element_type=jnp.float32)

    @pl.when(i == NBLK - 1)
    def _():
        pooled = sums[...] / jnp.maximum(cnts[...], 1.0)
        out_ref[...] = jnp.dot(pooled, wfc_ref[...],
                               preferred_element_type=jnp.float32) + bfc_ref[...]


_tc3 = pl.pallas_call(
    _tc3_body,
    grid=(NBLK,),
    in_specs=[
        pl.BlockSpec((RB, D), lambda i: (i, 0)),
        pl.BlockSpec((RB, D), lambda i: (i + NBLK, 0)),
        pl.BlockSpec((RB, D), lambda i: (i, 0)),
        pl.BlockSpec((RB, DW), lambda i: (i, 0)),
        pl.BlockSpec((RB, DW), lambda i: (i + NBLK, 0)),
        pl.BlockSpec((1, D), lambda i: (0, 0)),
        pl.BlockSpec((1, 1, RB), lambda i: (i, 0, 0)),
        pl.BlockSpec((D, O), lambda i: (0, 0)),
        pl.BlockSpec((1, O), lambda i: (0, 0)),
    ],
    out_specs=pl.BlockSpec((B, O), lambda i: (0, 0)),
    out_shape=jax.ShapeDtypeStruct((B, O), jnp.float32),
    scratch_shapes=[
        pltpu.VMEM((B, D), jnp.float32),
        pltpu.VMEM((B, D), jnp.float32),
    ],
)


def kernel(x, edge_index, batch, W1, b1, W2, b2, Wfc, bfc):
    src = edge_index[0]
    dst = edge_index[1]
    padi = jnp.full((EP - E,), N, jnp.int32)
    srcp = jnp.concatenate([src, padi])
    dstp = jnp.concatenate([dst, padi])
    xp = jnp.pad(x, ((0, NP - N), (0, 0)))
    batchp = jnp.concatenate(
        [batch, jnp.full((NP - N,), B, jnp.int32)]).reshape(NBLK, 1, RB)

    sc_deg, sc_mp = _sc_kernels()
    degp = sc_deg(dstp)
    t1 = _tc1(xp, W1, degp, degp)
    acc1 = sc_mp(t1, srcp, dstp)
    t2 = _tc2(acc1, acc1, t1, degp, degp,
              b1.reshape(1, D), W2)
    acc2 = sc_mp(t2, srcp, dstp)
    return _tc3(acc2, acc2, t2, degp, degp, b2.reshape(1, D), batchp,
                Wfc, bfc.reshape(1, O))

# --- scband reference (transcript-rebuilt; emitter-appended) ---
"""Pipeline reference for scband-gnn-85950885527609 (READ-ONLY COPY).

The authoritative reference and input builder live on the scoring server;
editing this copy changes nothing except your own understanding.
"""

import jax, jax.numpy as jnp
import numpy as np

N = 10000
E = 320000
D = 128
H = 128
O = 64
B = 64


def setup_inputs(seed: int = 0) -> dict:
    key = jax.random.key(seed)
    ks = jax.random.split(key, 10)
    x = jax.random.normal(ks[0], (N, D), dtype=jnp.float32)
    edge_index = jax.random.randint(ks[1], (2, E), 0, N, dtype=jnp.int32)
    batch = jnp.sort(jax.random.randint(ks[2], (N,), 0, B, dtype=jnp.int32))
    W1 = jax.random.normal(ks[3], (D, H), dtype=jnp.float32) * 0.05
    b1 = jnp.zeros((H,), dtype=jnp.float32)
    W2 = jax.random.normal(ks[4], (H, H), dtype=jnp.float32) * 0.05
    b2 = jnp.zeros((H,), dtype=jnp.float32)
    Wfc = jax.random.normal(ks[5], (H, O), dtype=jnp.float32) * 0.05
    bfc = jnp.zeros((O,), dtype=jnp.float32)
    return {"x": x, "edge_index": edge_index, "batch": batch,
            "W1": W1, "b1": b1, "W2": W2, "b2": b2, "Wfc": Wfc, "bfc": bfc}


def _gcn_conv(x, src, dst, norm, W, b, n):
    # PyG GCNConv: x' = D^{-1/2}(A+I)D^{-1/2} x W + b  (self-loops already in src/dst)
    h = x @ W
    msg = h[src] * norm[:, None]
    out = jnp.zeros((n, h.shape[1]), dtype=h.dtype).at[dst].add(msg)
    return out + b


def reference(x, edge_index, batch, W1, b1, W2, b2, Wfc, bfc):
    n = x.shape[0]
    loops = jnp.arange(n, dtype=edge_index.dtype)
    src = jnp.concatenate([edge_index[0], loops])
    dst = jnp.concatenate([edge_index[1], loops])
    deg = jnp.zeros((n,), dtype=x.dtype).at[dst].add(1.0)
    dinv = jnp.where(deg > 0, jax.lax.rsqrt(deg), 0.0)
    norm = dinv[src] * dinv[dst]
    h = jax.nn.relu(_gcn_conv(x, src, dst, norm, W1, b1, n))
    h = jax.nn.relu(_gcn_conv(h, src, dst, norm, W2, b2, n))
    # global_mean_pool over batch ids
    sums = jax.ops.segment_sum(h, batch, num_segments=B)
    cnts = jax.ops.segment_sum(jnp.ones((n,), dtype=h.dtype), batch, num_segments=B)
    pooled = sums / jnp.clip(cnts, 1.0)[:, None]
    return pooled @ Wfc + bfc

if __name__ == "__main__":
    import jax
    _d = setup_inputs()
    print(jax.jit(kernel)(*tuple(_d.values())))

</pallas_src>

<mosaic_0001>
#map = affine_map<(d0, d1) -> (0)>
#map1 = affine_map<(d0, d1) -> (0, 0)>
module attributes {stable_mosaic.version = 14 : i64} {
  func.func @sc_deg(%arg0: i32, %arg1: i32, %arg2: memref<327680xi32, #tpu.memory_space<hbm>>, %arg3: memref<20480x16xf32, #tpu.memory_space<hbm>>, %arg4: memref<10240xi32, #tpu.memory_space<vmem>>, %arg5: memref<128xi32, #tpu.memory_space<vmem>>, %arg6: memref<128x16xf32, #tpu.memory_space<vmem>>, %arg7: memref<64x16xf32, #tpu.memory_space<vmem>>, %arg8: memref<10240x16xf32, #tpu.memory_space<vmem_shared>>) attributes {dimension_semantics = [#tpu.dimension_semantics<core_parallel>, #tpu.dimension_semantics<subcore_parallel>], iteration_bounds = array<i64: 2, 16>, scalar_prefetch = 0 : i64, scratch_operands = 5 : i64, tpu.core_type = #tpu.core_type<sc_vector_subcore>, window_params = [{transform_indices = #map}, {transform_indices = #map1}]} {
    %mul3A = arith.constant 16 : i32
    %mul3A_0 = arith.muli %arg0, %mul3A : i32
    %add3A = arith.addi %mul3A_0, %arg1 : i32
    %mul3A_1 = arith.constant 10240 : i32
    %mul3A_2 = arith.muli %add3A, %mul3A_1 : i32
    %multiple_of3A = tpu.assume_multiple %mul3A_2, 8 : i32
    "tpu.region"() ({
      %run_scoped3A = tpu.sem_alloc : memref<!tpu.dma_semaphore, #tpu.memory_space<semaphore_mem>>
      %dma_start3A = tpu.memref_slice %arg2[%multiple_of3A] : memref<327680xi32, #tpu.memory_space<hbm>> -> memref<10240xi32, #tpu.memory_space<hbm>>
      %dma_start3A_38 = tpu.memref_slice %arg2[%multiple_of3A] : memref<327680xi32, #tpu.memory_space<hbm>> -> memref<10240xi32, #tpu.memory_space<hbm>>
      tpu.enqueue_dma source(%dma_start3A_38 : memref<10240xi32, #tpu.memory_space<hbm>>) target(%arg4 : memref<10240xi32, #tpu.memory_space<vmem>>) target_semaphore(%run_scoped3A : memref<!tpu.dma_semaphore, #tpu.memory_space<semaphore_mem>>)
      %dma_wait3A = tpu.memref_slice %arg2[%multiple_of3A] : memref<327680xi32, #tpu.memory_space<hbm>> -> memref<10240xi32, #tpu.memory_space<hbm>>
      %dma_wait3A_39 = tpu.memref_slice %arg2[%multiple_of3A] : memref<327680xi32, #tpu.memory_space<hbm>> -> memref<10240xi32, #tpu.memory_space<hbm>>
      tpu.wait_dma2 semaphore(%run_scoped3A : memref<!tpu.dma_semaphore, #tpu.memory_space<semaphore_mem>>) src(%dma_wait3A_39 : memref<10240xi32, #tpu.memory_space<hbm>>) dst(%arg4 : memref<10240xi32, #tpu.memory_space<vmem>>)
      tpu.yield
    }) : () -> ()
    %scan3A = arith.constant 0 : i32
    %scan3A_3 = arith.constant 0 : i32
    %scan3A_4 = arith.constant 128 : i32
    %scan3A_5 = arith.addi %scan3A_3, %scan3A_4 : i32
    %scan3A_6 = arith.constant 1 : i32
    %scan3A_7 = scf.for %scan3A_38 = %scan3A_3 to %scan3A_5 step %scan3A_6 iter_args(%scan3A_39 = %scan3A) -> (i32)  : i32 {
      %broadcast_in_dim3A = arith.constant 1.000000e+00 : f32
      %broadcast_in_dim3A_40 = vector.broadcast %broadcast_in_dim3A : f32 to vector<16xf32>
      %swap3A = arith.index_cast %scan3A_38 : i32 to index
      %swap3A_41 = arith.constant 0 : index
      %swap3A_42 = tpu.vector_load %arg6[%swap3A, %swap3A_41] {strides = array<i32>} : memref<128x16xf32, #tpu.memory_space<vmem>>, vector<1x16xf32>,
      %swap3A_43 = vector.shape_cast %swap3A_42 : vector<1x16xf32> to vector<16xf32>
      %swap3A_44 = vector.shape_cast %broadcast_in_dim3A_40 : vector<16xf32> to vector<1x16xf32>
      tpu.vector_store %arg6[%swap3A, %swap3A_41], %swap3A_44 {strides = array<i32>} : memref<128x16xf32, #tpu.memory_space<vmem>>, vector<1x16xf32>,
      %scan3A_45 = arith.constant 0 : i32
      scf.yield %scan3A_45 : i32
    }
    %scan3A_8 = arith.constant 128 : i32
    %scan3A_9 = arith.constant 0 : i32
    %scan3A_10 = arith.constant 0 : i32
    %scan3A_11 = arith.constant 64 : i32
    %scan3A_12 = arith.addi %scan3A_10, %scan3A_11 : i32
    %scan3A_13 = arith.constant 1 : i32
    %scan3A_14 = scf.for %scan3A_38 = %scan3A_10 to %scan3A_12 step %scan3A_13 iter_args(%scan3A_39 = %scan3A_9) -> (i32)  : i32 {
      %broadcast_in_dim3A = arith.constant 0.000000e+00 : f32
      %broadcast_in_dim3A_40 = vector.broadcast %broadcast_in_dim3A : f32 to vector<16xf32>
      %swap3A = arith.index_cast %scan3A_38 : i32 to index
      %swap3A_41 = arith.constant 0 : index
      %swap3A_42 = tpu.vector_load %arg7[%swap3A, %swap3A_41] {strides = array<i32>} : memref<64x16xf32, #tpu.memory_space<vmem>>, vector<1x16xf32>,
      %swap3A_43 = vector.shape_cast %swap3A_42 : vector<1x16xf32> to vector<16xf32>
      %swap3A_44 = vector.shape_cast %broadcast_in_dim3A_40 : vector<16xf32> to vector<1x16xf32>
      tpu.vector_store %arg7[%swap3A, %swap3A_41], %swap3A_44 {strides = array<i32>} : memref<64x16xf32, #tpu.memory_space<vmem>>, vector<1x16xf32>,
      %scan3A_45 = arith.constant 0 : i32
      scf.yield %scan3A_45 : i32
    }
    %scan3A_15 = arith.constant 64 : i32
    %scan3A_16 = arith.constant 0 : i32
    %scan3A_17 = arith.constant 0 : i32
    %scan3A_18 = arith.constant 10 : i32
    %scan3A_19 = arith.addi %scan3A_17, %scan3A_18 : i32
    %scan3A_20 = arith.constant 1 : i32
    %scan3A_21 = scf.for %scan3A_38 = %scan3A_17 to %scan3A_19 step %scan3A_20 iter_args(%scan3A_39 = %scan3A_16) -> (i32)  : i32 {
      %mul3A_40 = arith.constant 640 : i32
      %mul3A_41 = arith.muli %arg1, %mul3A_40 : i32
      %mul3A_42 = arith.constant 64 : i32
      %mul3A_43 = arith.muli %scan3A_38, %mul3A_42 : i32
      %add3A_44 = arith.addi %mul3A_41, %mul3A_43 : i32
      "tpu.region"() ({
        %run_scoped3A = tpu.sem_alloc : memref<!tpu.dma_semaphore, #tpu.memory_space<semaphore_mem>>
        %dma_start3A = arith.constant 0 : i32
        %dma_start3A_46 = tpu.memref_slice %arg8[%add3A_44, %dma_start3A] : memref<10240x16xf32, #tpu.memory_space<vmem_shared>> -> memref<64x16xf32, #tpu.memory_space<vmem_shared>>
        %dma_start3A_47 = arith.constant 0 : i32
        %dma_start3A_48 = tpu.memref_slice %arg8[%add3A_44, %dma_start3A_47] : memref<10240x16xf32, #tpu.memory_space<vmem_shared>> -> memref<64x16xf32, #tpu.memory_space<vmem_shared>>
        tpu.enqueue_dma source(%arg7 : memref<64x16xf32, #tpu.memory_space<vmem>>) target(%dma_start3A_48 : memref<64x16xf32, #tpu.memory_space<vmem_shared>>) target_semaphore(%run_scoped3A : memref<!tpu.dma_semaphore, #tpu.memory_space<semaphore_mem>>)
        %dma_wait3A = arith.constant 0 : i32
        %dma_wait3A_49 = tpu.memref_slice %arg8[%add3A_44, %dma_wait3A] : memref<10240x16xf32, #tpu.memory_space<vmem_shared>> -> memref<64x16xf32, #tpu.memory_space<vmem_shared>>
        %dma_wait3A_50 = arith.constant 0 : i32
        %dma_wait3A_51 = tpu.memref_slice %arg8[%add3A_44, %dma_wait3A_50] : memref<10240x16xf32, #tpu.memory_space<vmem_shared>> -> memref<64x16xf32, #tpu.memory_space<vmem_shared>>
        tpu.wait_dma2 semaphore(%run_scoped3A : memref<!tpu.dma_semaphore, #tpu.memory_space<semaphore_mem>>) src(%arg7 : memref<64x16xf32, #tpu.memory_space<vmem>>) dst(%dma_wait3A_51 : memref<64x16xf32, #tpu.memory_space<vmem_shared>>)
        tpu.yield
      }) : () -> ()
      %scan3A_45 = arith.constant 0 : i32
      scf.yield %scan3A_45 : i32
    }
    %scan3A_22 = arith.constant 10 : i32
    %barrier3A = arith.constant 0 : index
    tpu.barrier barrier_id(%barrier3A)
    %scan3A_23 = arith.constant 0 : i32
    %scan3A_24 = arith.constant 0 : i32
    %scan3A_25 = arith.constant 80 : i32
    %scan3A_26 = arith.addi %scan3A_24, %scan3A_25 : i32
    %scan3A_27 = arith.constant 1 : i32
    %scan3A_28 = scf.for %scan3A_38 = %scan3A_24 to %scan3A_26 step %scan3A_27 iter_args(%scan3A_39 = %scan3A_23) -> (i32)  : i32 {
      %mul3A_40 = arith.constant 128 : i32
      %mul3A_41 = arith.muli %scan3A_38, %mul3A_40 : i32
      %add3A_42 = arith.constant 0 : i32
      %add3A_43 = arith.addi %mul3A_41, %add3A_42 : i32
      %get3A = arith.index_cast %add3A_43 : i32 to index
      %get3A_44 = tpu.vector_load %arg4[%get3A] {strides = array<i32>} : memref<10240xi32, #tpu.memory_space<vmem>>, vector<16xi32>,
      %get3A_45 = vector.shape_cast %get3A_44 : vector<16xi32> to vector<16xi32>
      %swap3A = arith.constant 0 : index
      %swap3A_46 = tpu.vector_load %arg5[%swap3A] {strides = array<i32>} : memref<128xi32, #tpu.memory_space<vmem>>, vector<16xi32>,
      %swap3A_47 = vector.shape_cast %swap3A_46 : vector<16xi32> to vector<16xi32>
      %swap3A_48 = vector.shape_cast %get3A_45 : vector<16xi32> to vector<16xi32>
      tpu.vector_store %arg5[%swap3A], %swap3A_48 {strides = array<i32>} : memref<128xi32, #tpu.memory_space<vmem>>, vector<16xi32>,
      %mul3A_49 = arith.constant 128 : i32
      %mul3A_50 = arith.muli %scan3A_38, %mul3A_49 : i32
      %add3A_51 = arith.constant 16 : i32
      %add3A_52 = arith.addi %mul3A_50, %add3A_51 : i32
      %get3A_53 = arith.index_cast %add3A_52 : i32 to index
      %get3A_54 = tpu.vector_load %arg4[%get3A_53] {strides = array<i32>} : memref<10240xi32, #tpu.memory_space<vmem>>, vector<16xi32>,
      %get3A_55 = vector.shape_cast %get3A_54 : vector<16xi32> to vector<16xi32>
      %swap3A_56 = arith.constant 16 : index
      %swap3A_57 = tpu.vector_load %arg5[%swap3A_56] {strides = array<i32>} : memref<128xi32, #tpu.memory_space<vmem>>, vector<16xi32>,
      %swap3A_58 = vector.shape_cast %swap3A_57 : vector<16xi32> to vector<16xi32>
      %swap3A_59 = vector.shape_cast %get3A_55 : vector<16xi32> to vector<16xi32>
      tpu.vector_store %arg5[%swap3A_56], %swap3A_59 {strides = array<i32>} : memref<128xi32, #tpu.memory_space<vmem>>, vector<16xi32>,
      %mul3A_60 = arith.constant 128 : i32
      %mul3A_61 = arith.muli %scan3A_38, %mul3A_60 : i32
      %add3A_62 = arith.constant 32 : i32
      %add3A_63 = arith.addi %mul3A_61, %add3A_62 : i32
      %get3A_64 = arith.index_cast %add3A_63 : i32 to index
      %get3A_65 = tpu.vector_load %arg4[%get3A_64] {strides = array<i32>} : memref<10240xi32, #tpu.memory_space<vmem>>, vector<16xi32>,
      %get3A_66 = vector.shape_cast %get3A_65 : vector<16xi32> to vector<16xi32>
      %swap3A_67 = arith.constant 32 : index
      %swap3A_68 = tpu.vector_load %arg5[%swap3A_67] {strides = array<i32>} : memref<128xi32, #tpu.memory_space<vmem>>, vector<16xi32>,
      %swap3A_69 = vector.shape_cast %swap3A_68 : vector<16xi32> to vector<16xi32>
      %swap3A_70 = vector.shape_cast %get3A_66 : vector<16xi32> to vector<16xi32>
      tpu.vector_store %arg5[%swap3A_67], %swap3A_70 {strides = array<i32>} : memref<128xi32, #tpu.memory_space<vmem>>, vector<16xi32>,
      %mul3A_71 = arith.constant 128 : i32
      %mul3A_72 = arith.muli %scan3A_38, %mul3A_71 : i32
      %add3A_73 = arith.constant 48 : i32
      %add3A_74 = arith.addi %mul3A_72, %add3A_73 : i32
      %get3A_75 = arith.index_cast %add3A_74 : i32 to index
      %get3A_76 = tpu.vector_load %arg4[%get3A_75] {strides = array<i32>} : memref<10240xi32, #tpu.memory_space<vmem>>, vector<16xi32>,
      %get3A_77 = vector.shape_cast %get3A_76 : vector<16xi32> to vector<16xi32>
      %swap3A_78 = arith.constant 48 : index
      %swap3A_79 = tpu.vector_load %arg5[%swap3A_78] {strides = array<i32>} : memref<128xi32, #tpu.memory_space<vmem>>, vector<16xi32>,
      %swap3A_80 = vector.shape_cast %swap3A_79 : vector<16xi32> to vector<16xi32>
      %swap3A_81 = vector.shape_cast %get3A_77 : vector<16xi32> to vector<16xi32>
      tpu.vector_store %arg5[%swap3A_78], %swap3A_81 {strides = array<i32>} : memref<128xi32, #tpu.memory_space<vmem>>, vector<16xi32>,
      %mul3A_82 = arith.constant 128 : i32
      %mul3A_83 = arith.muli %scan3A_38, %mul3A_82 : i32
      %add3A_84 = arith.constant 64 : i32
      %add3A_85 = arith.addi %mul3A_83, %add3A_84 : i32
      %get3A_86 = arith.index_cast %add3A_85 : i32 to index
      %get3A_87 = tpu.vector_load %arg4[%get3A_86] {strides = array<i32>} : memref<10240xi32, #tpu.memory_space<vmem>>, vector<16xi32>,
      %get3A_88 = vector.shape_cast %get3A_87 : vector<16xi32> to vector<16xi32>
      %swap3A_89 = arith.constant 64 : index
      %swap3A_90 = tpu.vector_load %arg5[%swap3A_89] {strides = array<i32>} : memref<128xi32, #tpu.memory_space<vmem>>, vector<16xi32>,
      %swap3A_91 = vector.shape_cast %swap3A_90 : vector<16xi32> to vector<16xi32>
      %swap3A_92 = vector.shape_cast %get3A_88 : vector<16xi32> to vector<16xi32>
      tpu.vector_store %arg5[%swap3A_89], %swap3A_92 {strides = array<i32>} : memref<128xi32, #tpu.memory_space<vmem>>, vector<16xi32>,
      %mul3A_93 = arith.constant 128 : i32
      %mul3A_94 = arith.muli %scan3A_38, %mul3A_93 : i32
      %add3A_95 = arith.constant 80 : i32
      %add3A_96 = arith.addi %mul3A_94, %add3A_95 : i32
      %get3A_97 = arith.index_cast %add3A_96 : i32 to index
      %get3A_98 = tpu.vector_load %arg4[%get3A_97] {strides = array<i32>} : memref<10240xi32, #tpu.memory_space<vmem>>, vector<16xi32>,
      %get3A_99 = vector.shape_cast %get3A_98 : vector<16xi32> to vector<16xi32>
      %swap3A_100 = arith.constant 80 : index
      %swap3A_101 = tpu.vector_load %arg5[%swap3A_100] {strides = array<i32>} : memref<128xi32, #tpu.memory_space<vmem>>, vector<16xi32>,
      %swap3A_102 = vector.shape_cast %swap3A_101 : vector<16xi32> to vector<16xi32>
      %swap3A_103 = vector.shape_cast %get3A_99 : vector<16xi32> to vector<16xi32>
      tpu.vector_store %arg5[%swap3A_100], %swap3A_103 {strides = array<i32>} : memref<128xi32, #tpu.memory_space<vmem>>, vector<16xi32>,
      %mul3A_104 = arith.constant 128 : i32
      %mul3A_105 = arith.muli %scan3A_38, %mul3A_104 : i32
      %add3A_106 = arith.constant 96 : i32
      %add3A_107 = arith.addi %mul3A_105, %add3A_106 : i32
      %get3A_108 = arith.index_cast %add3A_107 : i32 to index
      %get3A_109 = tpu.vector_load %arg4[%get3A_108] {strides = array<i32>} : memref<10240xi32, #tpu.memory_space<vmem>>, vector<16xi32>,
      %get3A_110 = vector.shape_cast %get3A_109 : vector<16xi32> to vector<16xi32>
      %swap3A_111 = arith.constant 96 : index
      %swap3A_112 = tpu.vector_load %arg5[%swap3A_111] {strides = array<i32>} : memref<128xi32, #tpu.memory_space<vmem>>, vector<16xi32>,
      %swap3A_113 = vector.shape_cast %swap3A_112 : vector<16xi32> to vector<16xi32>
      %swap3A_114 = vector.shape_cast %get3A_110 : vector<16xi32> to vector<16xi32>
      tpu.vector_store %arg5[%swap3A_111], %swap3A_114 {strides = array<i32>} : memref<128xi32, #tpu.memory_space<vmem>>, vector<16xi32>,
      %mul3A_115 = arith.constant 128 : i32
      %mul3A_116 = arith.muli %scan3A_38, %mul3A_115 : i32
      %add3A_117 = arith.constant 112 : i32
      %add3A_118 = arith.addi %mul3A_116, %add3A_117 : i32
      %get3A_119 = arith.index_cast %add3A_118 : i32 to index
      %get3A_120 = tpu.vector_load %arg4[%get3A_119] {strides = array<i32>} : memref<10240xi32, #tpu.memory_space<vmem>>, vector<16xi32>,
      %get3A_121 = vector.shape_cast %get3A_120 : vector<16xi32> to vector<16xi32>
      %swap3A_122 = arith.constant 112 : index
      %swap3A_123 = tpu.vector_load %arg5[%swap3A_122] {strides = array<i32>} : memref<128xi32, #tpu.memory_space<vmem>>, vector<16xi32>,
      %swap3A_124 = vector.shape_cast %swap3A_123 : vector<16xi32> to vector<16xi32>
      %swap3A_125 = vector.shape_cast %get3A_121 : vector<16xi32> to vector<16xi32>
      tpu.vector_store %arg5[%swap3A_122], %swap3A_125 {strides = array<i32>} : memref<128xi32, #tpu.memory_space<vmem>>, vector<16xi32>,
      "tpu.region"() ({
        %run_scoped3A = tpu.sem_alloc : memref<!tpu.dma_semaphore, #tpu.memory_space<semaphore_mem>>
        %dma_start3A = arith.constant 0 : i32
        %dma_start3A_127 = arith.constant 0 : i32
        %dma_start3A_128 = tpu.memref_slice %arg8[%dma_start3A, %dma_start3A_127] : memref<10240x16xf32, #tpu.memory_space<vmem_shared>> -> memref<10240x16xf32, #tpu.memory_space<vmem_shared>>
        tpu.enqueue_indirect_dma source(%arg6 : memref<128x16xf32, #tpu.memory_space<vmem>>) target(%dma_start3A_128 : memref<10240x16xf32, #tpu.memory_space<vmem_shared>>) offsets(%arg5 : memref<128xi32, #tpu.memory_space<vmem>>) semaphore(%run_scoped3A : memref<!tpu.dma_semaphore, #tpu.memory_space<semaphore_mem>>) {add = true}
        %dma_wait3A = arith.constant 0 : i32
        %dma_wait3A_129 = arith.constant 0 : i32
        %dma_wait3A_130 = tpu.memref_slice %arg8[%dma_wait3A, %dma_wait3A_129] : memref<10240x16xf32, #tpu.memory_space<vmem_shared>> -> memref<10240x16xf32, #tpu.memory_space<vmem_shared>>
        tpu.wait_indirect_dma semaphore(%run_scoped3A : memref<!tpu.dma_semaphore, #tpu.memory_space<semaphore_mem>>) src(%arg6 : memref<128x16xf32, #tpu.memory_space<vmem>>) dst(%dma_wait3A_130 : memref<10240x16xf32, #tpu.memory_space<vmem_shared>>)
        tpu.yield
      }) : () -> ()
      %scan3A_126 = arith.constant 0 : i32
      scf.yield %scan3A_126 : i32
    }
    %scan3A_29 = arith.constant 80 : i32
    %barrier3A_30 = arith.constant 0 : index
    tpu.barrier barrier_id(%barrier3A_30)
    %mul3A_31 = arith.constant 640 : i32
    %mul3A_32 = arith.muli %arg1, %mul3A_31 : i32
    %mul3A_33 = arith.constant 10240 : i32
    %mul3A_34 = arith.muli %arg0, %mul3A_33 : i32
    %mul3A_35 = arith.constant 640 : i32
    %mul3A_36 = arith.muli %arg1, %mul3A_35 : i32
    %add3A_37 = arith.addi %mul3A_34, %mul3A_36 : i32
    "tpu.region"() ({
      %run_scoped3A = tpu.sem_alloc : memref<!tpu.dma_semaphore, #tpu.memory_space<semaphore_mem>>
      %dma_start3A = arith.constant 0 : i32
      %dma_start3A_38 = tpu.memref_slice %arg3[%add3A_37, %dma_start3A] : memref<20480x16xf32, #tpu.memory_space<hbm>> -> memref<640x16xf32, #tpu.memory_space<hbm>>
      %dma_start3A_39 = arith.constant 0 : i32
      %dma_start3A_40 = tpu.memref_slice %arg8[%mul3A_32, %dma_start3A_39] : memref<10240x16xf32, #tpu.memory_space<vmem_shared>> -> memref<640x16xf32, #tpu.memory_space<vmem_shared>>
      tpu.enqueue_dma source(%dma_start3A_40 : memref<640x16xf32, #tpu.memory_space<vmem_shared>>) target(%dma_start3A_38 : memref<640x16xf32, #tpu.memory_space<hbm>>) target_semaphore(%run_scoped3A : memref<!tpu.dma_semaphore, #tpu.memory_space<semaphore_mem>>)
      %dma_wait3A = arith.constant 0 : i32
      %dma_wait3A_41 = tpu.memref_slice %arg3[%add3A_37, %dma_wait3A] : memref<20480x16xf32, #tpu.memory_space<hbm>> -> memref<640x16xf32, #tpu.memory_space<hbm>>
      %dma_wait3A_42 = arith.constant 0 : i32
      %dma_wait3A_43 = tpu.memref_slice %arg8[%mul3A_32, %dma_wait3A_42] : memref<10240x16xf32, #tpu.memory_space<vmem_shared>> -> memref<640x16xf32, #tpu.memory_space<vmem_shared>>
      tpu.wait_dma2 semaphore(%run_scoped3A : memref<!tpu.dma_semaphore, #tpu.memory_space<semaphore_mem>>) src(%dma_wait3A_43 : memref<640x16xf32, #tpu.memory_space<vmem_shared>>) dst(%dma_wait3A_41 : memref<640x16xf32, #tpu.memory_space<hbm>>)
      tpu.yield
    }) : () -> ()
    return
  }
}

#map = affine_map<(d0, d1) -> (0, 0)>
#map1 = affine_map<(d0, d1) -> (0)>
module attributes {stable_mosaic.version = 14 : i64} {
  func.func @sc_mp(%arg0: i32, %arg1: i32, %arg2: memref<10240x128xf32, #tpu.memory_space<hbm>>, %arg3: memref<327680xi32, #tpu.memory_space<hbm>>, %arg4: memref<327680xi32, #tpu.memory_space<hbm>>, %arg5: memref<20480x128xf32, #tpu.memory_space<hbm>>, %arg6: memref<128xi32, #tpu.memory_space<vmem>>, %arg7: memref<128xi32, #tpu.memory_space<vmem>>, %arg8: memref<128xi32, #tpu.memory_space<vmem>>, %arg9: memref<128xi32, #tpu.memory_space<vmem>>, %arg10: memref<128xi32, #tpu.memory_space<vmem>>, %arg11: memref<128xi32, #tpu.memory_space<vmem>>, %arg12: memref<128xi32, #tpu.memory_space<vmem>>, %arg13: memref<128xi32, #tpu.memory_space<vmem>>, %arg14: memref<128x128xf32, #tpu.memory_space<vmem>>, %arg15: memref<128x128xf32, #tpu.memory_space<vmem>>, %arg16: memref<64x128xf32, #tpu.memory_space<vmem>>, %arg17: memref<10240x128xf32, #tpu.memory_space<vmem_shared>>, %arg18: memref<!tpu.dma_semaphore, #tpu.memory_space<semaphore_mem>>, %arg19: memref<!tpu.dma_semaphore, #tpu.memory_space<semaphore_mem>>, %arg20: memref<!tpu.dma_semaphore, #tpu.memory_space<semaphore_mem>>, %arg21: memref<!tpu.dma_semaphore, #tpu.memory_space<semaphore_mem>>, %arg22: memref<!tpu.dma_semaphore, #tpu.memory_space<semaphore_mem>>, %arg23: memref<!tpu.dma_semaphore, #tpu.memory_space<semaphore_mem>>) attributes {dimension_semantics = [#tpu.dimension_semantics<core_parallel>, #tpu.dimension_semantics<subcore_parallel>], iteration_bounds = array<i64: 2, 16>, scalar_prefetch = 0 : i64, scratch_operands = 18 : i64, tpu.core_type = #tpu.core_type<sc_vector_subcore>, window_params = [{transform_indices = #map}, {transform_indices = #map1}, {transform_indices = #map1}, {transform_indices = #map}]} {
    %mul3A = arith.constant 16 : i32
    %mul3A_0 = arith.muli %arg0, %mul3A : i32
    %add3A = arith.addi %mul3A_0, %arg1 : i32
    %mul3A_1 = arith.constant 10240 : i32
    %mul3A_2 = arith.muli %add3A, %mul3A_1 : i32
    %multiple_of3A = tpu.assume_multiple %mul3A_2, 8 : i32
    %scan3A = arith.constant 0 : i32
    %scan3A_3 = arith.constant 0 : i32
    %scan3A_4 = arith.constant 512 : i32
    %scan3A_5 = arith.addi %scan3A_3, %scan3A_4 : i32
    %scan3A_6 = arith.constant 1 : i32
    %scan3A_7 = scf.for %scan3A_121 = %scan3A_3 to %scan3A_5 step %scan3A_6 iter_args(%scan3A_122 = %scan3A) -> (i32)  : i32 {
      %jit3A = arith.constant 8 : i32
      %div3A = arith.divsi %scan3A_121, %jit3A : i32
      %sign3A = arith.constant 0 : i32
      %sign3A_123 = arith.cmpi sgt, %scan3A_121, %sign3A : i32
      %sign3A_124 = arith.extui %sign3A_123 : i1 to i32
      %sign3A_125 = arith.constant 0 : i32
      %sign3A_126 = arith.cmpi slt, %scan3A_121, %sign3A_125 : i32
      %sign3A_127 = arith.extui %sign3A_126 : i1 to i32
      %sign3A_128 = arith.subi %sign3A_124, %sign3A_127 : i32
      %sign3A_129 = arith.constant 0 : i32
      %sign3A_130 = arith.cmpi sgt, %jit3A, %sign3A_129 : i32
      %sign3A_131 = arith.extui %sign3A_130 : i1 to i32
      %sign3A_132 = arith.constant 0 : i32
      %sign3A_133 = arith.cmpi slt, %jit3A, %sign3A_132 : i32
      %sign3A_134 = arith.extui %sign3A_133 : i1 to i32
      %sign3A_135 = arith.subi %sign3A_131, %sign3A_134 : i32
      %ne3A = arith.cmpi ne, %sign3A_128, %sign3A_135 : i32
      %rem3A = arith.remsi %scan3A_121, %jit3A : i32
      %ne3A_136 = arith.constant 0 : i32
      %ne3A_137 = arith.cmpi ne, %rem3A, %ne3A_136 : i32
      %and3A = arith.andi %ne3A, %ne3A_137 : i1
      %sub3A = arith.constant 1 : i32
      %sub3A_138 = arith.subi %div3A, %sub3A : i32
      %select_n3A = arith.select %and3A, %sub3A_138, %div3A : i32
      %jit3A_139 = arith.constant 8 : i32
      %eq3A = arith.constant 0 : i32
      %eq3A_140 = arith.cmpi eq, %jit3A_139, %eq3A : i32
      %jit3A_141 = arith.constant 1 : i32
      %select_n3A_142 = arith.select %eq3A_140, %jit3A_141, %jit3A_139 : i32
      %rem3A_143 = arith.remsi %scan3A_121, %select_n3A_142 : i32
      %ne3A_144 = arith.constant 0 : i32
      %ne3A_145 = arith.cmpi ne, %rem3A_143, %ne3A_144 : i32
      %lt3A = arith.constant 0 : i32
      %lt3A_146 = arith.cmpi slt, %rem3A_143, %lt3A : i32
      %lt3A_147 = arith.constant 0 : i32
      %lt3A_148 = arith.cmpi slt, %select_n3A_142, %lt3A_147 : i32
      %ne3A_149 = arith.xori %lt3A_146, %lt3A_148 : i1
      %and3A_150 = arith.andi %ne3A_149, %ne3A_145 : i1
      %add3A_151 = arith.addi %rem3A_143, %select_n3A_142 : i32
      %select_n3A_152 = arith.select %and3A_150, %add3A_151, %rem3A_143 : i32
      %broadcast_in_dim3A = arith.constant 0.000000e+00 : f32
      %broadcast_in_dim3A_153 = vector.broadcast %broadcast_in_dim3A : f32 to vector<16xf32>
      %mul3A_154 = arith.constant 16 : i32
      %mul3A_155 = arith.muli %select_n3A_152, %mul3A_154 : i32
      %swap3A = arith.index_cast %select_n3A : i32 to index
      %swap3A_156 = arith.index_cast %mul3A_155 : i32 to index
      %swap3A_157 = tpu.vector_load %arg16[%swap3A, %swap3A_156] {strides = array<i32>} : memref<64x128xf32, #tpu.memory_space<vmem>>, vector<1x16xf32>,
      %swap3A_158 = vector.shape_cast %swap3A_157 : vector<1x16xf32> to vector<16xf32>
      %swap3A_159 = vector.shape_cast %broadcast_in_dim3A_153 : vector<16xf32> to vector<1x16xf32>
      tpu.vector_store %arg16[%swap3A, %swap3A_156], %swap3A_159 {strides = array<i32>} : memref<64x128xf32, #tpu.memory_space<vmem>>, vector<1x16xf32>,
      %scan3A_160 = arith.constant 0 : i32
      scf.yield %scan3A_160 : i32
    }
    %scan3A_8 = arith.constant 512 : i32
    %scan3A_9 = arith.constant 0 : i32
    %scan3A_10 = arith.constant 0 : i32
    %scan3A_11 = arith.constant 10 : i32
    %scan3A_12 = arith.addi %scan3A_10, %scan3A_11 : i32
    %scan3A_13 = arith.constant 1 : i32
    %scan3A_14 = scf.for %scan3A_121 = %scan3A_10 to %scan3A_12 step %scan3A_13 iter_args(%scan3A_122 = %scan3A_9) -> (i32)  : i32 {
      %mul3A_123 = arith.constant 640 : i32
      %mul3A_124 = arith.muli %arg1, %mul3A_123 : i32
      %mul3A_125 = arith.constant 64 : i32
      %mul3A_126 = arith.muli %scan3A_121, %mul3A_125 : i32
      %add3A_127 = arith.addi %mul3A_124, %mul3A_126 : i32
      "tpu.region"() ({
        %run_scoped3A = tpu.sem_alloc : memref<!tpu.dma_semaphore, #tpu.memory_space<semaphore_mem>>
        %dma_start3A_129 = arith.constant 0 : i32
        %dma_start3A_130 = tpu.memref_slice %arg17[%add3A_127, %dma_start3A_129] : memref<10240x128xf32, #tpu.memory_space<vmem_shared>> -> memref<64x128xf32, #tpu.memory_space<vmem_shared>>
        %dma_start3A_131 = arith.constant 0 : i32
        %dma_start3A_132 = tpu.memref_slice %arg17[%add3A_127, %dma_start3A_131] : memref<10240x128xf32, #tpu.memory_space<vmem_shared>> -> memref<64x128xf32, #tpu.memory_space<vmem_shared>>
        tpu.enqueue_dma source(%arg16 : memref<64x128xf32, #tpu.memory_space<vmem>>) target(%dma_start3A_132 : memref<64x128xf32, #tpu.memory_space<vmem_shared>>) target_semaphore(%run_scoped3A : memref<!tpu.dma_semaphore, #tpu.memory_space<semaphore_mem>>)
        %dma_wait3A_133 = arith.constant 0 : i32
        %dma_wait3A_134 = tpu.memref_slice %arg17[%add3A_127, %dma_wait3A_133] : memref<10240x128xf32, #tpu.memory_space<vmem_shared>> -> memref<64x128xf32, #tpu.memory_space<vmem_shared>>
        %dma_wait3A_135 = arith.constant 0 : i32
        %dma_wait3A_136 = tpu.memref_slice %arg17[%add3A_127, %dma_wait3A_135] : memref<10240x128xf32, #tpu.memory_space<vmem_shared>> -> memref<64x128xf32, #tpu.memory_space<vmem_shared>>
        tpu.wait_dma2 semaphore(%run_scoped3A : memref<!tpu.dma_semaphore, #tpu.memory_space<semaphore_mem>>) src(%arg16 : memref<64x128xf32, #tpu.memory_space<vmem>>) dst(%dma_wait3A_136 : memref<64x128xf32, #tpu.memory_space<vmem_shared>>)
        tpu.yield
      }) : () -> ()
      %scan3A_128 = arith.constant 0 : i32
      scf.yield %scan3A_128 : i32
    }
    %scan3A_15 = arith.constant 10 : i32
    %barrier3A = arith.constant 0 : index
    tpu.barrier barrier_id(%barrier3A)
    %add3A_16 = arith.constant 0 : i32
    %add3A_17 = arith.addi %multiple_of3A, %add3A_16 : i32
    %dma_start3A = tpu.memref_slice %arg3[%add3A_17] : memref<327680xi32, #tpu.memory_space<hbm>> -> memref<128xi32, #tpu.memory_space<hbm>>
    %dma_start3A_18 = tpu.memref_slice %arg3[%add3A_17] : memref<327680xi32, #tpu.memory_space<hbm>> -> memref<128xi32, #tpu.memory_space<hbm>>
    tpu.enqueue_dma source(%dma_start3A_18 : memref<128xi32, #tpu.memory_space<hbm>>) target(%arg6 : memref<128xi32, #tpu.memory_space<vmem>>) target_semaphore(%arg18 : memref<!tpu.dma_semaphore, #tpu.memory_space<semaphore_mem>>)
    %dma_start3A_19 = tpu.memref_slice %arg4[%add3A_17] : memref<327680xi32, #tpu.memory_space<hbm>> -> memref<128xi32, #tpu.memory_space<hbm>>
    %dma_start3A_20 = tpu.memref_slice %arg4[%add3A_17] : memref<327680xi32, #tpu.memory_space<hbm>> -> memref<128xi32, #tpu.memory_space<hbm>>
    tpu.enqueue_dma source(%dma_start3A_20 : memref<128xi32, #tpu.memory_space<hbm>>) target(%arg10 : memref<128xi32, #tpu.memory_space<vmem>>) target_semaphore(%arg18 : memref<!tpu.dma_semaphore, #tpu.memory_space<semaphore_mem>>)
    %add3A_21 = arith.constant 128 : i32
    %add3A_22 = arith.addi %multiple_of3A, %add3A_21 : i32
    %dma_start3A_23 = tpu.memref_slice %arg3[%add3A_22] : memref<327680xi32, #tpu.memory_space<hbm>> -> memref<128xi32, #tpu.memory_space<hbm>>
    %dma_start3A_24 = tpu.memref_slice %arg3[%add3A_22] : memref<327680xi32, #tpu.memory_space<hbm>> -> memref<128xi32, #tpu.memory_space<hbm>>
    tpu.enqueue_dma source(%dma_start3A_24 : memref<128xi32, #tpu.memory_space<hbm>>) target(%arg7 : memref<128xi32, #tpu.memory_space<vmem>>) target_semaphore(%arg19 : memref<!tpu.dma_semaphore, #tpu.memory_space<semaphore_mem>>)
    %dma_start3A_25 = tpu.memref_slice %arg4[%add3A_22] : memref<327680xi32, #tpu.memory_space<hbm>> -> memref<128xi32, #tpu.memory_space<hbm>>
    %dma_start3A_26 = tpu.memref_slice %arg4[%add3A_22] : memref<327680xi32, #tpu.memory_space<hbm>> -> memref<128xi32, #tpu.memory_space<hbm>>
    tpu.enqueue_dma source(%dma_start3A_26 : memref<128xi32, #tpu.memory_space<hbm>>) target(%arg11 : memref<128xi32, #tpu.memory_space<vmem>>) target_semaphore(%arg19 : memref<!tpu.dma_semaphore, #tpu.memory_space<semaphore_mem>>)
    %add3A_27 = arith.constant 256 : i32
    %add3A_28 = arith.addi %multiple_of3A, %add3A_27 : i32
    %dma_start3A_29 = tpu.memref_slice %arg3[%add3A_28] : memref<327680xi32, #tpu.memory_space<hbm>> -> memref<128xi32, #tpu.memory_space<hbm>>
    %dma_start3A_30 = tpu.memref_slice %arg3[%add3A_28] : memref<327680xi32, #tpu.memory_space<hbm>> -> memref<128xi32, #tpu.memory_space<hbm>>
    tpu.enqueue_dma source(%dma_start3A_30 : memref<128xi32, #tpu.memory_space<hbm>>) target(%arg8 : memref<128xi32, #tpu.memory_space<vmem>>) target_semaphore(%arg20 : memref<!tpu.dma_semaphore, #tpu.memory_space<semaphore_mem>>)
    %dma_start3A_31 = tpu.memref_slice %arg4[%add3A_28] : memref<327680xi32, #tpu.memory_space<hbm>> -> memref<128xi32, #tpu.memory_space<hbm>>
    %dma_start3A_32 = tpu.memref_slice %arg4[%add3A_28] : memref<327680xi32, #tpu.memory_space<hbm>> -> memref<128xi32, #tpu.memory_space<hbm>>
    tpu.enqueue_dma source(%dma_start3A_32 : memref<128xi32, #tpu.memory_space<hbm>>) target(%arg12 : memref<128xi32, #tpu.memory_space<vmem>>) target_semaphore(%arg20 : memref<!tpu.dma_semaphore, #tpu.memory_space<semaphore_mem>>)
    %add3A_33 = arith.constant 384 : i32
    %add3A_34 = arith.addi %multiple_of3A, %add3A_33 : i32
    %dma_start3A_35 = tpu.memref_slice %arg3[%add3A_34] : memref<327680xi32, #tpu.memory_space<hbm>> -> memref<128xi32, #tpu.memory_space<hbm>>
    %dma_start3A_36 = tpu.memref_slice %arg3[%add3A_34] : memref<327680xi32, #tpu.memory_space<hbm>> -> memref<128xi32, #tpu.memory_space<hbm>>
    tpu.enqueue_dma source(%dma_start3A_36 : memref<128xi32, #tpu.memory_space<hbm>>) target(%arg9 : memref<128xi32, #tpu.memory_space<vmem>>) target_semaphore(%arg21 : memref<!tpu.dma_semaphore, #tpu.memory_space<semaphore_mem>>)
    %dma_start3A_37 = tpu.memref_slice %arg4[%add3A_34] : memref<327680xi32, #tpu.memory_space<hbm>> -> memref<128xi32, #tpu.memory_space<hbm>>
    %dma_start3A_38 = tpu.memref_slice %arg4[%add3A_34] : memref<327680xi32, #tpu.memory_space<hbm>> -> memref<128xi32, #tpu.memory_space<hbm>>
    tpu.enqueue_dma source(%dma_start3A_38 : memref<128xi32, #tpu.memory_space<hbm>>) target(%arg13 : memref<128xi32, #tpu.memory_space<vmem>>) target_semaphore(%arg21 : memref<!tpu.dma_semaphore, #tpu.memory_space<semaphore_mem>>)
    %dma_wait3A = arith.constant 0 : i32
    %dma_wait3A_39 = tpu.memref_slice %arg3[%dma_wait3A] : memref<327680xi32, #tpu.memory_space<hbm>> -> memref<128xi32, #tpu.memory_space<hbm>>
    %dma_wait3A_40 = arith.constant 0 : i32
    %dma_wait3A_41 = tpu.memref_slice %arg3[%dma_wait3A_40] : memref<327680xi32, #tpu.memory_space<hbm>> -> memref<128xi32, #tpu.memory_space<hbm>>
    tpu.wait_dma2 semaphore(%arg18 : memref<!tpu.dma_semaphore, #tpu.memory_space<semaphore_mem>>) src(%dma_wait3A_41 : memref<128xi32, #tpu.memory_space<hbm>>) dst(%arg6 : memref<128xi32, #tpu.memory_space<vmem>>)
    %dma_wait3A_42 = arith.constant 0 : i32
    %dma_wait3A_43 = tpu.memref_slice %arg4[%dma_wait3A_42] : memref<327680xi32, #tpu.memory_space<hbm>> -> memref<128xi32, #tpu.memory_space<hbm>>
    %dma_wait3A_44 = arith.constant 0 : i32
    %dma_wait3A_45 = tpu.memref_slice %arg4[%dma_wait3A_44] : memref<327680xi32, #tpu.memory_space<hbm>> -> memref<128xi32, #tpu.memory_space<hbm>>
    tpu.wait_dma2 semaphore(%arg18 : memref<!tpu.dma_semaphore, #tpu.memory_space<semaphore_mem>>) src(%dma_wait3A_45 : memref<128xi32, #tpu.memory_space<hbm>>) dst(%arg10 : memref<128xi32, #tpu.memory_space<vmem>>)
    %dma_start3A_46 = arith.constant 0 : i32
    %dma_start3A_47 = arith.constant 0 : i32
    %dma_start3A_48 = tpu.memref_slice %arg2[%dma_start3A_46, %dma_start3A_47] : memref<10240x128xf32, #tpu.memory_space<hbm>> -> memref<10240x128xf32, #tpu.memory_space<hbm>>
    tpu.enqueue_indirect_dma source(%dma_start3A_48 : memref<10240x128xf32, #tpu.memory_space<hbm>>) target(%arg14 : memref<128x128xf32, #tpu.memory_space<vmem>>) offsets(%arg6 : memref<128xi32, #tpu.memory_space<vmem>>) semaphore(%arg22 : memref<!tpu.dma_semaphore, #tpu.memory_space<semaphore_mem>>)
    %dma_wait3A_49 = arith.constant 0 : i32
    %dma_wait3A_50 = tpu.memref_slice %arg3[%dma_wait3A_49] : memref<327680xi32, #tpu.memory_space<hbm>> -> memref<128xi32, #tpu.memory_space<hbm>>
    %dma_wait3A_51 = arith.constant 0 : i32
    %dma_wait3A_52 = tpu.memref_slice %arg3[%dma_wait3A_51] : memref<327680xi32, #tpu.memory_space<hbm>> -> memref<128xi32, #tpu.memory_space<hbm>>
    tpu.wait_dma2 semaphore(%arg19 : memref<!tpu.dma_semaphore, #tpu.memory_space<semaphore_mem>>) src(%dma_wait3A_52 : memref<128xi32, #tpu.memory_space<hbm>>) dst(%arg7 : memref<128xi32, #tpu.memory_space<vmem>>)
    %dma_wait3A_53 = arith.constant 0 : i32
    %dma_wait3A_54 = tpu.memref_slice %arg4[%dma_wait3A_53] : memref<327680xi32, #tpu.memory_space<hbm>> -> memref<128xi32, #tpu.memory_space<hbm>>
    %dma_wait3A_55 = arith.constant 0 : i32
    %dma_wait3A_56 = tpu.memref_slice %arg4[%dma_wait3A_55] : memref<327680xi32, #tpu.memory_space<hbm>> -> memref<128xi32, #tpu.memory_space<hbm>>
    tpu.wait_dma2 semaphore(%arg19 : memref<!tpu.dma_semaphore, #tpu.memory_space<semaphore_mem>>) src(%dma_wait3A_56 : memref<128xi32, #tpu.memory_space<hbm>>) dst(%arg11 : memref<128xi32, #tpu.memory_space<vmem>>)
    %dma_start3A_57 = arith.constant 0 : i32
    %dma_start3A_58 = arith.constant 0 : i32
    %dma_start3A_59 = tpu.memref_slice %arg2[%dma_start3A_57, %dma_start3A_58] : memref<10240x128xf32, #tpu.memory_space<hbm>> -> memref<10240x128xf32, #tpu.memory_space<hbm>>
    tpu.enqueue_indirect_dma source(%dma_start3A_59 : memref<10240x128xf32, #tpu.memory_space<hbm>>) target(%arg15 : memref<128x128xf32, #tpu.memory_space<vmem>>) offsets(%arg7 : memref<128xi32, #tpu.memory_space<vmem>>) semaphore(%arg23 : memref<!tpu.dma_semaphore, #tpu.memory_space<semaphore_mem>>)
    %scan3A_60 = arith.constant 0 : i32
    %scan3A_61 = arith.constant 0 : i32
    %scan3A_62 = arith.constant 19 : i32
    %scan3A_63 = arith.addi %scan3A_61, %scan3A_62 : i32
    %scan3A_64 = arith.constant 1 : i32
    %scan3A_65 = scf.for %scan3A_121 = %scan3A_61 to %scan3A_63 step %scan3A_64 iter_args(%scan3A_122 = %scan3A_60) -> (i32)  : i32 {
      %mul3A_123 = arith.constant 4 : i32
      %mul3A_124 = arith.muli %scan3A_121, %mul3A_123 : i32
      %add3A_125 = arith.constant 0 : i32
      %add3A_126 = arith.addi %mul3A_124, %add3A_125 : i32
      %dma_wait3A_127 = arith.constant 0 : i32
      %dma_wait3A_128 = arith.constant 0 : i32
      %dma_wait3A_129 = tpu.memref_slice %arg2[%dma_wait3A_127, %dma_wait3A_128] : memref<10240x128xf32, #tpu.memory_space<hbm>> -> memref<128x128xf32, #tpu.memory_space<hbm>>
      %dma_wait3A_130 = arith.constant 0 : i32
      %dma_wait3A_131 = arith.constant 0 : i32
      %dma_wait3A_132 = tpu.memref_slice %arg2[%dma_wait3A_130, %dma_wait3A_131] : memref<10240x128xf32, #tpu.memory_space<hbm>> -> memref<128x128xf32, #tpu.memory_space<hbm>>
      tpu.wait_dma2 semaphore(%arg22 : memref<!tpu.dma_semaphore, #tpu.memory_space<semaphore_mem>>) src(%dma_wait3A_132 : memref<128x128xf32, #tpu.memory_space<hbm>>) dst(%arg14 : memref<128x128xf32, #tpu.memory_space<vmem>>)
      "tpu.region"() ({
        %run_scoped3A = tpu.sem_alloc : memref<!tpu.dma_semaphore, #tpu.memory_space<semaphore_mem>>
        %dma_start3A_233 = arith.constant 0 : i32
        %dma_start3A_234 = arith.constant 0 : i32
        %dma_start3A_235 = tpu.memref_slice %arg17[%dma_start3A_233, %dma_start3A_234] : memref<10240x128xf32, #tpu.memory_space<vmem_shared>> -> memref<10240x128xf32, #tpu.memory_space<vmem_shared>>
        tpu.enqueue_indirect_dma source(%arg14 : memref<128x128xf32, #tpu.memory_space<vmem>>) target(%dma_start3A_235 : memref<10240x128xf32, #tpu.memory_space<vmem_shared>>) offsets(%arg10 : memref<128xi32, #tpu.memory_space<vmem>>) semaphore(%run_scoped3A : memref<!tpu.dma_semaphore, #tpu.memory_space<semaphore_mem>>) {add = true}
        %dma_wait3A_236 = arith.constant 0 : i32
        %dma_wait3A_237 = arith.constant 0 : i32
        %dma_wait3A_238 = tpu.memref_slice %arg17[%dma_wait3A_236, %dma_wait3A_237] : memref<10240x128xf32, #tpu.memory_space<vmem_shared>> -> memref<10240x128xf32, #tpu.memory_space<vmem_shared>>
        tpu.wait_indirect_dma semaphore(%run_scoped3A : memref<!tpu.dma_semaphore, #tpu.memory_space<semaphore_mem>>) src(%arg14 : memref<128x128xf32, #tpu.memory_space<vmem>>) dst(%dma_wait3A_238 : memref<10240x128xf32, #tpu.memory_space<vmem_shared>>)
        tpu.yield
      }) : () -> ()
      %dma_wait3A_133 = arith.constant 0 : i32
      %dma_wait3A_134 = tpu.memref_slice %arg3[%dma_wait3A_133] : memref<327680xi32, #tpu.memory_space<hbm>> -> memref<128xi32, #tpu.memory_space<hbm>>
      %dma_wait3A_135 = arith.constant 0 : i32
      %dma_wait3A_136 = tpu.memref_slice %arg3[%dma_wait3A_135] : memref<327680xi32, #tpu.memory_space<hbm>> -> memref<128xi32, #tpu.memory_space<hbm>>
      tpu.wait_dma2 semaphore(%arg20 : memref<!tpu.dma_semaphore, #tpu.memory_space<semaphore_mem>>) src(%dma_wait3A_136 : memref<128xi32, #tpu.memory_space<hbm>>) dst(%arg8 : memref<128xi32, #tpu.memory_space<vmem>>)
      %dma_wait3A_137 = arith.constant 0 : i32
      %dma_wait3A_138 = tpu.memref_slice %arg4[%dma_wait3A_137] : memref<327680xi32, #tpu.memory_space<hbm>> -> memref<128xi32, #tpu.memory_space<hbm>>
      %dma_wait3A_139 = arith.constant 0 : i32
      %dma_wait3A_140 = tpu.memref_slice %arg4[%dma_wait3A_139] : memref<327680xi32, #tpu.memory_space<hbm>> -> memref<128xi32, #tpu.memory_space<hbm>>
      tpu.wait_dma2 semaphore(%arg20 : memref<!tpu.dma_semaphore, #tpu.memory_space<semaphore_mem>>) src(%dma_wait3A_140 : memref<128xi32, #tpu.memory_space<hbm>>) dst(%arg12 : memref<128xi32, #tpu.memory_space<vmem>>)
      %dma_start3A_141 = arith.constant 0 : i32
      %dma_start3A_142 = arith.constant 0 : i32
      %dma_start3A_143 = tpu.memref_slice %arg2[%dma_start3A_141, %dma_start3A_142] : memref<10240x128xf32, #tpu.memory_space<hbm>> -> memref<10240x128xf32, #tpu.memory_space<hbm>>
      tpu.enqueue_indirect_dma source(%dma_start3A_143 : memref<10240x128xf32, #tpu.memory_space<hbm>>) target(%arg14 : memref<128x128xf32, #tpu.memory_space<vmem>>) offsets(%arg8 : memref<128xi32, #tpu.memory_space<vmem>>) semaphore(%arg22 : memref<!tpu.dma_semaphore, #tpu.memory_space<semaphore_mem>>)
      %add3A_144 = arith.constant 4 : i32
      %add3A_145 = arith.addi %add3A_126, %add3A_144 : i32
      %lt3A = arith.constant 80 : i32
      %lt3A_146 = arith.cmpi slt, %add3A_145, %lt3A : i32
      %convert_element_type3A = arith.extui %lt3A_146 : i1 to i32
      %cond3A = arith.constant 0 : i32
      %cond3A_147 = arith.cmpi ne, %convert_element_type3A, %cond3A : i32
      scf.if %cond3A_147 {
        %add3A_233 = arith.constant 4 : i32
        %add3A_234 = arith.addi %add3A_126, %add3A_233 : i32
        %mul3A_235 = arith.constant 128 : i32
        %mul3A_236 = arith.muli %add3A_234, %mul3A_235 : i32
        %add3A_237 = arith.addi %multiple_of3A, %mul3A_236 : i32
        %dma_start3A_238 = tpu.memref_slice %arg3[%add3A_237] : memref<327680xi32, #tpu.memory_space<hbm>> -> memref<128xi32, #tpu.memory_space<hbm>>
        %dma_start3A_239 = tpu.memref_slice %arg3[%add3A_237] : memref<327680xi32, #tpu.memory_space<hbm>> -> memref<128xi32, #tpu.memory_space<hbm>>
        tpu.enqueue_dma source(%dma_start3A_239 : memref<128xi32, #tpu.memory_space<hbm>>) target(%arg6 : memref<128xi32, #tpu.memory_space<vmem>>) target_semaphore(%arg18 : memref<!tpu.dma_semaphore, #tpu.memory_space<semaphore_mem>>)
        %dma_start3A_240 = tpu.memref_slice %arg4[%add3A_237] : memref<327680xi32, #tpu.memory_space<hbm>> -> memref<128xi32, #tpu.memory_space<hbm>>
        %dma_start3A_241 = tpu.memref_slice %arg4[%add3A_237] : memref<327680xi32, #tpu.memory_space<hbm>> -> memref<128xi32, #tpu.memory_space<hbm>>
        tpu.enqueue_dma source(%dma_start3A_241 : memref<128xi32, #tpu.memory_space<hbm>>) target(%arg10 : memref<128xi32, #tpu.memory_space<vmem>>) target_semaphore(%arg18 : memref<!tpu.dma_semaphore, #tpu.memory_space<semaphore_mem>>)
      } else {
      }
      %mul3A_148 = arith.constant 4 : i32
      %mul3A_149 = arith.muli %scan3A_121, %mul3A_148 : i32
      %add3A_150 = arith.constant 1 : i32
      %add3A_151 = arith.addi %mul3A_149, %add3A_150 : i32
      %dma_wait3A_152 = arith.constant 0 : i32
      %dma_wait3A_153 = arith.constant 0 : i32
      %dma_wait3A_154 = tpu.memref_slice %arg2[%dma_wait3A_152, %dma_wait3A_153] : memref<10240x128xf32, #tpu.memory_space<hbm>> -> memref<128x128xf32, #tpu.memory_space<hbm>>
      %dma_wait3A_155 = arith.constant 0 : i32
      %dma_wait3A_156 = arith.constant 0 : i32
      %dma_wait3A_157 = tpu.memref_slice %arg2[%dma_wait3A_155, %dma_wait3A_156] : memref<10240x128xf32, #tpu.memory_space<hbm>> -> memref<128x128xf32, #tpu.memory_space<hbm>>
      tpu.wait_dma2 semaphore(%arg23 : memref<!tpu.dma_semaphore, #tpu.memory_space<semaphore_mem>>) src(%dma_wait3A_157 : memref<128x128xf32, #tpu.memory_space<hbm>>) dst(%arg15 : memref<128x128xf32, #tpu.memory_space<vmem>>)
      "tpu.region"() ({
        %run_scoped3A = tpu.sem_alloc : memref<!tpu.dma_semaphore, #tpu.memory_space<semaphore_mem>>
        %dma_start3A_233 = arith.constant 0 : i32
        %dma_start3A_234 = arith.constant 0 : i32
        %dma_start3A_235 = tpu.memref_slice %arg17[%dma_start3A_233, %dma_start3A_234] : memref<10240x128xf32, #tpu.memory_space<vmem_shared>> -> memref<10240x128xf32, #tpu.memory_space<vmem_shared>>
        tpu.enqueue_indirect_dma source(%arg15 : memref<128x128xf32, #tpu.memory_space<vmem>>) target(%dma_start3A_235 : memref<10240x128xf32, #tpu.memory_space<vmem_shared>>) offsets(%arg11 : memref<128xi32, #tpu.memory_space<vmem>>) semaphore(%run_scoped3A : memref<!tpu.dma_semaphore, #tpu.memory_space<semaphore_mem>>) {add = true}
        %dma_wait3A_236 = arith.constant 0 : i32
        %dma_wait3A_237 = arith.constant 0 : i32
        %dma_wait3A_238 = tpu.memref_slice %arg17[%dma_wait3A_236, %dma_wait3A_237] : memref<10240x128xf32, #tpu.memory_space<vmem_shared>> -> memref<10240x128xf32, #tpu.memory_space<vmem_shared>>
        tpu.wait_indirect_dma semaphore(%run_scoped3A : memref<!tpu.dma_semaphore, #tpu.memory_space<semaphore_mem>>) src(%arg15 : memref<128x128xf32, #tpu.memory_space<vmem>>) dst(%dma_wait3A_238 : memref<10240x128xf32, #tpu.memory_space<vmem_shared>>)
        tpu.yield
      }) : () -> ()
      %dma_wait3A_158 = arith.constant 0 : i32
      %dma_wait3A_159 = tpu.memref_slice %arg3[%dma_wait3A_158] : memref<327680xi32, #tpu.memory_space<hbm>> -> memref<128xi32, #tpu.memory_space<hbm>>
      %dma_wait3A_160 = arith.constant 0 : i32
      %dma_wait3A_161 = tpu.memref_slice %arg3[%dma_wait3A_160] : memref<327680xi32, #tpu.memory_space<hbm>> -> memref<128xi32, #tpu.memory_space<hbm>>
      tpu.wait_dma2 semaphore(%arg21 : memref<!tpu.dma_semaphore, #tpu.memory_space<semaphore_mem>>) src(%dma_wait3A_161 : memref<128xi32, #tpu.memory_space<hbm>>) dst(%arg9 : memref<128xi32, #tpu.memory_space<vmem>>)
      %dma_wait3A_162 = arith.constant 0 : i32
      %dma_wait3A_163 = tpu.memref_slice %arg4[%dma_wait3A_162] : memref<327680xi32, #tpu.memory_space<hbm>> -> memref<128xi32, #tpu.memory_space<hbm>>
      %dma_wait3A_164 = arith.constant 0 : i32
      %dma_wait3A_165 = tpu.memref_slice %arg4[%dma_wait3A_164] : memref<327680xi32, #tpu.memory_space<hbm>> -> memref<128xi32, #tpu.memory_space<hbm>>
      tpu.wait_dma2 semaphore(%arg21 : memref<!tpu.dma_semaphore, #tpu.memory_space<semaphore_mem>>) src(%dma_wait3A_165 : memref<128xi32, #tpu.memory_space<hbm>>) dst(%arg13 : memref<128xi32, #tpu.memory_space<vmem>>)
      %dma_start3A_166 = arith.constant 0 : i32
      %dma_start3A_167 = arith.constant 0 : i32
      %dma_start3A_168 = tpu.memref_slice %arg2[%dma_start3A_166, %dma_start3A_167] : memref<10240x128xf32, #tpu.memory_space<hbm>> -> memref<10240x128xf32, #tpu.memory_space<hbm>>
      tpu.enqueue_indirect_dma source(%dma_start3A_168 : memref<10240x128xf32, #tpu.memory_space<hbm>>) target(%arg15 : memref<128x128xf32, #tpu.memory_space<vmem>>) offsets(%arg9 : memref<128xi32, #tpu.memory_space<vmem>>) semaphore(%arg23 : memref<!tpu.dma_semaphore, #tpu.memory_space<semaphore_mem>>)
      %add3A_169 = arith.constant 4 : i32
      %add3A_170 = arith.addi %add3A_151, %add3A_169 : i32
      %lt3A_171 = arith.constant 80 : i32
      %lt3A_172 = arith.cmpi slt, %add3A_170, %lt3A_171 : i32
      %convert_element_type3A_173 = arith.extui %lt3A_172 : i1 to i32
      %cond3A_174 = arith.constant 0 : i32
      %cond3A_175 = arith.cmpi ne, %convert_element_type3A_173, %cond3A_174 : i32
      scf.if %cond3A_175 {
        %add3A_233 = arith.constant 4 : i32
        %add3A_234 = arith.addi %add3A_151, %add3A_233 : i32
        %mul3A_235 = arith.constant 128 : i32
        %mul3A_236 = arith.muli %add3A_234, %mul3A_235 : i32
        %add3A_237 = arith.addi %multiple_of3A, %mul3A_236 : i32
        %dma_start3A_238 = tpu.memref_slice %arg3[%add3A_237] : memref<327680xi32, #tpu.memory_space<hbm>> -> memref<128xi32, #tpu.memory_space<hbm>>
        %dma_start3A_239 = tpu.memref_slice %arg3[%add3A_237] : memref<327680xi32, #tpu.memory_space<hbm>> -> memref<128xi32, #tpu.memory_space<hbm>>
        tpu.enqueue_dma source(%dma_start3A_239 : memref<128xi32, #tpu.memory_space<hbm>>) target(%arg7 : memref<128xi32, #tpu.memory_space<vmem>>) target_semaphore(%arg19 : memref<!tpu.dma_semaphore, #tpu.memory_space<semaphore_mem>>)
        %dma_start3A_240 = tpu.memref_slice %arg4[%add3A_237] : memref<327680xi32, #tpu.memory_space<hbm>> -> memref<128xi32, #tpu.memory_space<hbm>>
        %dma_start3A_241 = tpu.memref_slice %arg4[%add3A_237] : memref<327680xi32, #tpu.memory_space<hbm>> -> memref<128xi32, #tpu.memory_space<hbm>>
        tpu.enqueue_dma source(%dma_start3A_241 : memref<128xi32, #tpu.memory_space<hbm>>) target(%arg11 : memref<128xi32, #tpu.memory_space<vmem>>) target_semaphore(%arg19 : memref<!tpu.dma_semaphore, #tpu.memory_space<semaphore_mem>>)
      } else {
      }
      %mul3A_176 = arith.constant 4 : i32
      %mul3A_177 = arith.muli %scan3A_121, %mul3A_176 : i32
      %add3A_178 = arith.constant 2 : i32
      %add3A_179 = arith.addi %mul3A_177, %add3A_178 : i32
      %dma_wait3A_180 = arith.constant 0 : i32
      %dma_wait3A_181 = arith.constant 0 : i32
      %dma_wait3A_182 = tpu.memref_slice %arg2[%dma_wait3A_180, %dma_wait3A_181] : memref<10240x128xf32, #tpu.memory_space<hbm>> -> memref<128x128xf32, #tpu.memory_space<hbm>>
      %dma_wait3A_183 = arith.constant 0 : i32
      %dma_wait3A_184 = arith.constant 0 : i32
      %dma_wait3A_185 = tpu.memref_slice %arg2[%dma_wait3A_183, %dma_wait3A_184] : memref<10240x128xf32, #tpu.memory_space<hbm>> -> memref<128x128xf32, #tpu.memory_space<hbm>>
      tpu.wait_dma2 semaphore(%arg22 : memref<!tpu.dma_semaphore, #tpu.memory_space<semaphore_mem>>) src(%dma_wait3A_185 : memref<128x128xf32, #tpu.memory_space<hbm>>) dst(%arg14 : memref<128x128xf32, #tpu.memory_space<vmem>>)
      "tpu.region"() ({
        %run_scoped3A = tpu.sem_alloc : memref<!tpu.dma_semaphore, #tpu.memory_space<semaphore_mem>>
        %dma_start3A_233 = arith.constant 0 : i32
        %dma_start3A_234 = arith.constant 0 : i32
        %dma_start3A_235 = tpu.memref_slice %arg17[%dma_start3A_233, %dma_start3A_234] : memref<10240x128xf32, #tpu.memory_space<vmem_shared>> -> memref<10240x128xf32, #tpu.memory_space<vmem_shared>>
        tpu.enqueue_indirect_dma source(%arg14 : memref<128x128xf32, #tpu.memory_space<vmem>>) target(%dma_start3A_235 : memref<10240x128xf32, #tpu.memory_space<vmem_shared>>) offsets(%arg12 : memref<128xi32, #tpu.memory_space<vmem>>) semaphore(%run_scoped3A : memref<!tpu.dma_semaphore, #tpu.memory_space<semaphore_mem>>) {add = true}
        %dma_wait3A_236 = arith.constant 0 : i32
        %dma_wait3A_237 = arith.constant 0 : i32
        %dma_wait3A_238 = tpu.memref_slice %arg17[%dma_wait3A_236, %dma_wait3A_237] : memref<10240x128xf32, #tpu.memory_space<vmem_shared>> -> memref<10240x128xf32, #tpu.memory_space<vmem_shared>>
        tpu.wait_indirect_dma semaphore(%run_scoped3A : memref<!tpu.dma_semaphore, #tpu.memory_space<semaphore_mem>>) src(%arg14 : memref<128x128xf32, #tpu.memory_space<vmem>>) dst(%dma_wait3A_238 : memref<10240x128xf32, #tpu.memory_space<vmem_shared>>)
        tpu.yield
      }) : () -> ()
      %dma_wait3A_186 = arith.constant 0 : i32
      %dma_wait3A_187 = tpu.memref_slice %arg3[%dma_wait3A_186] : memref<327680xi32, #tpu.memory_space<hbm>> -> memref<128xi32, #tpu.memory_space<hbm>>
      %dma_wait3A_188 = arith.constant 0 : i32
      %dma_wait3A_189 = tpu.memref_slice %arg3[%dma_wait3A_188] : memref<327680xi32, #tpu.memory_space<hbm>> -> memref<128xi32, #tpu.memory_space<hbm>>
      tpu.wait_dma2 semaphore(%arg18 : memref<!tpu.dma_semaphore, #tpu.memory_space<semaphore_mem>>) src(%dma_wait3A_189 : memref<128xi32, #tpu.memory_space<hbm>>) dst(%arg6 : memref<128xi32, #tpu.memory_space<vmem>>)
      %dma_wait3A_190 = arith.constant 0 : i32
      %dma_wait3A_191 = tpu.memref_slice %arg4[%dma_wait3A_190] : memref<327680xi32, #tpu.memory_space<hbm>> -> memref<128xi32, #tpu.memory_space<hbm>>
      %dma_wait3A_192 = arith.constant 0 : i32
      %dma_wait3A_193 = tpu.memref_slice %arg4[%dma_wait3A_192] : memref<327680xi32, #tpu.memory_space<hbm>> -> memref<128xi32, #tpu.memory_space<hbm>>
      tpu.wait_dma2 semaphore(%arg18 : memref<!tpu.dma_semaphore, #tpu.memory_space<semaphore_mem>>) src(%dma_wait3A_193 : memref<128xi32, #tpu.memory_space<hbm>>) dst(%arg10 : memref<128xi32, #tpu.memory_space<vmem>>)
      %dma_start3A_194 = arith.constant 0 : i32
      %dma_start3A_195 = arith.constant 0 : i32
      %dma_start3A_196 = tpu.memref_slice %arg2[%dma_start3A_194, %dma_start3A_195] : memref<10240x128xf32, #tpu.memory_space<hbm>> -> memref<10240x128xf32, #tpu.memory_space<hbm>>
      tpu.enqueue_indirect_dma source(%dma_start3A_196 : memref<10240x128xf32, #tpu.memory_space<hbm>>) target(%arg14 : memref<128x128xf32, #tpu.memory_space<vmem>>) offsets(%arg6 : memref<128xi32, #tpu.memory_space<vmem>>) semaphore(%arg22 : memref<!tpu.dma_semaphore, #tpu.memory_space<semaphore_mem>>)
      %add3A_197 = arith.constant 4 : i32
      %add3A_198 = arith.addi %add3A_179, %add3A_197 : i32
      %lt3A_199 = arith.constant 80 : i32
      %lt3A_200 = arith.cmpi slt, %add3A_198, %lt3A_199 : i32
      %convert_element_type3A_201 = arith.extui %lt3A_200 : i1 to i32
      %cond3A_202 = arith.constant 0 : i32
      %cond3A_203 = arith.cmpi ne, %convert_element_type3A_201, %cond3A_202 : i32
      scf.if %cond3A_203 {
        %add3A_233 = arith.constant 4 : i32
        %add3A_234 = arith.addi %add3A_179, %add3A_233 : i32
        %mul3A_235 = arith.constant 128 : i32
        %mul3A_236 = arith.muli %add3A_234, %mul3A_235 : i32
        %add3A_237 = arith.addi %multiple_of3A, %mul3A_236 : i32
        %dma_start3A_238 = tpu.memref_slice %arg3[%add3A_237] : memref<327680xi32, #tpu.memory_space<hbm>> -> memref<128xi32, #tpu.memory_space<hbm>>
        %dma_start3A_239 = tpu.memref_slice %arg3[%add3A_237] : memref<327680xi32, #tpu.memory_space<hbm>> -> memref<128xi32, #tpu.memory_space<hbm>>
        tpu.enqueue_dma source(%dma_start3A_239 : memref<128xi32, #tpu.memory_space<hbm>>) target(%arg8 : memref<128xi32, #tpu.memory_space<vmem>>) target_semaphore(%arg20 : memref<!tpu.dma_semaphore, #tpu.memory_space<semaphore_mem>>)
        %dma_start3A_240 = tpu.memref_slice %arg4[%add3A_237] : memref<327680xi32, #tpu.memory_space<hbm>> -> memref<128xi32, #tpu.memory_space<hbm>>
        %dma_start3A_241 = tpu.memref_slice %arg4[%add3A_237] : memref<327680xi32, #tpu.memory_space<hbm>> -> memref<128xi32, #tpu.memory_space<hbm>>
        tpu.enqueue_dma source(%dma_start3A_241 : memref<128xi32, #tpu.memory_space<hbm>>) target(%arg12 : memref<128xi32, #tpu.memory_space<vmem>>) target_semaphore(%arg20 : memref<!tpu.dma_semaphore, #tpu.memory_space<semaphore_mem>>)
      } else {
      }
      %mul3A_204 = arith.constant 4 : i32
      %mul3A_205 = arith.muli %scan3A_121, %mul3A_204 : i32
      %add3A_206 = arith.constant 3 : i32
      %add3A_207 = arith.addi %mul3A_205, %add3A_206 : i32
      %dma_wait3A_208 = arith.constant 0 : i32
      %dma_wait3A_209 = arith.constant 0 : i32
      %dma_wait3A_210 = tpu.memref_slice %arg2[%dma_wait3A_208, %dma_wait3A_209] : memref<10240x128xf32, #tpu.memory_space<hbm>> -> memref<128x128xf32, #tpu.memory_space<hbm>>
      %dma_wait3A_211 = arith.constant 0 : i32
      %dma_wait3A_212 = arith.constant 0 : i32
      %dma_wait3A_213 = tpu.memref_slice %arg2[%dma_wait3A_211, %dma_wait3A_212] : memref<10240x128xf32, #tpu.memory_space<hbm>> -> memref<128x128xf32, #tpu.memory_space<hbm>>
      tpu.wait_dma2 semaphore(%arg23 : memref<!tpu.dma_semaphore, #tpu.memory_space<semaphore_mem>>) src(%dma_wait3A_213 : memref<128x128xf32, #tpu.memory_space<hbm>>) dst(%arg15 : memref<128x128xf32, #tpu.memory_space<vmem>>)
      "tpu.region"() ({
        %run_scoped3A = tpu.sem_alloc : memref<!tpu.dma_semaphore, #tpu.memory_space<semaphore_mem>>
        %dma_start3A_233 = arith.constant 0 : i32
        %dma_start3A_234 = arith.constant 0 : i32
        %dma_start3A_235 = tpu.memref_slice %arg17[%dma_start3A_233, %dma_start3A_234] : memref<10240x128xf32, #tpu.memory_space<vmem_shared>> -> memref<10240x128xf32, #tpu.memory_space<vmem_shared>>
        tpu.enqueue_indirect_dma source(%arg15 : memref<128x128xf32, #tpu.memory_space<vmem>>) target(%dma_start3A_235 : memref<10240x128xf32, #tpu.memory_space<vmem_shared>>) offsets(%arg13 : memref<128xi32, #tpu.memory_space<vmem>>) semaphore(%run_scoped3A : memref<!tpu.dma_semaphore, #tpu.memory_space<semaphore_mem>>) {add = true}
        %dma_wait3A_236 = arith.constant 0 : i32
        %dma_wait3A_237 = arith.constant 0 : i32
        %dma_wait3A_238 = tpu.memref_slice %arg17[%dma_wait3A_236, %dma_wait3A_237] : memref<10240x128xf32, #tpu.memory_space<vmem_shared>> -> memref<10240x128xf32, #tpu.memory_space<vmem_shared>>
        tpu.wait_indirect_dma semaphore(%run_scoped3A : memref<!tpu.dma_semaphore, #tpu.memory_space<semaphore_mem>>) src(%arg15 : memref<128x128xf32, #tpu.memory_space<vmem>>) dst(%dma_wait3A_238 : memref<10240x128xf32, #tpu.memory_space<vmem_shared>>)
        tpu.yield
      }) : () -> ()
      %dma_wait3A_214 = arith.constant 0 : i32
      %dma_wait3A_215 = tpu.memref_slice %arg3[%dma_wait3A_214] : memref<327680xi32, #tpu.memory_space<hbm>> -> memref<128xi32, #tpu.memory_space<hbm>>
      %dma_wait3A_216 = arith.constant 0 : i32
      %dma_wait3A_217 = tpu.memref_slice %arg3[%dma_wait3A_216] : memref<327680xi32, #tpu.memory_space<hbm>> -> memref<128xi32, #tpu.memory_space<hbm>>
      tpu.wait_dma2 semaphore(%arg19 : memref<!tpu.dma_semaphore, #tpu.memory_space<semaphore_mem>>) src(%dma_wait3A_217 : memref<128xi32, #tpu.memory_space<hbm>>) dst(%arg7 : memref<128xi32, #tpu.memory_space<vmem>>)
      %dma_wait3A_218 = arith.constant 0 : i32
      %dma_wait3A_219 = tpu.memref_slice %arg4[%dma_wait3A_218] : memref<327680xi32, #tpu.memory_space<hbm>> -> memref<128xi32, #tpu.memory_space<hbm>>
      %dma_wait3A_220 = arith.constant 0 : i32
      %dma_wait3A_221 = tpu.memref_slice %arg4[%dma_wait3A_220] : memref<327680xi32, #tpu.memory_space<hbm>> -> memref<128xi32, #tpu.memory_space<hbm>>
      tpu.wait_dma2 semaphore(%arg19 : memref<!tpu.dma_semaphore, #tpu.memory_space<semaphore_mem>>) src(%dma_wait3A_221 : memref<128xi32, #tpu.memory_space<hbm>>) dst(%arg11 : memref<128xi32, #tpu.memory_space<vmem>>)
      %dma_start3A_222 = arith.constant 0 : i32
      %dma_start3A_223 = arith.constant 0 : i32
      %dma_start3A_224 = tpu.memref_slice %arg2[%dma_start3A_222, %dma_start3A_223] : memref<10240x128xf32, #tpu.memory_space<hbm>> -> memref<10240x128xf32, #tpu.memory_space<hbm>>
      tpu.enqueue_indirect_dma source(%dma_start3A_224 : memref<10240x128xf32, #tpu.memory_space<hbm>>) target(%arg15 : memref<128x128xf32, #tpu.memory_space<vmem>>) offsets(%arg7 : memref<128xi32, #tpu.memory_space<vmem>>) semaphore(%arg23 : memref<!tpu.dma_semaphore, #tpu.memory_space<semaphore_mem>>)
      %add3A_225 = arith.constant 4 : i32
      %add3A_226 = arith.addi %add3A_207, %add3A_225 : i32
      %lt3A_227 = arith.constant 80 : i32
      %lt3A_228 = arith.cmpi slt, %add3A_226, %lt3A_227 : i32
      %convert_element_type3A_229 = arith.extui %lt3A_228 : i1 to i32
      %cond3A_230 = arith.constant 0 : i32
      %cond3A_231 = arith.cmpi ne, %convert_element_type3A_229, %cond3A_230 : i32
      scf.if %cond3A_231 {
        %add3A_233 = arith.constant 4 : i32
        %add3A_234 = arith.addi %add3A_207, %add3A_233 : i32
        %mul3A_235 = arith.constant 128 : i32
        %mul3A_236 = arith.muli %add3A_234, %mul3A_235 : i32
        %add3A_237 = arith.addi %multiple_of3A, %mul3A_236 : i32
        %dma_start3A_238 = tpu.memref_slice %arg3[%add3A_237] : memref<327680xi32, #tpu.memory_space<hbm>> -> memref<128xi32, #tpu.memory_space<hbm>>
        %dma_start3A_239 = tpu.memref_slice %arg3[%add3A_237] : memref<327680xi32, #tpu.memory_space<hbm>> -> memref<128xi32, #tpu.memory_space<hbm>>
        tpu.enqueue_dma source(%dma_start3A_239 : memref<128xi32, #tpu.memory_space<hbm>>) target(%arg9 : memref<128xi32, #tpu.memory_space<vmem>>) target_semaphore(%arg21 : memref<!tpu.dma_semaphore, #tpu.memory_space<semaphore_mem>>)
        %dma_start3A_240 = tpu.memref_slice %arg4[%add3A_237] : memref<327680xi32, #tpu.memory_space<hbm>> -> memref<128xi32, #tpu.memory_space<hbm>>
        %dma_start3A_241 = tpu.memref_slice %arg4[%add3A_237] : memref<327680xi32, #tpu.memory_space<hbm>> -> memref<128xi32, #tpu.memory_space<hbm>>
        tpu.enqueue_dma source(%dma_start3A_241 : memref<128xi32, #tpu.memory_space<hbm>>) target(%arg13 : memref<128xi32, #tpu.memory_space<vmem>>) target_semaphore(%arg21 : memref<!tpu.dma_semaphore, #tpu.memory_space<semaphore_mem>>)
      } else {
      }
      %scan3A_232 = arith.constant 0 : i32
      scf.yield %scan3A_232 : i32
    }
    %scan3A_66 = arith.constant 19 : i32
    %dma_wait3A_67 = arith.constant 0 : i32
    %dma_wait3A_68 = arith.constant 0 : i32
    %dma_wait3A_69 = tpu.memref_slice %arg2[%dma_wait3A_67, %dma_wait3A_68] : memref<10240x128xf32, #tpu.memory_space<hbm>> -> memref<128x128xf32, #tpu.memory_space<hbm>>
    %dma_wait3A_70 = arith.constant 0 : i32
    %dma_wait3A_71 = arith.constant 0 : i32
    %dma_wait3A_72 = tpu.memref_slice %arg2[%dma_wait3A_70, %dma_wait3A_71] : memref<10240x128xf32, #tpu.memory_space<hbm>> -> memref<128x128xf32, #tpu.memory_space<hbm>>
    tpu.wait_dma2 semaphore(%arg22 : memref<!tpu.dma_semaphore, #tpu.memory_space<semaphore_mem>>) src(%dma_wait3A_72 : memref<128x128xf32, #tpu.memory_space<hbm>>) dst(%arg14 : memref<128x128xf32, #tpu.memory_space<vmem>>)
    "tpu.region"() ({
      %run_scoped3A = tpu.sem_alloc : memref<!tpu.dma_semaphore, #tpu.memory_space<semaphore_mem>>
      %dma_start3A_121 = arith.constant 0 : i32
      %dma_start3A_122 = arith.constant 0 : i32
      %dma_start3A_123 = tpu.memref_slice %arg17[%dma_start3A_121, %dma_start3A_122] : memref<10240x128xf32, #tpu.memory_space<vmem_shared>> -> memref<10240x128xf32, #tpu.memory_space<vmem_shared>>
      tpu.enqueue_indirect_dma source(%arg14 : memref<128x128xf32, #tpu.memory_space<vmem>>) target(%dma_start3A_123 : memref<10240x128xf32, #tpu.memory_space<vmem_shared>>) offsets(%arg10 : memref<128xi32, #tpu.memory_space<vmem>>) semaphore(%run_scoped3A : memref<!tpu.dma_semaphore, #tpu.memory_space<semaphore_mem>>) {add = true}
      %dma_wait3A_124 = arith.constant 0 : i32
      %dma_wait3A_125 = arith.constant 0 : i32
      %dma_wait3A_126 = tpu.memref_slice %arg17[%dma_wait3A_124, %dma_wait3A_125] : memref<10240x128xf32, #tpu.memory_space<vmem_shared>> -> memref<10240x128xf32, #tpu.memory_space<vmem_shared>>
      tpu.wait_indirect_dma semaphore(%run_scoped3A : memref<!tpu.dma_semaphore, #tpu.memory_space<semaphore_mem>>) src(%arg14 : memref<128x128xf32, #tpu.memory_space<vmem>>) dst(%dma_wait3A_126 : memref<10240x128xf32, #tpu.memory_space<vmem_shared>>)
      tpu.yield
    }) : () -> ()
    %dma_wait3A_73 = arith.constant 0 : i32
    %dma_wait3A_74 = tpu.memref_slice %arg3[%dma_wait3A_73] : memref<327680xi32, #tpu.memory_space<hbm>> -> memref<128xi32, #tpu.memory_space<hbm>>
    %dma_wait3A_75 = arith.constant 0 : i32
    %dma_wait3A_76 = tpu.memref_slice %arg3[%dma_wait3A_75] : memref<327680xi32, #tpu.memory_space<hbm>> -> memref<128xi32, #tpu.memory_space<hbm>>
    tpu.wait_dma2 semaphore(%arg20 : memref<!tpu.dma_semaphore, #tpu.memory_space<semaphore_mem>>) src(%dma_wait3A_76 : memref<128xi32, #tpu.memory_space<hbm>>) dst(%arg8 : memref<128xi32, #tpu.memory_space<vmem>>)
    %dma_wait3A_77 = arith.constant 0 : i32
    %dma_wait3A_78 = tpu.memref_slice %arg4[%dma_wait3A_77] : memref<327680xi32, #tpu.memory_space<hbm>> -> memref<128xi32, #tpu.memory_space<hbm>>
    %dma_wait3A_79 = arith.constant 0 : i32
    %dma_wait3A_80 = tpu.memref_slice %arg4[%dma_wait3A_79] : memref<327680xi32, #tpu.memory_space<hbm>> -> memref<128xi32, #tpu.memory_space<hbm>>
    tpu.wait_dma2 semaphore(%arg20 : memref<!tpu.dma_semaphore, #tpu.memory_space<semaphore_mem>>) src(%dma_wait3A_80 : memref<128xi32, #tpu.memory_space<hbm>>) dst(%arg12 : memref<128xi32, #tpu.memory_space<vmem>>)
    %dma_start3A_81 = arith.constant 0 : i32
    %dma_start3A_82 = arith.constant 0 : i32
    %dma_start3A_83 = tpu.memref_slice %arg2[%dma_start3A_81, %dma_start3A_82] : memref<10240x128xf32, #tpu.memory_space<hbm>> -> memref<10240x128xf32, #tpu.memory_space<hbm>>
    tpu.enqueue_indirect_dma source(%dma_start3A_83 : memref<10240x128xf32, #tpu.memory_space<hbm>>) target(%arg14 : memref<128x128xf32, #tpu.memory_space<vmem>>) offsets(%arg8 : memref<128xi32, #tpu.memory_space<vmem>>) semaphore(%arg22 : memref<!tpu.dma_semaphore, #tpu.memory_space<semaphore_mem>>)
    %dma_wait3A_84 = arith.constant 0 : i32
    %dma_wait3A_85 = arith.constant 0 : i32
    %dma_wait3A_86 = tpu.memref_slice %arg2[%dma_wait3A_84, %dma_wait3A_85] : memref<10240x128xf32, #tpu.memory_space<hbm>> -> memref<128x128xf32, #tpu.memory_space<hbm>>
    %dma_wait3A_87 = arith.constant 0 : i32
    %dma_wait3A_88 = arith.constant 0 : i32
    %dma_wait3A_89 = tpu.memref_slice %arg2[%dma_wait3A_87, %dma_wait3A_88] : memref<10240x128xf32, #tpu.memory_space<hbm>> -> memref<128x128xf32, #tpu.memory_space<hbm>>
    tpu.wait_dma2 semaphore(%arg23 : memref<!tpu.dma_semaphore, #tpu.memory_space<semaphore_mem>>) src(%dma_wait3A_89 : memref<128x128xf32, #tpu.memory_space<hbm>>) dst(%arg15 : memref<128x128xf32, #tpu.memory_space<vmem>>)
    "tpu.region"() ({
      %run_scoped3A = tpu.sem_alloc : memref<!tpu.dma_semaphore, #tpu.memory_space<semaphore_mem>>
      %dma_start3A_121 = arith.constant 0 : i32
      %dma_start3A_122 = arith.constant 0 : i32
      %dma_start3A_123 = tpu.memref_slice %arg17[%dma_start3A_121, %dma_start3A_122] : memref<10240x128xf32, #tpu.memory_space<vmem_shared>> -> memref<10240x128xf32, #tpu.memory_space<vmem_shared>>
      tpu.enqueue_indirect_dma source(%arg15 : memref<128x128xf32, #tpu.memory_space<vmem>>) target(%dma_start3A_123 : memref<10240x128xf32, #tpu.memory_space<vmem_shared>>) offsets(%arg11 : memref<128xi32, #tpu.memory_space<vmem>>) semaphore(%run_scoped3A : memref<!tpu.dma_semaphore, #tpu.memory_space<semaphore_mem>>) {add = true}
      %dma_wait3A_124 = arith.constant 0 : i32
      %dma_wait3A_125 = arith.constant 0 : i32
      %dma_wait3A_126 = tpu.memref_slice %arg17[%dma_wait3A_124, %dma_wait3A_125] : memref<10240x128xf32, #tpu.memory_space<vmem_shared>> -> memref<10240x128xf32, #tpu.memory_space<vmem_shared>>
      tpu.wait_indirect_dma semaphore(%run_scoped3A : memref<!tpu.dma_semaphore, #tpu.memory_space<semaphore_mem>>) src(%arg15 : memref<128x128xf32, #tpu.memory_space<vmem>>) dst(%dma_wait3A_126 : memref<10240x128xf32, #tpu.memory_space<vmem_shared>>)
      tpu.yield
    }) : () -> ()
    %dma_wait3A_90 = arith.constant 0 : i32
    %dma_wait3A_91 = tpu.memref_slice %arg3[%dma_wait3A_90] : memref<327680xi32, #tpu.memory_space<hbm>> -> memref<128xi32, #tpu.memory_space<hbm>>
    %dma_wait3A_92 = arith.constant 0 : i32
    %dma_wait3A_93 = tpu.memref_slice %arg3[%dma_wait3A_92] : memref<327680xi32, #tpu.memory_space<hbm>> -> memref<128xi32, #tpu.memory_space<hbm>>
    tpu.wait_dma2 semaphore(%arg21 : memref<!tpu.dma_semaphore, #tpu.memory_space<semaphore_mem>>) src(%dma_wait3A_93 : memref<128xi32, #tpu.memory_space<hbm>>) dst(%arg9 : memref<128xi32, #tpu.memory_space<vmem>>)
    %dma_wait3A_94 = arith.constant 0 : i32
    %dma_wait3A_95 = tpu.memref_slice %arg4[%dma_wait3A_94] : memref<327680xi32, #tpu.memory_space<hbm>> -> memref<128xi32, #tpu.memory_space<hbm>>
    %dma_wait3A_96 = arith.constant 0 : i32
    %dma_wait3A_97 = tpu.memref_slice %arg4[%dma_wait3A_96] : memref<327680xi32, #tpu.memory_space<hbm>> -> memref<128xi32, #tpu.memory_space<hbm>>
    tpu.wait_dma2 semaphore(%arg21 : memref<!tpu.dma_semaphore, #tpu.memory_space<semaphore_mem>>) src(%dma_wait3A_97 : memref<128xi32, #tpu.memory_space<hbm>>) dst(%arg13 : memref<128xi32, #tpu.memory_space<vmem>>)
    %dma_start3A_98 = arith.constant 0 : i32
    %dma_start3A_99 = arith.constant 0 : i32
    %dma_start3A_100 = tpu.memref_slice %arg2[%dma_start3A_98, %dma_start3A_99] : memref<10240x128xf32, #tpu.memory_space<hbm>> -> memref<10240x128xf32, #tpu.memory_space<hbm>>
    tpu.enqueue_indirect_dma source(%dma_start3A_100 : memref<10240x128xf32, #tpu.memory_space<hbm>>) target(%arg15 : memref<128x128xf32, #tpu.memory_space<vmem>>) offsets(%arg9 : memref<128xi32, #tpu.memory_space<vmem>>) semaphore(%arg23 : memref<!tpu.dma_semaphore, #tpu.memory_space<semaphore_mem>>)
    %dma_wait3A_101 = arith.constant 0 : i32
    %dma_wait3A_102 = arith.constant 0 : i32
    %dma_wait3A_103 = tpu.memref_slice %arg2[%dma_wait3A_101, %dma_wait3A_102] : memref<10240x128xf32, #tpu.memory_space<hbm>> -> memref<128x128xf32, #tpu.memory_space<hbm>>
    %dma_wait3A_104 = arith.constant 0 : i32
    %dma_wait3A_105 = arith.constant 0 : i32
    %dma_wait3A_106 = tpu.memref_slice %arg2[%dma_wait3A_104, %dma_wait3A_105] : memref<10240x128xf32, #tpu.memory_space<hbm>> -> memref<128x128xf32, #tpu.memory_space<hbm>>
    tpu.wait_dma2 semaphore(%arg22 : memref<!tpu.dma_semaphore, #tpu.memory_space<semaphore_mem>>) src(%dma_wait3A_106 : memref<128x128xf32, #tpu.memory_space<hbm>>) dst(%arg14 : memref<128x128xf32, #tpu.memory_space<vmem>>)
    "tpu.region"() ({
      %run_scoped3A = tpu.sem_alloc : memref<!tpu.dma_semaphore, #tpu.memory_space<semaphore_mem>>
      %dma_start3A_121 = arith.constant 0 : i32
      %dma_start3A_122 = arith.constant 0 : i32
      %dma_start3A_123 = tpu.memref_slice %arg17[%dma_start3A_121, %dma_start3A_122] : memref<10240x128xf32, #tpu.memory_space<vmem_shared>> -> memref<10240x128xf32, #tpu.memory_space<vmem_shared>>
      tpu.enqueue_indirect_dma source(%arg14 : memref<128x128xf32, #tpu.memory_space<vmem>>) target(%dma_start3A_123 : memref<10240x128xf32, #tpu.memory_space<vmem_shared>>) offsets(%arg12 : memref<128xi32, #tpu.memory_space<vmem>>) semaphore(%run_scoped3A : memref<!tpu.dma_semaphore, #tpu.memory_space<semaphore_mem>>) {add = true}
      %dma_wait3A_124 = arith.constant 0 : i32
      %dma_wait3A_125 = arith.constant 0 : i32
      %dma_wait3A_126 = tpu.memref_slice %arg17[%dma_wait3A_124, %dma_wait3A_125] : memref<10240x128xf32, #tpu.memory_space<vmem_shared>> -> memref<10240x128xf32, #tpu.memory_space<vmem_shared>>
      tpu.wait_indirect_dma semaphore(%run_scoped3A : memref<!tpu.dma_semaphore, #tpu.memory_space<semaphore_mem>>) src(%arg14 : memref<128x128xf32, #tpu.memory_space<vmem>>) dst(%dma_wait3A_126 : memref<10240x128xf32, #tpu.memory_space<vmem_shared>>)
      tpu.yield
    }) : () -> ()
    %dma_wait3A_107 = arith.constant 0 : i32
    %dma_wait3A_108 = arith.constant 0 : i32
    %dma_wait3A_109 = tpu.memref_slice %arg2[%dma_wait3A_107, %dma_wait3A_108] : memref<10240x128xf32, #tpu.memory_space<hbm>> -> memref<128x128xf32, #tpu.memory_space<hbm>>
    %dma_wait3A_110 = arith.constant 0 : i32
    %dma_wait3A_111 = arith.constant 0 : i32
    %dma_wait3A_112 = tpu.memref_slice %arg2[%dma_wait3A_110, %dma_wait3A_111] : memref<10240x128xf32, #tpu.memory_space<hbm>> -> memref<128x128xf32, #tpu.memory_space<hbm>>
    tpu.wait_dma2 semaphore(%arg23 : memref<!tpu.dma_semaphore, #tpu.memory_space<semaphore_mem>>) src(%dma_wait3A_112 : memref<128x128xf32, #tpu.memory_space<hbm>>) dst(%arg15 : memref<128x128xf32, #tpu.memory_space<vmem>>)
    "tpu.region"() ({
      %run_scoped3A = tpu.sem_alloc : memref<!tpu.dma_semaphore, #tpu.memory_space<semaphore_mem>>
      %dma_start3A_121 = arith.constant 0 : i32
      %dma_start3A_122 = arith.constant 0 : i32
      %dma_start3A_123 = tpu.memref_slice %arg17[%dma_start3A_121, %dma_start3A_122] : memref<10240x128xf32, #tpu.memory_space<vmem_shared>> -> memref<10240x128xf32, #tpu.memory_space<vmem_shared>>
      tpu.enqueue_indirect_dma source(%arg15 : memref<128x128xf32, #tpu.memory_space<vmem>>) target(%dma_start3A_123 : memref<10240x128xf32, #tpu.memory_space<vmem_shared>>) offsets(%arg13 : memref<128xi32, #tpu.memory_space<vmem>>) semaphore(%run_scoped3A : memref<!tpu.dma_semaphore, #tpu.memory_space<semaphore_mem>>) {add = true}
      %dma_wait3A_124 = arith.constant 0 : i32
      %dma_wait3A_125 = arith.constant 0 : i32
      %dma_wait3A_126 = tpu.memref_slice %arg17[%dma_wait3A_124, %dma_wait3A_125] : memref<10240x128xf32, #tpu.memory_space<vmem_shared>> -> memref<10240x128xf32, #tpu.memory_space<vmem_shared>>
      tpu.wait_indirect_dma semaphore(%run_scoped3A : memref<!tpu.dma_semaphore, #tpu.memory_space<semaphore_mem>>) src(%arg15 : memref<128x128xf32, #tpu.memory_space<vmem>>) dst(%dma_wait3A_126 : memref<10240x128xf32, #tpu.memory_space<vmem_shared>>)
      tpu.yield
    }) : () -> ()
    %barrier3A_113 = arith.constant 0 : index
    tpu.barrier barrier_id(%barrier3A_113)
    %mul3A_114 = arith.constant 640 : i32
    %mul3A_115 = arith.muli %arg1, %mul3A_114 : i32
    %mul3A_116 = arith.constant 10240 : i32
    %mul3A_117 = arith.muli %arg0, %mul3A_116 : i32
    %mul3A_118 = arith.constant 640 : i32
    %mul3A_119 = arith.muli %arg1, %mul3A_118 : i32
    %add3A_120 = arith.addi %mul3A_117, %mul3A_119 : i32
    "tpu.region"() ({
      %run_scoped3A = tpu.sem_alloc : memref<!tpu.dma_semaphore, #tpu.memory_space<semaphore_mem>>
      %dma_start3A_121 = arith.constant 0 : i32
      %dma_start3A_122 = tpu.memref_slice %arg5[%add3A_120, %dma_start3A_121] : memref<20480x128xf32, #tpu.memory_space<hbm>> -> memref<640x128xf32, #tpu.memory_space<hbm>>
      %dma_start3A_123 = arith.constant 0 : i32
      %dma_start3A_124 = tpu.memref_slice %arg17[%mul3A_115, %dma_start3A_123] : memref<10240x128xf32, #tpu.memory_space<vmem_shared>> -> memref<640x128xf32, #tpu.memory_space<vmem_shared>>
      tpu.enqueue_dma source(%dma_start3A_124 : memref<640x128xf32, #tpu.memory_space<vmem_shared>>) target(%dma_start3A_122 : memref<640x128xf32, #tpu.memory_space<hbm>>) target_semaphore(%run_scoped3A : memref<!tpu.dma_semaphore, #tpu.memory_space<semaphore_mem>>)
      %dma_wait3A_125 = arith.constant 0 : i32
      %dma_wait3A_126 = tpu.memref_slice %arg5[%add3A_120, %dma_wait3A_125] : memref<20480x128xf32, #tpu.memory_space<hbm>> -> memref<640x128xf32, #tpu.memory_space<hbm>>
      %dma_wait3A_127 = arith.constant 0 : i32
      %dma_wait3A_128 = tpu.memref_slice %arg17[%mul3A_115, %dma_wait3A_127] : memref<10240x128xf32, #tpu.memory_space<vmem_shared>> -> memref<640x128xf32, #tpu.memory_space<vmem_shared>>
      tpu.wait_dma2 semaphore(%run_scoped3A : memref<!tpu.dma_semaphore, #tpu.memory_space<semaphore_mem>>) src(%dma_wait3A_128 : memref<640x128xf32, #tpu.memory_space<vmem_shared>>) dst(%dma_wait3A_126 : memref<640x128xf32, #tpu.memory_space<hbm>>)
      tpu.yield
    }) : () -> ()
    return
  }
}

#map = affine_map<(d0, d1) -> (0, 0)>
#map1 = affine_map<(d0, d1) -> (0)>
module attributes {stable_mosaic.version = 14 : i64} {
  func.func @sc_mp(%arg0: i32, %arg1: i32, %arg2: memref<10240x128xf32, #tpu.memory_space<hbm>>, %arg3: memref<327680xi32, #tpu.memory_space<hbm>>, %arg4: memref<327680xi32, #tpu.memory_space<hbm>>, %arg5: memref<20480x128xf32, #tpu.memory_space<hbm>>, %arg6: memref<128xi32, #tpu.memory_space<vmem>>, %arg7: memref<128xi32, #tpu.memory_space<vmem>>, %arg8: memref<128xi32, #tpu.memory_space<vmem>>, %arg9: memref<128xi32, #tpu.memory_space<vmem>>, %arg10: memref<128xi32, #tpu.memory_space<vmem>>, %arg11: memref<128xi32, #tpu.memory_space<vmem>>, %arg12: memref<128xi32, #tpu.memory_space<vmem>>, %arg13: memref<128xi32, #tpu.memory_space<vmem>>, %arg14: memref<128x128xf32, #tpu.memory_space<vmem>>, %arg15: memref<128x128xf32, #tpu.memory_space<vmem>>, %arg16: memref<64x128xf32, #tpu.memory_space<vmem>>, %arg17: memref<10240x128xf32, #tpu.memory_space<vmem_shared>>, %arg18: memref<!tpu.dma_semaphore, #tpu.memory_space<semaphore_mem>>, %arg19: memref<!tpu.dma_semaphore, #tpu.memory_space<semaphore_mem>>, %arg20: memref<!tpu.dma_semaphore, #tpu.memory_space<semaphore_mem>>, %arg21: memref<!tpu.dma_semaphore, #tpu.memory_space<semaphore_mem>>, %arg22: memref<!tpu.dma_semaphore, #tpu.memory_space<semaphore_mem>>, %arg23: memref<!tpu.dma_semaphore, #tpu.memory_space<semaphore_mem>>) attributes {dimension_semantics = [#tpu.dimension_semantics<core_parallel>, #tpu.dimension_semantics<subcore_parallel>], iteration_bounds = array<i64: 2, 16>, scalar_prefetch = 0 : i64, scratch_operands = 18 : i64, tpu.core_type = #tpu.core_type<sc_vector_subcore>, window_params = [{transform_indices = #map}, {transform_indices = #map1}, {transform_indices = #map1}, {transform_indices = #map}]} {
    %mul3A = arith.constant 16 : i32
    %mul3A_0 = arith.muli %arg0, %mul3A : i32
    %add3A = arith.addi %mul3A_0, %arg1 : i32
    %mul3A_1 = arith.constant 10240 : i32
    %mul3A_2 = arith.muli %add3A, %mul3A_1 : i32
    %multiple_of3A = tpu.assume_multiple %mul3A_2, 8 : i32
    %scan3A = arith.constant 0 : i32
    %scan3A_3 = arith.constant 0 : i32
    %scan3A_4 = arith.constant 512 : i32
    %scan3A_5 = arith.addi %scan3A_3, %scan3A_4 : i32
    %scan3A_6 = arith.constant 1 : i32
    %scan3A_7 = scf.for %scan3A_121 = %scan3A_3 to %scan3A_5 step %scan3A_6 iter_args(%scan3A_122 = %scan3A) -> (i32)  : i32 {
      %jit3A = arith.constant 8 : i32
      %div3A = arith.divsi %scan3A_121, %jit3A : i32
      %sign3A = arith.constant 0 : i32
      %sign3A_123 = arith.cmpi sgt, %scan3A_121, %sign3A : i32
      %sign3A_124 = arith.extui %sign3A_123 : i1 to i32
      %sign3A_125 = arith.constant 0 : i32
      %sign3A_126 = arith.cmpi slt, %scan3A_121, %sign3A_125 : i32
      %sign3A_127 = arith.extui %sign3A_126 : i1 to i32
      %sign3A_128 = arith.subi %sign3A_124, %sign3A_127 : i32
      %sign3A_129 = arith.constant 0 : i32
      %sign3A_130 = arith.cmpi sgt, %jit3A, %sign3A_129 : i32
      %sign3A_131 = arith.extui %sign3A_130 : i1 to i32
      %sign3A_132 = arith.constant 0 : i32
      %sign3A_133 = arith.cmpi slt, %jit3A, %sign3A_132 : i32
      %sign3A_134 = arith.extui %sign3A_133 : i1 to i32
      %sign3A_135 = arith.subi %sign3A_131, %sign3A_134 : i32
      %ne3A = arith.cmpi ne, %sign3A_128, %sign3A_135 : i32
      %rem3A = arith.remsi %scan3A_121, %jit3A : i32
      %ne3A_136 = arith.constant 0 : i32
      %ne3A_137 = arith.cmpi ne, %rem3A, %ne3A_136 : i32
      %and3A = arith.andi %ne3A, %ne3A_137 : i1
      %sub3A = arith.constant 1 : i32
      %sub3A_138 = arith.subi %div3A, %sub3A : i32
      %select_n3A = arith.select %and3A, %sub3A_138, %div3A : i32
      %jit3A_139 = arith.constant 8 : i32
      %eq3A = arith.constant 0 : i32
      %eq3A_140 = arith.cmpi eq, %jit3A_139, %eq3A : i32
      %jit3A_141 = arith.constant 1 : i32
      %select_n3A_142 = arith.select %eq3A_140, %jit3A_141, %jit3A_139 : i32
      %rem3A_143 = arith.remsi %scan3A_121, %select_n3A_142 : i32
      %ne3A_144 = arith.constant 0 : i32
      %ne3A_145 = arith.cmpi ne, %rem3A_143, %ne3A_144 : i32
      %lt3A = arith.constant 0 : i32
      %lt3A_146 = arith.cmpi slt, %rem3A_143, %lt3A : i32
      %lt3A_147 = arith.constant 0 : i32
      %lt3A_148 = arith.cmpi slt, %select_n3A_142, %lt3A_147 : i32
      %ne3A_149 = arith.xori %lt3A_146, %lt3A_148 : i1
      %and3A_150 = arith.andi %ne3A_149, %ne3A_145 : i1
      %add3A_151 = arith.addi %rem3A_143, %select_n3A_142 : i32
      %select_n3A_152 = arith.select %and3A_150, %add3A_151, %rem3A_143 : i32
      %broadcast_in_dim3A = arith.constant 0.000000e+00 : f32
      %broadcast_in_dim3A_153 = vector.broadcast %broadcast_in_dim3A : f32 to vector<16xf32>
      %mul3A_154 = arith.constant 16 : i32
      %mul3A_155 = arith.muli %select_n3A_152, %mul3A_154 : i32
      %swap3A = arith.index_cast %select_n3A : i32 to index
      %swap3A_156 = arith.index_cast %mul3A_155 : i32 to index
      %swap3A_157 = tpu.vector_load %arg16[%swap3A, %swap3A_156] {strides = array<i32>} : memref<64x128xf32, #tpu.memory_space<vmem>>, vector<1x16xf32>,
      %swap3A_158 = vector.shape_cast %swap3A_157 : vector<1x16xf32> to vector<16xf32>
      %swap3A_159 = vector.shape_cast %broadcast_in_dim3A_153 : vector<16xf32> to vector<1x16xf32>
      tpu.vector_store %arg16[%swap3A, %swap3A_156], %swap3A_159 {strides = array<i32>} : memref<64x128xf32, #tpu.memory_space<vmem>>, vector<1x16xf32>,
      %scan3A_160 = arith.constant 0 : i32
      scf.yield %scan3A_160 : i32
    }
    %scan3A_8 = arith.constant 512 : i32
    %scan3A_9 = arith.constant 0 : i32
    %scan3A_10 = arith.constant 0 : i32
    %scan3A_11 = arith.constant 10 : i32
    %scan3A_12 = arith.addi %scan3A_10, %scan3A_11 : i32
    %scan3A_13 = arith.constant 1 : i32
    %scan3A_14 = scf.for %scan3A_121 = %scan3A_10 to %scan3A_12 step %scan3A_13 iter_args(%scan3A_122 = %scan3A_9) -> (i32)  : i32 {
      %mul3A_123 = arith.constant 640 : i32
      %mul3A_124 = arith.muli %arg1, %mul3A_123 : i32
      %mul3A_125 = arith.constant 64 : i32
      %mul3A_126 = arith.muli %scan3A_121, %mul3A_125 : i32
      %add3A_127 = arith.addi %mul3A_124, %mul3A_126 : i32
      "tpu.region"() ({
        %run_scoped3A = tpu.sem_alloc : memref<!tpu.dma_semaphore, #tpu.memory_space<semaphore_mem>>
        %dma_start3A_129 = arith.constant 0 : i32
        %dma_start3A_130 = tpu.memref_slice %arg17[%add3A_127, %dma_start3A_129] : memref<10240x128xf32, #tpu.memory_space<vmem_shared>> -> memref<64x128xf32, #tpu.memory_space<vmem_shared>>
        %dma_start3A_131 = arith.constant 0 : i32
        %dma_start3A_132 = tpu.memref_slice %arg17[%add3A_127, %dma_start3A_131] : memref<10240x128xf32, #tpu.memory_space<vmem_shared>> -> memref<64x128xf32, #tpu.memory_space<vmem_shared>>
        tpu.enqueue_dma source(%arg16 : memref<64x128xf32, #tpu.memory_space<vmem>>) target(%dma_start3A_132 : memref<64x128xf32, #tpu.memory_space<vmem_shared>>) target_semaphore(%run_scoped3A : memref<!tpu.dma_semaphore, #tpu.memory_space<semaphore_mem>>)
        %dma_wait3A_133 = arith.constant 0 : i32
        %dma_wait3A_134 = tpu.memref_slice %arg17[%add3A_127, %dma_wait3A_133] : memref<10240x128xf32, #tpu.memory_space<vmem_shared>> -> memref<64x128xf32, #tpu.memory_space<vmem_shared>>
        %dma_wait3A_135 = arith.constant 0 : i32
        %dma_wait3A_136 = tpu.memref_slice %arg17[%add3A_127, %dma_wait3A_135] : memref<10240x128xf32, #tpu.memory_space<vmem_shared>> -> memref<64x128xf32, #tpu.memory_space<vmem_shared>>
        tpu.wait_dma2 semaphore(%run_scoped3A : memref<!tpu.dma_semaphore, #tpu.memory_space<semaphore_mem>>) src(%arg16 : memref<64x128xf32, #tpu.memory_space<vmem>>) dst(%dma_wait3A_136 : memref<64x128xf32, #tpu.memory_space<vmem_shared>>)
        tpu.yield
      }) : () -> ()
      %scan3A_128 = arith.constant 0 : i32
      scf.yield %scan3A_128 : i32
    }
    %scan3A_15 = arith.constant 10 : i32
    %barrier3A = arith.constant 0 : index
    tpu.barrier barrier_id(%barrier3A)
    %add3A_16 = arith.constant 0 : i32
    %add3A_17 = arith.addi %multiple_of3A, %add3A_16 : i32
    %dma_start3A = tpu.memref_slice %arg3[%add3A_17] : memref<327680xi32, #tpu.memory_space<hbm>> -> memref<128xi32, #tpu.memory_space<hbm>>
    %dma_start3A_18 = tpu.memref_slice %arg3[%add3A_17] : memref<327680xi32, #tpu.memory_space<hbm>> -> memref<128xi32, #tpu.memory_space<hbm>>
    tpu.enqueue_dma source(%dma_start3A_18 : memref<128xi32, #tpu.memory_space<hbm>>) target(%arg6 : memref<128xi32, #tpu.memory_space<vmem>>) target_semaphore(%arg18 : memref<!tpu.dma_semaphore, #tpu.memory_space<semaphore_mem>>)
    %dma_start3A_19 = tpu.memref_slice %arg4[%add3A_17] : memref<327680xi32, #tpu.memory_space<hbm>> -> memref<128xi32, #tpu.memory_space<hbm>>
    %dma_start3A_20 = tpu.memref_slice %arg4[%add3A_17] : memref<327680xi32, #tpu.memory_space<hbm>> -> memref<128xi32, #tpu.memory_space<hbm>>
    tpu.enqueue_dma source(%dma_start3A_20 : memref<128xi32, #tpu.memory_space<hbm>>) target(%arg10 : memref<128xi32, #tpu.memory_space<vmem>>) target_semaphore(%arg18 : memref<!tpu.dma_semaphore, #tpu.memory_space<semaphore_mem>>)
    %add3A_21 = arith.constant 128 : i32
    %add3A_22 = arith.addi %multiple_of3A, %add3A_21 : i32
    %dma_start3A_23 = tpu.memref_slice %arg3[%add3A_22] : memref<327680xi32, #tpu.memory_space<hbm>> -> memref<128xi32, #tpu.memory_space<hbm>>
    %dma_start3A_24 = tpu.memref_slice %arg3[%add3A_22] : memref<327680xi32, #tpu.memory_space<hbm>> -> memref<128xi32, #tpu.memory_space<hbm>>
    tpu.enqueue_dma source(%dma_start3A_24 : memref<128xi32, #tpu.memory_space<hbm>>) target(%arg7 : memref<128xi32, #tpu.memory_space<vmem>>) target_semaphore(%arg19 : memref<!tpu.dma_semaphore, #tpu.memory_space<semaphore_mem>>)
    %dma_start3A_25 = tpu.memref_slice %arg4[%add3A_22] : memref<327680xi32, #tpu.memory_space<hbm>> -> memref<128xi32, #tpu.memory_space<hbm>>
    %dma_start3A_26 = tpu.memref_slice %arg4[%add3A_22] : memref<327680xi32, #tpu.memory_space<hbm>> -> memref<128xi32, #tpu.memory_space<hbm>>
    tpu.enqueue_dma source(%dma_start3A_26 : memref<128xi32, #tpu.memory_space<hbm>>) target(%arg11 : memref<128xi32, #tpu.memory_space<vmem>>) target_semaphore(%arg19 : memref<!tpu.dma_semaphore, #tpu.memory_space<semaphore_mem>>)
    %add3A_27 = arith.constant 256 : i32
    %add3A_28 = arith.addi %multiple_of3A, %add3A_27 : i32
    %dma_start3A_29 = tpu.memref_slice %arg3[%add3A_28] : memref<327680xi32, #tpu.memory_space<hbm>> -> memref<128xi32, #tpu.memory_space<hbm>>
    %dma_start3A_30 = tpu.memref_slice %arg3[%add3A_28] : memref<327680xi32, #tpu.memory_space<hbm>> -> memref<128xi32, #tpu.memory_space<hbm>>
    tpu.enqueue_dma source(%dma_start3A_30 : memref<128xi32, #tpu.memory_space<hbm>>) target(%arg8 : memref<128xi32, #tpu.memory_space<vmem>>) target_semaphore(%arg20 : memref<!tpu.dma_semaphore, #tpu.memory_space<semaphore_mem>>)
    %dma_start3A_31 = tpu.memref_slice %arg4[%add3A_28] : memref<327680xi32, #tpu.memory_space<hbm>> -> memref<128xi32, #tpu.memory_space<hbm>>
    %dma_start3A_32 = tpu.memref_slice %arg4[%add3A_28] : memref<327680xi32, #tpu.memory_space<hbm>> -> memref<128xi32, #tpu.memory_space<hbm>>
    tpu.enqueue_dma source(%dma_start3A_32 : memref<128xi32, #tpu.memory_space<hbm>>) target(%arg12 : memref<128xi32, #tpu.memory_space<vmem>>) target_semaphore(%arg20 : memref<!tpu.dma_semaphore, #tpu.memory_space<semaphore_mem>>)
    %add3A_33 = arith.constant 384 : i32
    %add3A_34 = arith.addi %multiple_of3A, %add3A_33 : i32
    %dma_start3A_35 = tpu.memref_slice %arg3[%add3A_34] : memref<327680xi32, #tpu.memory_space<hbm>> -> memref<128xi32, #tpu.memory_space<hbm>>
    %dma_start3A_36 = tpu.memref_slice %arg3[%add3A_34] : memref<327680xi32, #tpu.memory_space<hbm>> -> memref<128xi32, #tpu.memory_space<hbm>>
    tpu.enqueue_dma source(%dma_start3A_36 : memref<128xi32, #tpu.memory_space<hbm>>) target(%arg9 : memref<128xi32, #tpu.memory_space<vmem>>) target_semaphore(%arg21 : memref<!tpu.dma_semaphore, #tpu.memory_space<semaphore_mem>>)
    %dma_start3A_37 = tpu.memref_slice %arg4[%add3A_34] : memref<327680xi32, #tpu.memory_space<hbm>> -> memref<128xi32, #tpu.memory_space<hbm>>
    %dma_start3A_38 = tpu.memref_slice %arg4[%add3A_34] : memref<327680xi32, #tpu.memory_space<hbm>> -> memref<128xi32, #tpu.memory_space<hbm>>
    tpu.enqueue_dma source(%dma_start3A_38 : memref<128xi32, #tpu.memory_space<hbm>>) target(%arg13 : memref<128xi32, #tpu.memory_space<vmem>>) target_semaphore(%arg21 : memref<!tpu.dma_semaphore, #tpu.memory_space<semaphore_mem>>)
    %dma_wait3A = arith.constant 0 : i32
    %dma_wait3A_39 = tpu.memref_slice %arg3[%dma_wait3A] : memref<327680xi32, #tpu.memory_space<hbm>> -> memref<128xi32, #tpu.memory_space<hbm>>
    %dma_wait3A_40 = arith.constant 0 : i32
    %dma_wait3A_41 = tpu.memref_slice %arg3[%dma_wait3A_40] : memref<327680xi32, #tpu.memory_space<hbm>> -> memref<128xi32, #tpu.memory_space<hbm>>
    tpu.wait_dma2 semaphore(%arg18 : memref<!tpu.dma_semaphore, #tpu.memory_space<semaphore_mem>>) src(%dma_wait3A_41 : memref<128xi32, #tpu.memory_space<hbm>>) dst(%arg6 : memref<128xi32, #tpu.memory_space<vmem>>)
    %dma_wait3A_42 = arith.constant 0 : i32
    %dma_wait3A_43 = tpu.memref_slice %arg4[%dma_wait3A_42] : memref<327680xi32, #tpu.memory_space<hbm>> -> memref<128xi32, #tpu.memory_space<hbm>>
    %dma_wait3A_44 = arith.constant 0 : i32
    %dma_wait3A_45 = tpu.memref_slice %arg4[%dma_wait3A_44] : memref<327680xi32, #tpu.memory_space<hbm>> -> memref<128xi32, #tpu.memory_space<hbm>>
    tpu.wait_dma2 semaphore(%arg18 : memref<!tpu.dma_semaphore, #tpu.memory_space<semaphore_mem>>) src(%dma_wait3A_45 : memref<128xi32, #tpu.memory_space<hbm>>) dst(%arg10 : memref<128xi32, #tpu.memory_space<vmem>>)
    %dma_start3A_46 = arith.constant 0 : i32
    %dma_start3A_47 = arith.constant 0 : i32
    %dma_start3A_48 = tpu.memref_slice %arg2[%dma_start3A_46, %dma_start3A_47] : memref<10240x128xf32, #tpu.memory_space<hbm>> -> memref<10240x128xf32, #tpu.memory_space<hbm>>
    tpu.enqueue_indirect_dma source(%dma_start3A_48 : memref<10240x128xf32, #tpu.memory_space<hbm>>) target(%arg14 : memref<128x128xf32, #tpu.memory_space<vmem>>) offsets(%arg6 : memref<128xi32, #tpu.memory_space<vmem>>) semaphore(%arg22 : memref<!tpu.dma_semaphore, #tpu.memory_space<semaphore_mem>>)
    %dma_wait3A_49 = arith.constant 0 : i32
    %dma_wait3A_50 = tpu.memref_slice %arg3[%dma_wait3A_49] : memref<327680xi32, #tpu.memory_space<hbm>> -> memref<128xi32, #tpu.memory_space<hbm>>
    %dma_wait3A_51 = arith.constant 0 : i32
    %dma_wait3A_52 = tpu.memref_slice %arg3[%dma_wait3A_51] : memref<327680xi32, #tpu.memory_space<hbm>> -> memref<128xi32, #tpu.memory_space<hbm>>
    tpu.wait_dma2 semaphore(%arg19 : memref<!tpu.dma_semaphore, #tpu.memory_space<semaphore_mem>>) src(%dma_wait3A_52 : memref<128xi32, #tpu.memory_space<hbm>>) dst(%arg7 : memref<128xi32, #tpu.memory_space<vmem>>)
    %dma_wait3A_53 = arith.constant 0 : i32
    %dma_wait3A_54 = tpu.memref_slice %arg4[%dma_wait3A_53] : memref<327680xi32, #tpu.memory_space<hbm>> -> memref<128xi32, #tpu.memory_space<hbm>>
    %dma_wait3A_55 = arith.constant 0 : i32
    %dma_wait3A_56 = tpu.memref_slice %arg4[%dma_wait3A_55] : memref<327680xi32, #tpu.memory_space<hbm>> -> memref<128xi32, #tpu.memory_space<hbm>>
    tpu.wait_dma2 semaphore(%arg19 : memref<!tpu.dma_semaphore, #tpu.memory_space<semaphore_mem>>) src(%dma_wait3A_56 : memref<128xi32, #tpu.memory_space<hbm>>) dst(%arg11 : memref<128xi32, #tpu.memory_space<vmem>>)
    %dma_start3A_57 = arith.constant 0 : i32
    %dma_start3A_58 = arith.constant 0 : i32
    %dma_start3A_59 = tpu.memref_slice %arg2[%dma_start3A_57, %dma_start3A_58] : memref<10240x128xf32, #tpu.memory_space<hbm>> -> memref<10240x128xf32, #tpu.memory_space<hbm>>
    tpu.enqueue_indirect_dma source(%dma_start3A_59 : memref<10240x128xf32, #tpu.memory_space<hbm>>) target(%arg15 : memref<128x128xf32, #tpu.memory_space<vmem>>) offsets(%arg7 : memref<128xi32, #tpu.memory_space<vmem>>) semaphore(%arg23 : memref<!tpu.dma_semaphore, #tpu.memory_space<semaphore_mem>>)
    %scan3A_60 = arith.constant 0 : i32
    %scan3A_61 = arith.constant 0 : i32
    %scan3A_62 = arith.constant 19 : i32
    %scan3A_63 = arith.addi %scan3A_61, %scan3A_62 : i32
    %scan3A_64 = arith.constant 1 : i32
    %scan3A_65 = scf.for %scan3A_121 = %scan3A_61 to %scan3A_63 step %scan3A_64 iter_args(%scan3A_122 = %scan3A_60) -> (i32)  : i32 {
      %mul3A_123 = arith.constant 4 : i32
      %mul3A_124 = arith.muli %scan3A_121, %mul3A_123 : i32
      %add3A_125 = arith.constant 0 : i32
      %add3A_126 = arith.addi %mul3A_124, %add3A_125 : i32
      %dma_wait3A_127 = arith.constant 0 : i32
      %dma_wait3A_128 = arith.constant 0 : i32
      %dma_wait3A_129 = tpu.memref_slice %arg2[%dma_wait3A_127, %dma_wait3A_128] : memref<10240x128xf32, #tpu.memory_space<hbm>> -> memref<128x128xf32, #tpu.memory_space<hbm>>
      %dma_wait3A_130 = arith.constant 0 : i32
      %dma_wait3A_131 = arith.constant 0 : i32
      %dma_wait3A_132 = tpu.memref_slice %arg2[%dma_wait3A_130, %dma_wait3A_131] : memref<10240x128xf32, #tpu.memory_space<hbm>> -> memref<128x128xf32, #tpu.memory_space<hbm>>
      tpu.wait_dma2 semaphore(%arg22 : memref<!tpu.dma_semaphore, #tpu.memory_space<semaphore_mem>>) src(%dma_wait3A_132 : memref<128x128xf32, #tpu.memory_space<hbm>>) dst(%arg14 : memref<128x128xf32, #tpu.memory_space<vmem>>)
      "tpu.region"() ({
        %run_scoped3A = tpu.sem_alloc : memref<!tpu.dma_semaphore, #tpu.memory_space<semaphore_mem>>
        %dma_start3A_233 = arith.constant 0 : i32
        %dma_start3A_234 = arith.constant 0 : i32
        %dma_start3A_235 = tpu.memref_slice %arg17[%dma_start3A_233, %dma_start3A_234] : memref<10240x128xf32, #tpu.memory_space<vmem_shared>> -> memref<10240x128xf32, #tpu.memory_space<vmem_shared>>
        tpu.enqueue_indirect_dma source(%arg14 : memref<128x128xf32, #tpu.memory_space<vmem>>) target(%dma_start3A_235 : memref<10240x128xf32, #tpu.memory_space<vmem_shared>>) offsets(%arg10 : memref<128xi32, #tpu.memory_space<vmem>>) semaphore(%run_scoped3A : memref<!tpu.dma_semaphore, #tpu.memory_space<semaphore_mem>>) {add = true}
        %dma_wait3A_236 = arith.constant 0 : i32
        %dma_wait3A_237 = arith.constant 0 : i32
        %dma_wait3A_238 = tpu.memref_slice %arg17[%dma_wait3A_236, %dma_wait3A_237] : memref<10240x128xf32, #tpu.memory_space<vmem_shared>> -> memref<10240x128xf32, #tpu.memory_space<vmem_shared>>
        tpu.wait_indirect_dma semaphore(%run_scoped3A : memref<!tpu.dma_semaphore, #tpu.memory_space<semaphore_mem>>) src(%arg14 : memref<128x128xf32, #tpu.memory_space<vmem>>) dst(%dma_wait3A_238 : memref<10240x128xf32, #tpu.memory_space<vmem_shared>>)
        tpu.yield
      }) : () -> ()
      %dma_wait3A_133 = arith.constant 0 : i32
      %dma_wait3A_134 = tpu.memref_slice %arg3[%dma_wait3A_133] : memref<327680xi32, #tpu.memory_space<hbm>> -> memref<128xi32, #tpu.memory_space<hbm>>
      %dma_wait3A_135 = arith.constant 0 : i32
      %dma_wait3A_136 = tpu.memref_slice %arg3[%dma_wait3A_135] : memref<327680xi32, #tpu.memory_space<hbm>> -> memref<128xi32, #tpu.memory_space<hbm>>
      tpu.wait_dma2 semaphore(%arg20 : memref<!tpu.dma_semaphore, #tpu.memory_space<semaphore_mem>>) src(%dma_wait3A_136 : memref<128xi32, #tpu.memory_space<hbm>>) dst(%arg8 : memref<128xi32, #tpu.memory_space<vmem>>)
      %dma_wait3A_137 = arith.constant 0 : i32
      %dma_wait3A_138 = tpu.memref_slice %arg4[%dma_wait3A_137] : memref<327680xi32, #tpu.memory_space<hbm>> -> memref<128xi32, #tpu.memory_space<hbm>>
      %dma_wait3A_139 = arith.constant 0 : i32
      %dma_wait3A_140 = tpu.memref_slice %arg4[%dma_wait3A_139] : memref<327680xi32, #tpu.memory_space<hbm>> -> memref<128xi32, #tpu.memory_space<hbm>>
      tpu.wait_dma2 semaphore(%arg20 : memref<!tpu.dma_semaphore, #tpu.memory_space<semaphore_mem>>) src(%dma_wait3A_140 : memref<128xi32, #tpu.memory_space<hbm>>) dst(%arg12 : memref<128xi32, #tpu.memory_space<vmem>>)
      %dma_start3A_141 = arith.constant 0 : i32
      %dma_start3A_142 = arith.constant 0 : i32
      %dma_start3A_143 = tpu.memref_slice %arg2[%dma_start3A_141, %dma_start3A_142] : memref<10240x128xf32, #tpu.memory_space<hbm>> -> memref<10240x128xf32, #tpu.memory_space<hbm>>
      tpu.enqueue_indirect_dma source(%dma_start3A_143 : memref<10240x128xf32, #tpu.memory_space<hbm>>) target(%arg14 : memref<128x128xf32, #tpu.memory_space<vmem>>) offsets(%arg8 : memref<128xi32, #tpu.memory_space<vmem>>) semaphore(%arg22 : memref<!tpu.dma_semaphore, #tpu.memory_space<semaphore_mem>>)
      %add3A_144 = arith.constant 4 : i32
      %add3A_145 = arith.addi %add3A_126, %add3A_144 : i32
      %lt3A = arith.constant 80 : i32
      %lt3A_146 = arith.cmpi slt, %add3A_145, %lt3A : i32
      %convert_element_type3A = arith.extui %lt3A_146 : i1 to i32
      %cond3A = arith.constant 0 : i32
      %cond3A_147 = arith.cmpi ne, %convert_element_type3A, %cond3A : i32
      scf.if %cond3A_147 {
        %add3A_233 = arith.constant 4 : i32
        %add3A_234 = arith.addi %add3A_126, %add3A_233 : i32
        %mul3A_235 = arith.constant 128 : i32
        %mul3A_236 = arith.muli %add3A_234, %mul3A_235 : i32
        %add3A_237 = arith.addi %multiple_of3A, %mul3A_236 : i32
        %dma_start3A_238 = tpu.memref_slice %arg3[%add3A_237] : memref<327680xi32, #tpu.memory_space<hbm>> -> memref<128xi32, #tpu.memory_space<hbm>>
        %dma_start3A_239 = tpu.memref_slice %arg3[%add3A_237] : memref<327680xi32, #tpu.memory_space<hbm>> -> memref<128xi32, #tpu.memory_space<hbm>>
        tpu.enqueue_dma source(%dma_start3A_239 : memref<128xi32, #tpu.memory_space<hbm>>) target(%arg6 : memref<128xi32, #tpu.memory_space<vmem>>) target_semaphore(%arg18 : memref<!tpu.dma_semaphore, #tpu.memory_space<semaphore_mem>>)
        %dma_start3A_240 = tpu.memref_slice %arg4[%add3A_237] : memref<327680xi32, #tpu.memory_space<hbm>> -> memref<128xi32, #tpu.memory_space<hbm>>
        %dma_start3A_241 = tpu.memref_slice %arg4[%add3A_237] : memref<327680xi32, #tpu.memory_space<hbm>> -> memref<128xi32, #tpu.memory_space<hbm>>
        tpu.enqueue_dma source(%dma_start3A_241 : memref<128xi32, #tpu.memory_space<hbm>>) target(%arg10 : memref<128xi32, #tpu.memory_space<vmem>>) target_semaphore(%arg18 : memref<!tpu.dma_semaphore, #tpu.memory_space<semaphore_mem>>)
      } else {
      }
      %mul3A_148 = arith.constant 4 : i32
      %mul3A_149 = arith.muli %scan3A_121, %mul3A_148 : i32
      %add3A_150 = arith.constant 1 : i32
      %add3A_151 = arith.addi %mul3A_149, %add3A_150 : i32
      %dma_wait3A_152 = arith.constant 0 : i32
      %dma_wait3A_153 = arith.constant 0 : i32
      %dma_wait3A_154 = tpu.memref_slice %arg2[%dma_wait3A_152, %dma_wait3A_153] : memref<10240x128xf32, #tpu.memory_space<hbm>> -> memref<128x128xf32, #tpu.memory_space<hbm>>
      %dma_wait3A_155 = arith.constant 0 : i32
      %dma_wait3A_156 = arith.constant 0 : i32
      %dma_wait3A_157 = tpu.memref_slice %arg2[%dma_wait3A_155, %dma_wait3A_156] : memref<10240x128xf32, #tpu.memory_space<hbm>> -> memref<128x128xf32, #tpu.memory_space<hbm>>
      tpu.wait_dma2 semaphore(%arg23 : memref<!tpu.dma_semaphore, #tpu.memory_space<semaphore_mem>>) src(%dma_wait3A_157 : memref<128x128xf32, #tpu.memory_space<hbm>>) dst(%arg15 : memref<128x128xf32, #tpu.memory_space<vmem>>)
      "tpu.region"() ({
        %run_scoped3A = tpu.sem_alloc : memref<!tpu.dma_semaphore, #tpu.memory_space<semaphore_mem>>
        %dma_start3A_233 = arith.constant 0 : i32
        %dma_start3A_234 = arith.constant 0 : i32
        %dma_start3A_235 = tpu.memref_slice %arg17[%dma_start3A_233, %dma_start3A_234] : memref<10240x128xf32, #tpu.memory_space<vmem_shared>> -> memref<10240x128xf32, #tpu.memory_space<vmem_shared>>
        tpu.enqueue_indirect_dma source(%arg15 : memref<128x128xf32, #tpu.memory_space<vmem>>) target(%dma_start3A_235 : memref<10240x128xf32, #tpu.memory_space<vmem_shared>>) offsets(%arg11 : memref<128xi32, #tpu.memory_space<vmem>>) semaphore(%run_scoped3A : memref<!tpu.dma_semaphore, #tpu.memory_space<semaphore_mem>>) {add = true}
        %dma_wait3A_236 = arith.constant 0 : i32
        %dma_wait3A_237 = arith.constant 0 : i32
        %dma_wait3A_238 = tpu.memref_slice %arg17[%dma_wait3A_236, %dma_wait3A_237] : memref<10240x128xf32, #tpu.memory_space<vmem_shared>> -> memref<10240x128xf32, #tpu.memory_space<vmem_shared>>
        tpu.wait_indirect_dma semaphore(%run_scoped3A : memref<!tpu.dma_semaphore, #tpu.memory_space<semaphore_mem>>) src(%arg15 : memref<128x128xf32, #tpu.memory_space<vmem>>) dst(%dma_wait3A_238 : memref<10240x128xf32, #tpu.memory_space<vmem_shared>>)
        tpu.yield
      }) : () -> ()
      %dma_wait3A_158 = arith.constant 0 : i32
      %dma_wait3A_159 = tpu.memref_slice %arg3[%dma_wait3A_158] : memref<327680xi32, #tpu.memory_space<hbm>> -> memref<128xi32, #tpu.memory_space<hbm>>
      %dma_wait3A_160 = arith.constant 0 : i32
      %dma_wait3A_161 = tpu.memref_slice %arg3[%dma_wait3A_160] : memref<327680xi32, #tpu.memory_space<hbm>> -> memref<128xi32, #tpu.memory_space<hbm>>
      tpu.wait_dma2 semaphore(%arg21 : memref<!tpu.dma_semaphore, #tpu.memory_space<semaphore_mem>>) src(%dma_wait3A_161 : memref<128xi32, #tpu.memory_space<hbm>>) dst(%arg9 : memref<128xi32, #tpu.memory_space<vmem>>)
      %dma_wait3A_162 = arith.constant 0 : i32
      %dma_wait3A_163 = tpu.memref_slice %arg4[%dma_wait3A_162] : memref<327680xi32, #tpu.memory_space<hbm>> -> memref<128xi32, #tpu.memory_space<hbm>>
      %dma_wait3A_164 = arith.constant 0 : i32
      %dma_wait3A_165 = tpu.memref_slice %arg4[%dma_wait3A_164] : memref<327680xi32, #tpu.memory_space<hbm>> -> memref<128xi32, #tpu.memory_space<hbm>>
      tpu.wait_dma2 semaphore(%arg21 : memref<!tpu.dma_semaphore, #tpu.memory_space<semaphore_mem>>) src(%dma_wait3A_165 : memref<128xi32, #tpu.memory_space<hbm>>) dst(%arg13 : memref<128xi32, #tpu.memory_space<vmem>>)
      %dma_start3A_166 = arith.constant 0 : i32
      %dma_start3A_167 = arith.constant 0 : i32
      %dma_start3A_168 = tpu.memref_slice %arg2[%dma_start3A_166, %dma_start3A_167] : memref<10240x128xf32, #tpu.memory_space<hbm>> -> memref<10240x128xf32, #tpu.memory_space<hbm>>
      tpu.enqueue_indirect_dma source(%dma_start3A_168 : memref<10240x128xf32, #tpu.memory_space<hbm>>) target(%arg15 : memref<128x128xf32, #tpu.memory_space<vmem>>) offsets(%arg9 : memref<128xi32, #tpu.memory_space<vmem>>) semaphore(%arg23 : memref<!tpu.dma_semaphore, #tpu.memory_space<semaphore_mem>>)
      %add3A_169 = arith.constant 4 : i32
      %add3A_170 = arith.addi %add3A_151, %add3A_169 : i32
      %lt3A_171 = arith.constant 80 : i32
      %lt3A_172 = arith.cmpi slt, %add3A_170, %lt3A_171 : i32
      %convert_element_type3A_173 = arith.extui %lt3A_172 : i1 to i32
      %cond3A_174 = arith.constant 0 : i32
      %cond3A_175 = arith.cmpi ne, %convert_element_type3A_173, %cond3A_174 : i32
      scf.if %cond3A_175 {
        %add3A_233 = arith.constant 4 : i32
        %add3A_234 = arith.addi %add3A_151, %add3A_233 : i32
        %mul3A_235 = arith.constant 128 : i32
        %mul3A_236 = arith.muli %add3A_234, %mul3A_235 : i32
        %add3A_237 = arith.addi %multiple_of3A, %mul3A_236 : i32
        %dma_start3A_238 = tpu.memref_slice %arg3[%add3A_237] : memref<327680xi32, #tpu.memory_space<hbm>> -> memref<128xi32, #tpu.memory_space<hbm>>
        %dma_start3A_239 = tpu.memref_slice %arg3[%add3A_237] : memref<327680xi32, #tpu.memory_space<hbm>> -> memref<128xi32, #tpu.memory_space<hbm>>
        tpu.enqueue_dma source(%dma_start3A_239 : memref<128xi32, #tpu.memory_space<hbm>>) target(%arg7 : memref<128xi32, #tpu.memory_space<vmem>>) target_semaphore(%arg19 : memref<!tpu.dma_semaphore, #tpu.memory_space<semaphore_mem>>)
        %dma_start3A_240 = tpu.memref_slice %arg4[%add3A_237] : memref<327680xi32, #tpu.memory_space<hbm>> -> memref<128xi32, #tpu.memory_space<hbm>>
        %dma_start3A_241 = tpu.memref_slice %arg4[%add3A_237] : memref<327680xi32, #tpu.memory_space<hbm>> -> memref<128xi32, #tpu.memory_space<hbm>>
        tpu.enqueue_dma source(%dma_start3A_241 : memref<128xi32, #tpu.memory_space<hbm>>) target(%arg11 : memref<128xi32, #tpu.memory_space<vmem>>) target_semaphore(%arg19 : memref<!tpu.dma_semaphore, #tpu.memory_space<semaphore_mem>>)
      } else {
      }
      %mul3A_176 = arith.constant 4 : i32
      %mul3A_177 = arith.muli %scan3A_121, %mul3A_176 : i32
      %add3A_178 = arith.constant 2 : i32
      %add3A_179 = arith.addi %mul3A_177, %add3A_178 : i32
      %dma_wait3A_180 = arith.constant 0 : i32
      %dma_wait3A_181 = arith.constant 0 : i32
      %dma_wait3A_182 = tpu.memref_slice %arg2[%dma_wait3A_180, %dma_wait3A_181] : memref<10240x128xf32, #tpu.memory_space<hbm>> -> memref<128x128xf32, #tpu.memory_space<hbm>>
      %dma_wait3A_183 = arith.constant 0 : i32
      %dma_wait3A_184 = arith.constant 0 : i32
      %dma_wait3A_185 = tpu.memref_slice %arg2[%dma_wait3A_183, %dma_wait3A_184] : memref<10240x128xf32, #tpu.memory_space<hbm>> -> memref<128x128xf32, #tpu.memory_space<hbm>>
      tpu.wait_dma2 semaphore(%arg22 : memref<!tpu.dma_semaphore, #tpu.memory_space<semaphore_mem>>) src(%dma_wait3A_185 : memref<128x128xf32, #tpu.memory_space<hbm>>) dst(%arg14 : memref<128x128xf32, #tpu.memory_space<vmem>>)
      "tpu.region"() ({
        %run_scoped3A = tpu.sem_alloc : memref<!tpu.dma_semaphore, #tpu.memory_space<semaphore_mem>>
        %dma_start3A_233 = arith.constant 0 : i32
        %dma_start3A_234 = arith.constant 0 : i32
        %dma_start3A_235 = tpu.memref_slice %arg17[%dma_start3A_233, %dma_start3A_234] : memref<10240x128xf32, #tpu.memory_space<vmem_shared>> -> memref<10240x128xf32, #tpu.memory_space<vmem_shared>>
        tpu.enqueue_indirect_dma source(%arg14 : memref<128x128xf32, #tpu.memory_space<vmem>>) target(%dma_start3A_235 : memref<10240x128xf32, #tpu.memory_space<vmem_shared>>) offsets(%arg12 : memref<128xi32, #tpu.memory_space<vmem>>) semaphore(%run_scoped3A : memref<!tpu.dma_semaphore, #tpu.memory_space<semaphore_mem>>) {add = true}
        %dma_wait3A_236 = arith.constant 0 : i32
        %dma_wait3A_237 = arith.constant 0 : i32
        %dma_wait3A_238 = tpu.memref_slice %arg17[%dma_wait3A_236, %dma_wait3A_237] : memref<10240x128xf32, #tpu.memory_space<vmem_shared>> -> memref<10240x128xf32, #tpu.memory_space<vmem_shared>>
        tpu.wait_indirect_dma semaphore(%run_scoped3A : memref<!tpu.dma_semaphore, #tpu.memory_space<semaphore_mem>>) src(%arg14 : memref<128x128xf32, #tpu.memory_space<vmem>>) dst(%dma_wait3A_238 : memref<10240x128xf32, #tpu.memory_space<vmem_shared>>)
        tpu.yield
      }) : () -> ()
      %dma_wait3A_186 = arith.constant 0 : i32
      %dma_wait3A_187 = tpu.memref_slice %arg3[%dma_wait3A_186] : memref<327680xi32, #tpu.memory_space<hbm>> -> memref<128xi32, #tpu.memory_space<hbm>>
      %dma_wait3A_188 = arith.constant 0 : i32
      %dma_wait3A_189 = tpu.memref_slice %arg3[%dma_wait3A_188] : memref<327680xi32, #tpu.memory_space<hbm>> -> memref<128xi32, #tpu.memory_space<hbm>>
      tpu.wait_dma2 semaphore(%arg18 : memref<!tpu.dma_semaphore, #tpu.memory_space<semaphore_mem>>) src(%dma_wait3A_189 : memref<128xi32, #tpu.memory_space<hbm>>) dst(%arg6 : memref<128xi32, #tpu.memory_space<vmem>>)
      %dma_wait3A_190 = arith.constant 0 : i32
      %dma_wait3A_191 = tpu.memref_slice %arg4[%dma_wait3A_190] : memref<327680xi32, #tpu.memory_space<hbm>> -> memref<128xi32, #tpu.memory_space<hbm>>
      %dma_wait3A_192 = arith.constant 0 : i32
      %dma_wait3A_193 = tpu.memref_slice %arg4[%dma_wait3A_192] : memref<327680xi32, #tpu.memory_space<hbm>> -> memref<128xi32, #tpu.memory_space<hbm>>
      tpu.wait_dma2 semaphore(%arg18 : memref<!tpu.dma_semaphore, #tpu.memory_space<semaphore_mem>>) src(%dma_wait3A_193 : memref<128xi32, #tpu.memory_space<hbm>>) dst(%arg10 : memref<128xi32, #tpu.memory_space<vmem>>)
      %dma_start3A_194 = arith.constant 0 : i32
      %dma_start3A_195 = arith.constant 0 : i32
      %dma_start3A_196 = tpu.memref_slice %arg2[%dma_start3A_194, %dma_start3A_195] : memref<10240x128xf32, #tpu.memory_space<hbm>> -> memref<10240x128xf32, #tpu.memory_space<hbm>>
      tpu.enqueue_indirect_dma source(%dma_start3A_196 : memref<10240x128xf32, #tpu.memory_space<hbm>>) target(%arg14 : memref<128x128xf32, #tpu.memory_space<vmem>>) offsets(%arg6 : memref<128xi32, #tpu.memory_space<vmem>>) semaphore(%arg22 : memref<!tpu.dma_semaphore, #tpu.memory_space<semaphore_mem>>)
      %add3A_197 = arith.constant 4 : i32
      %add3A_198 = arith.addi %add3A_179, %add3A_197 : i32
      %lt3A_199 = arith.constant 80 : i32
      %lt3A_200 = arith.cmpi slt, %add3A_198, %lt3A_199 : i32
      %convert_element_type3A_201 = arith.extui %lt3A_200 : i1 to i32
      %cond3A_202 = arith.constant 0 : i32
      %cond3A_203 = arith.cmpi ne, %convert_element_type3A_201, %cond3A_202 : i32
      scf.if %cond3A_203 {
        %add3A_233 = arith.constant 4 : i32
        %add3A_234 = arith.addi %add3A_179, %add3A_233 : i32
        %mul3A_235 = arith.constant 128 : i32
        %mul3A_236 = arith.muli %add3A_234, %mul3A_235 : i32
        %add3A_237 = arith.addi %multiple_of3A, %mul3A_236 : i32
        %dma_start3A_238 = tpu.memref_slice %arg3[%add3A_237] : memref<327680xi32, #tpu.memory_space<hbm>> -> memref<128xi32, #tpu.memory_space<hbm>>
        %dma_start3A_239 = tpu.memref_slice %arg3[%add3A_237] : memref<327680xi32, #tpu.memory_space<hbm>> -> memref<128xi32, #tpu.memory_space<hbm>>
        tpu.enqueue_dma source(%dma_start3A_239 : memref<128xi32, #tpu.memory_space<hbm>>) target(%arg8 : memref<128xi32, #tpu.memory_space<vmem>>) target_semaphore(%arg20 : memref<!tpu.dma_semaphore, #tpu.memory_space<semaphore_mem>>)
        %dma_start3A_240 = tpu.memref_slice %arg4[%add3A_237] : memref<327680xi32, #tpu.memory_space<hbm>> -> memref<128xi32, #tpu.memory_space<hbm>>
        %dma_start3A_241 = tpu.memref_slice %arg4[%add3A_237] : memref<327680xi32, #tpu.memory_space<hbm>> -> memref<128xi32, #tpu.memory_space<hbm>>
        tpu.enqueue_dma source(%dma_start3A_241 : memref<128xi32, #tpu.memory_space<hbm>>) target(%arg12 : memref<128xi32, #tpu.memory_space<vmem>>) target_semaphore(%arg20 : memref<!tpu.dma_semaphore, #tpu.memory_space<semaphore_mem>>)
      } else {
      }
      %mul3A_204 = arith.constant 4 : i32
      %mul3A_205 = arith.muli %scan3A_121, %mul3A_204 : i32
      %add3A_206 = arith.constant 3 : i32
      %add3A_207 = arith.addi %mul3A_205, %add3A_206 : i32
      %dma_wait3A_208 = arith.constant 0 : i32
      %dma_wait3A_209 = arith.constant 0 : i32
      %dma_wait3A_210 = tpu.memref_slice %arg2[%dma_wait3A_208, %dma_wait3A_209] : memref<10240x128xf32, #tpu.memory_space<hbm>> -> memref<128x128xf32, #tpu.memory_space<hbm>>
      %dma_wait3A_211 = arith.constant 0 : i32
      %dma_wait3A_212 = arith.constant 0 : i32
      %dma_wait3A_213 = tpu.memref_slice %arg2[%dma_wait3A_211, %dma_wait3A_212] : memref<10240x128xf32, #tpu.memory_space<hbm>> -> memref<128x128xf32, #tpu.memory_space<hbm>>
      tpu.wait_dma2 semaphore(%arg23 : memref<!tpu.dma_semaphore, #tpu.memory_space<semaphore_mem>>) src(%dma_wait3A_213 : memref<128x128xf32, #tpu.memory_space<hbm>>) dst(%arg15 : memref<128x128xf32, #tpu.memory_space<vmem>>)
      "tpu.region"() ({
        %run_scoped3A = tpu.sem_alloc : memref<!tpu.dma_semaphore, #tpu.memory_space<semaphore_mem>>
        %dma_start3A_233 = arith.constant 0 : i32
        %dma_start3A_234 = arith.constant 0 : i32
        %dma_start3A_235 = tpu.memref_slice %arg17[%dma_start3A_233, %dma_start3A_234] : memref<10240x128xf32, #tpu.memory_space<vmem_shared>> -> memref<10240x128xf32, #tpu.memory_space<vmem_shared>>
        tpu.enqueue_indirect_dma source(%arg15 : memref<128x128xf32, #tpu.memory_space<vmem>>) target(%dma_start3A_235 : memref<10240x128xf32, #tpu.memory_space<vmem_shared>>) offsets(%arg13 : memref<128xi32, #tpu.memory_space<vmem>>) semaphore(%run_scoped3A : memref<!tpu.dma_semaphore, #tpu.memory_space<semaphore_mem>>) {add = true}
        %dma_wait3A_236 = arith.constant 0 : i32
        %dma_wait3A_237 = arith.constant 0 : i32
        %dma_wait3A_238 = tpu.memref_slice %arg17[%dma_wait3A_236, %dma_wait3A_237] : memref<10240x128xf32, #tpu.memory_space<vmem_shared>> -> memref<10240x128xf32, #tpu.memory_space<vmem_shared>>
        tpu.wait_indirect_dma semaphore(%run_scoped3A : memref<!tpu.dma_semaphore, #tpu.memory_space<semaphore_mem>>) src(%arg15 : memref<128x128xf32, #tpu.memory_space<vmem>>) dst(%dma_wait3A_238 : memref<10240x128xf32, #tpu.memory_space<vmem_shared>>)
        tpu.yield
      }) : () -> ()
      %dma_wait3A_214 = arith.constant 0 : i32
      %dma_wait3A_215 = tpu.memref_slice %arg3[%dma_wait3A_214] : memref<327680xi32, #tpu.memory_space<hbm>> -> memref<128xi32, #tpu.memory_space<hbm>>
      %dma_wait3A_216 = arith.constant 0 : i32
      %dma_wait3A_217 = tpu.memref_slice %arg3[%dma_wait3A_216] : memref<327680xi32, #tpu.memory_space<hbm>> -> memref<128xi32, #tpu.memory_space<hbm>>
      tpu.wait_dma2 semaphore(%arg19 : memref<!tpu.dma_semaphore, #tpu.memory_space<semaphore_mem>>) src(%dma_wait3A_217 : memref<128xi32, #tpu.memory_space<hbm>>) dst(%arg7 : memref<128xi32, #tpu.memory_space<vmem>>)
      %dma_wait3A_218 = arith.constant 0 : i32
      %dma_wait3A_219 = tpu.memref_slice %arg4[%dma_wait3A_218] : memref<327680xi32, #tpu.memory_space<hbm>> -> memref<128xi32, #tpu.memory_space<hbm>>
      %dma_wait3A_220 = arith.constant 0 : i32
      %dma_wait3A_221 = tpu.memref_slice %arg4[%dma_wait3A_220] : memref<327680xi32, #tpu.memory_space<hbm>> -> memref<128xi32, #tpu.memory_space<hbm>>
      tpu.wait_dma2 semaphore(%arg19 : memref<!tpu.dma_semaphore, #tpu.memory_space<semaphore_mem>>) src(%dma_wait3A_221 : memref<128xi32, #tpu.memory_space<hbm>>) dst(%arg11 : memref<128xi32, #tpu.memory_space<vmem>>)
      %dma_start3A_222 = arith.constant 0 : i32
      %dma_start3A_223 = arith.constant 0 : i32
      %dma_start3A_224 = tpu.memref_slice %arg2[%dma_start3A_222, %dma_start3A_223] : memref<10240x128xf32, #tpu.memory_space<hbm>> -> memref<10240x128xf32, #tpu.memory_space<hbm>>
      tpu.enqueue_indirect_dma source(%dma_start3A_224 : memref<10240x128xf32, #tpu.memory_space<hbm>>) target(%arg15 : memref<128x128xf32, #tpu.memory_space<vmem>>) offsets(%arg7 : memref<128xi32, #tpu.memory_space<vmem>>) semaphore(%arg23 : memref<!tpu.dma_semaphore, #tpu.memory_space<semaphore_mem>>)
      %add3A_225 = arith.constant 4 : i32
      %add3A_226 = arith.addi %add3A_207, %add3A_225 : i32
      %lt3A_227 = arith.constant 80 : i32
      %lt3A_228 = arith.cmpi slt, %add3A_226, %lt3A_227 : i32
      %convert_element_type3A_229 = arith.extui %lt3A_228 : i1 to i32
      %cond3A_230 = arith.constant 0 : i32
      %cond3A_231 = arith.cmpi ne, %convert_element_type3A_229, %cond3A_230 : i32
      scf.if %cond3A_231 {
        %add3A_233 = arith.constant 4 : i32
        %add3A_234 = arith.addi %add3A_207, %add3A_233 : i32
        %mul3A_235 = arith.constant 128 : i32
        %mul3A_236 = arith.muli %add3A_234, %mul3A_235 : i32
        %add3A_237 = arith.addi %multiple_of3A, %mul3A_236 : i32
        %dma_start3A_238 = tpu.memref_slice %arg3[%add3A_237] : memref<327680xi32, #tpu.memory_space<hbm>> -> memref<128xi32, #tpu.memory_space<hbm>>
        %dma_start3A_239 = tpu.memref_slice %arg3[%add3A_237] : memref<327680xi32, #tpu.memory_space<hbm>> -> memref<128xi32, #tpu.memory_space<hbm>>
        tpu.enqueue_dma source(%dma_start3A_239 : memref<128xi32, #tpu.memory_space<hbm>>) target(%arg9 : memref<128xi32, #tpu.memory_space<vmem>>) target_semaphore(%arg21 : memref<!tpu.dma_semaphore, #tpu.memory_space<semaphore_mem>>)
        %dma_start3A_240 = tpu.memref_slice %arg4[%add3A_237] : memref<327680xi32, #tpu.memory_space<hbm>> -> memref<128xi32, #tpu.memory_space<hbm>>
        %dma_start3A_241 = tpu.memref_slice %arg4[%add3A_237] : memref<327680xi32, #tpu.memory_space<hbm>> -> memref<128xi32, #tpu.memory_space<hbm>>
        tpu.enqueue_dma source(%dma_start3A_241 : memref<128xi32, #tpu.memory_space<hbm>>) target(%arg13 : memref<128xi32, #tpu.memory_space<vmem>>) target_semaphore(%arg21 : memref<!tpu.dma_semaphore, #tpu.memory_space<semaphore_mem>>)
      } else {
      }
      %scan3A_232 = arith.constant 0 : i32
      scf.yield %scan3A_232 : i32
    }
    %scan3A_66 = arith.constant 19 : i32
    %dma_wait3A_67 = arith.constant 0 : i32
    %dma_wait3A_68 = arith.constant 0 : i32
    %dma_wait3A_69 = tpu.memref_slice %arg2[%dma_wait3A_67, %dma_wait3A_68] : memref<10240x128xf32, #tpu.memory_space<hbm>> -> memref<128x128xf32, #tpu.memory_space<hbm>>
    %dma_wait3A_70 = arith.constant 0 : i32
    %dma_wait3A_71 = arith.constant 0 : i32
    %dma_wait3A_72 = tpu.memref_slice %arg2[%dma_wait3A_70, %dma_wait3A_71] : memref<10240x128xf32, #tpu.memory_space<hbm>> -> memref<128x128xf32, #tpu.memory_space<hbm>>
    tpu.wait_dma2 semaphore(%arg22 : memref<!tpu.dma_semaphore, #tpu.memory_space<semaphore_mem>>) src(%dma_wait3A_72 : memref<128x128xf32, #tpu.memory_space<hbm>>) dst(%arg14 : memref<128x128xf32, #tpu.memory_space<vmem>>)
    "tpu.region"() ({
      %run_scoped3A = tpu.sem_alloc : memref<!tpu.dma_semaphore, #tpu.memory_space<semaphore_mem>>
      %dma_start3A_121 = arith.constant 0 : i32
      %dma_start3A_122 = arith.constant 0 : i32
      %dma_start3A_123 = tpu.memref_slice %arg17[%dma_start3A_121, %dma_start3A_122] : memref<10240x128xf32, #tpu.memory_space<vmem_shared>> -> memref<10240x128xf32, #tpu.memory_space<vmem_shared>>
      tpu.enqueue_indirect_dma source(%arg14 : memref<128x128xf32, #tpu.memory_space<vmem>>) target(%dma_start3A_123 : memref<10240x128xf32, #tpu.memory_space<vmem_shared>>) offsets(%arg10 : memref<128xi32, #tpu.memory_space<vmem>>) semaphore(%run_scoped3A : memref<!tpu.dma_semaphore, #tpu.memory_space<semaphore_mem>>) {add = true}
      %dma_wait3A_124 = arith.constant 0 : i32
      %dma_wait3A_125 = arith.constant 0 : i32
      %dma_wait3A_126 = tpu.memref_slice %arg17[%dma_wait3A_124, %dma_wait3A_125] : memref<10240x128xf32, #tpu.memory_space<vmem_shared>> -> memref<10240x128xf32, #tpu.memory_space<vmem_shared>>
      tpu.wait_indirect_dma semaphore(%run_scoped3A : memref<!tpu.dma_semaphore, #tpu.memory_space<semaphore_mem>>) src(%arg14 : memref<128x128xf32, #tpu.memory_space<vmem>>) dst(%dma_wait3A_126 : memref<10240x128xf32, #tpu.memory_space<vmem_shared>>)
      tpu.yield
    }) : () -> ()
    %dma_wait3A_73 = arith.constant 0 : i32
    %dma_wait3A_74 = tpu.memref_slice %arg3[%dma_wait3A_73] : memref<327680xi32, #tpu.memory_space<hbm>> -> memref<128xi32, #tpu.memory_space<hbm>>
    %dma_wait3A_75 = arith.constant 0 : i32
    %dma_wait3A_76 = tpu.memref_slice %arg3[%dma_wait3A_75] : memref<327680xi32, #tpu.memory_space<hbm>> -> memref<128xi32, #tpu.memory_space<hbm>>
    tpu.wait_dma2 semaphore(%arg20 : memref<!tpu.dma_semaphore, #tpu.memory_space<semaphore_mem>>) src(%dma_wait3A_76 : memref<128xi32, #tpu.memory_space<hbm>>) dst(%arg8 : memref<128xi32, #tpu.memory_space<vmem>>)
    %dma_wait3A_77 = arith.constant 0 : i32
    %dma_wait3A_78 = tpu.memref_slice %arg4[%dma_wait3A_77] : memref<327680xi32, #tpu.memory_space<hbm>> -> memref<128xi32, #tpu.memory_space<hbm>>
    %dma_wait3A_79 = arith.constant 0 : i32
    %dma_wait3A_80 = tpu.memref_slice %arg4[%dma_wait3A_79] : memref<327680xi32, #tpu.memory_space<hbm>> -> memref<128xi32, #tpu.memory_space<hbm>>
    tpu.wait_dma2 semaphore(%arg20 : memref<!tpu.dma_semaphore, #tpu.memory_space<semaphore_mem>>) src(%dma_wait3A_80 : memref<128xi32, #tpu.memory_space<hbm>>) dst(%arg12 : memref<128xi32, #tpu.memory_space<vmem>>)
    %dma_start3A_81 = arith.constant 0 : i32
    %dma_start3A_82 = arith.constant 0 : i32
    %dma_start3A_83 = tpu.memref_slice %arg2[%dma_start3A_81, %dma_start3A_82] : memref<10240x128xf32, #tpu.memory_space<hbm>> -> memref<10240x128xf32, #tpu.memory_space<hbm>>
    tpu.enqueue_indirect_dma source(%dma_start3A_83 : memref<10240x128xf32, #tpu.memory_space<hbm>>) target(%arg14 : memref<128x128xf32, #tpu.memory_space<vmem>>) offsets(%arg8 : memref<128xi32, #tpu.memory_space<vmem>>) semaphore(%arg22 : memref<!tpu.dma_semaphore, #tpu.memory_space<semaphore_mem>>)
    %dma_wait3A_84 = arith.constant 0 : i32
    %dma_wait3A_85 = arith.constant 0 : i32
    %dma_wait3A_86 = tpu.memref_slice %arg2[%dma_wait3A_84, %dma_wait3A_85] : memref<10240x128xf32, #tpu.memory_space<hbm>> -> memref<128x128xf32, #tpu.memory_space<hbm>>
    %dma_wait3A_87 = arith.constant 0 : i32
    %dma_wait3A_88 = arith.constant 0 : i32
    %dma_wait3A_89 = tpu.memref_slice %arg2[%dma_wait3A_87, %dma_wait3A_88] : memref<10240x128xf32, #tpu.memory_space<hbm>> -> memref<128x128xf32, #tpu.memory_space<hbm>>
    tpu.wait_dma2 semaphore(%arg23 : memref<!tpu.dma_semaphore, #tpu.memory_space<semaphore_mem>>) src(%dma_wait3A_89 : memref<128x128xf32, #tpu.memory_space<hbm>>) dst(%arg15 : memref<128x128xf32, #tpu.memory_space<vmem>>)
    "tpu.region"() ({
      %run_scoped3A = tpu.sem_alloc : memref<!tpu.dma_semaphore, #tpu.memory_space<semaphore_mem>>
      %dma_start3A_121 = arith.constant 0 : i32
      %dma_start3A_122 = arith.constant 0 : i32
      %dma_start3A_123 = tpu.memref_slice %arg17[%dma_start3A_121, %dma_start3A_122] : memref<10240x128xf32, #tpu.memory_space<vmem_shared>> -> memref<10240x128xf32, #tpu.memory_space<vmem_shared>>
      tpu.enqueue_indirect_dma source(%arg15 : memref<128x128xf32, #tpu.memory_space<vmem>>) target(%dma_start3A_123 : memref<10240x128xf32, #tpu.memory_space<vmem_shared>>) offsets(%arg11 : memref<128xi32, #tpu.memory_space<vmem>>) semaphore(%run_scoped3A : memref<!tpu.dma_semaphore, #tpu.memory_space<semaphore_mem>>) {add = true}
      %dma_wait3A_124 = arith.constant 0 : i32
      %dma_wait3A_125 = arith.constant 0 : i32
      %dma_wait3A_126 = tpu.memref_slice %arg17[%dma_wait3A_124, %dma_wait3A_125] : memref<10240x128xf32, #tpu.memory_space<vmem_shared>> -> memref<10240x128xf32, #tpu.memory_space<vmem_shared>>
      tpu.wait_indirect_dma semaphore(%run_scoped3A : memref<!tpu.dma_semaphore, #tpu.memory_space<semaphore_mem>>) src(%arg15 : memref<128x128xf32, #tpu.memory_space<vmem>>) dst(%dma_wait3A_126 : memref<10240x128xf32, #tpu.memory_space<vmem_shared>>)
      tpu.yield
    }) : () -> ()
    %dma_wait3A_90 = arith.constant 0 : i32
    %dma_wait3A_91 = tpu.memref_slice %arg3[%dma_wait3A_90] : memref<327680xi32, #tpu.memory_space<hbm>> -> memref<128xi32, #tpu.memory_space<hbm>>
    %dma_wait3A_92 = arith.constant 0 : i32
    %dma_wait3A_93 = tpu.memref_slice %arg3[%dma_wait3A_92] : memref<327680xi32, #tpu.memory_space<hbm>> -> memref<128xi32, #tpu.memory_space<hbm>>
    tpu.wait_dma2 semaphore(%arg21 : memref<!tpu.dma_semaphore, #tpu.memory_space<semaphore_mem>>) src(%dma_wait3A_93 : memref<128xi32, #tpu.memory_space<hbm>>) dst(%arg9 : memref<128xi32, #tpu.memory_space<vmem>>)
    %dma_wait3A_94 = arith.constant 0 : i32
    %dma_wait3A_95 = tpu.memref_slice %arg4[%dma_wait3A_94] : memref<327680xi32, #tpu.memory_space<hbm>> -> memref<128xi32, #tpu.memory_space<hbm>>
    %dma_wait3A_96 = arith.constant 0 : i32
    %dma_wait3A_97 = tpu.memref_slice %arg4[%dma_wait3A_96] : memref<327680xi32, #tpu.memory_space<hbm>> -> memref<128xi32, #tpu.memory_space<hbm>>
    tpu.wait_dma2 semaphore(%arg21 : memref<!tpu.dma_semaphore, #tpu.memory_space<semaphore_mem>>) src(%dma_wait3A_97 : memref<128xi32, #tpu.memory_space<hbm>>) dst(%arg13 : memref<128xi32, #tpu.memory_space<vmem>>)
    %dma_start3A_98 = arith.constant 0 : i32
    %dma_start3A_99 = arith.constant 0 : i32
    %dma_start3A_100 = tpu.memref_slice %arg2[%dma_start3A_98, %dma_start3A_99] : memref<10240x128xf32, #tpu.memory_space<hbm>> -> memref<10240x128xf32, #tpu.memory_space<hbm>>
    tpu.enqueue_indirect_dma source(%dma_start3A_100 : memref<10240x128xf32, #tpu.memory_space<hbm>>) target(%arg15 : memref<128x128xf32, #tpu.memory_space<vmem>>) offsets(%arg9 : memref<128xi32, #tpu.memory_space<vmem>>) semaphore(%arg23 : memref<!tpu.dma_semaphore, #tpu.memory_space<semaphore_mem>>)
    %dma_wait3A_101 = arith.constant 0 : i32
    %dma_wait3A_102 = arith.constant 0 : i32
    %dma_wait3A_103 = tpu.memref_slice %arg2[%dma_wait3A_101, %dma_wait3A_102] : memref<10240x128xf32, #tpu.memory_space<hbm>> -> memref<128x128xf32, #tpu.memory_space<hbm>>
    %dma_wait3A_104 = arith.constant 0 : i32
    %dma_wait3A_105 = arith.constant 0 : i32
    %dma_wait3A_106 = tpu.memref_slice %arg2[%dma_wait3A_104, %dma_wait3A_105] : memref<10240x128xf32, #tpu.memory_space<hbm>> -> memref<128x128xf32, #tpu.memory_space<hbm>>
    tpu.wait_dma2 semaphore(%arg22 : memref<!tpu.dma_semaphore, #tpu.memory_space<semaphore_mem>>) src(%dma_wait3A_106 : memref<128x128xf32, #tpu.memory_space<hbm>>) dst(%arg14 : memref<128x128xf32, #tpu.memory_space<vmem>>)
    "tpu.region"() ({
      %run_scoped3A = tpu.sem_alloc : memref<!tpu.dma_semaphore, #tpu.memory_space<semaphore_mem>>
      %dma_start3A_121 = arith.constant 0 : i32
      %dma_start3A_122 = arith.constant 0 : i32
      %dma_start3A_123 = tpu.memref_slice %arg17[%dma_start3A_121, %dma_start3A_122] : memref<10240x128xf32, #tpu.memory_space<vmem_shared>> -> memref<10240x128xf32, #tpu.memory_space<vmem_shared>>
      tpu.enqueue_indirect_dma source(%arg14 : memref<128x128xf32, #tpu.memory_space<vmem>>) target(%dma_start3A_123 : memref<10240x128xf32, #tpu.memory_space<vmem_shared>>) offsets(%arg12 : memref<128xi32, #tpu.memory_space<vmem>>) semaphore(%run_scoped3A : memref<!tpu.dma_semaphore, #tpu.memory_space<semaphore_mem>>) {add = true}
      %dma_wait3A_124 = arith.constant 0 : i32
      %dma_wait3A_125 = arith.constant 0 : i32
      %dma_wait3A_126 = tpu.memref_slice %arg17[%dma_wait3A_124, %dma_wait3A_125] : memref<10240x128xf32, #tpu.memory_space<vmem_shared>> -> memref<10240x128xf32, #tpu.memory_space<vmem_shared>>
      tpu.wait_indirect_dma semaphore(%run_scoped3A : memref<!tpu.dma_semaphore, #tpu.memory_space<semaphore_mem>>) src(%arg14 : memref<128x128xf32, #tpu.memory_space<vmem>>) dst(%dma_wait3A_126 : memref<10240x128xf32, #tpu.memory_space<vmem_shared>>)
      tpu.yield
    }) : () -> ()
    %dma_wait3A_107 = arith.constant 0 : i32
    %dma_wait3A_108 = arith.constant 0 : i32
    %dma_wait3A_109 = tpu.memref_slice %arg2[%dma_wait3A_107, %dma_wait3A_108] : memref<10240x128xf32, #tpu.memory_space<hbm>> -> memref<128x128xf32, #tpu.memory_space<hbm>>
    %dma_wait3A_110 = arith.constant 0 : i32
    %dma_wait3A_111 = arith.constant 0 : i32
    %dma_wait3A_112 = tpu.memref_slice %arg2[%dma_wait3A_110, %dma_wait3A_111] : memref<10240x128xf32, #tpu.memory_space<hbm>> -> memref<128x128xf32, #tpu.memory_space<hbm>>
    tpu.wait_dma2 semaphore(%arg23 : memref<!tpu.dma_semaphore, #tpu.memory_space<semaphore_mem>>) src(%dma_wait3A_112 : memref<128x128xf32, #tpu.memory_space<hbm>>) dst(%arg15 : memref<128x128xf32, #tpu.memory_space<vmem>>)
    "tpu.region"() ({
      %run_scoped3A = tpu.sem_alloc : memref<!tpu.dma_semaphore, #tpu.memory_space<semaphore_mem>>
      %dma_start3A_121 = arith.constant 0 : i32
      %dma_start3A_122 = arith.constant 0 : i32
      %dma_start3A_123 = tpu.memref_slice %arg17[%dma_start3A_121, %dma_start3A_122] : memref<10240x128xf32, #tpu.memory_space<vmem_shared>> -> memref<10240x128xf32, #tpu.memory_space<vmem_shared>>
      tpu.enqueue_indirect_dma source(%arg15 : memref<128x128xf32, #tpu.memory_space<vmem>>) target(%dma_start3A_123 : memref<10240x128xf32, #tpu.memory_space<vmem_shared>>) offsets(%arg13 : memref<128xi32, #tpu.memory_space<vmem>>) semaphore(%run_scoped3A : memref<!tpu.dma_semaphore, #tpu.memory_space<semaphore_mem>>) {add = true}
      %dma_wait3A_124 = arith.constant 0 : i32
      %dma_wait3A_125 = arith.constant 0 : i32
      %dma_wait3A_126 = tpu.memref_slice %arg17[%dma_wait3A_124, %dma_wait3A_125] : memref<10240x128xf32, #tpu.memory_space<vmem_shared>> -> memref<10240x128xf32, #tpu.memory_space<vmem_shared>>
      tpu.wait_indirect_dma semaphore(%run_scoped3A : memref<!tpu.dma_semaphore, #tpu.memory_space<semaphore_mem>>) src(%arg15 : memref<128x128xf32, #tpu.memory_space<vmem>>) dst(%dma_wait3A_126 : memref<10240x128xf32, #tpu.memory_space<vmem_shared>>)
      tpu.yield
    }) : () -> ()
    %barrier3A_113 = arith.constant 0 : index
    tpu.barrier barrier_id(%barrier3A_113)
    %mul3A_114 = arith.constant 640 : i32
    %mul3A_115 = arith.muli %arg1, %mul3A_114 : i32
    %mul3A_116 = arith.constant 10240 : i32
    %mul3A_117 = arith.muli %arg0, %mul3A_116 : i32
    %mul3A_118 = arith.constant 640 : i32
    %mul3A_119 = arith.muli %arg1, %mul3A_118 : i32
    %add3A_120 = arith.addi %mul3A_117, %mul3A_119 : i32
    "tpu.region"() ({
      %run_scoped3A = tpu.sem_alloc : memref<!tpu.dma_semaphore, #tpu.memory_space<semaphore_mem>>
      %dma_start3A_121 = arith.constant 0 : i32
      %dma_start3A_122 = tpu.memref_slice %arg5[%add3A_120, %dma_start3A_121] : memref<20480x128xf32, #tpu.memory_space<hbm>> -> memref<640x128xf32, #tpu.memory_space<hbm>>
      %dma_start3A_123 = arith.constant 0 : i32
      %dma_start3A_124 = tpu.memref_slice %arg17[%mul3A_115, %dma_start3A_123] : memref<10240x128xf32, #tpu.memory_space<vmem_shared>> -> memref<640x128xf32, #tpu.memory_space<vmem_shared>>
      tpu.enqueue_dma source(%dma_start3A_124 : memref<640x128xf32, #tpu.memory_space<vmem_shared>>) target(%dma_start3A_122 : memref<640x128xf32, #tpu.memory_space<hbm>>) target_semaphore(%run_scoped3A : memref<!tpu.dma_semaphore, #tpu.memory_space<semaphore_mem>>)
      %dma_wait3A_125 = arith.constant 0 : i32
      %dma_wait3A_126 = tpu.memref_slice %arg5[%add3A_120, %dma_wait3A_125] : memref<20480x128xf32, #tpu.memory_space<hbm>> -> memref<640x128xf32, #tpu.memory_space<hbm>>
      %dma_wait3A_127 = arith.constant 0 : i32
      %dma_wait3A_128 = tpu.memref_slice %arg17[%mul3A_115, %dma_wait3A_127] : memref<10240x128xf32, #tpu.memory_space<vmem_shared>> -> memref<640x128xf32, #tpu.memory_space<vmem_shared>>
      tpu.wait_dma2 semaphore(%run_scoped3A : memref<!tpu.dma_semaphore, #tpu.memory_space<semaphore_mem>>) src(%dma_wait3A_128 : memref<640x128xf32, #tpu.memory_space<vmem_shared>>) dst(%dma_wait3A_126 : memref<640x128xf32, #tpu.memory_space<hbm>>)
      tpu.yield
    }) : () -> ()
    return
  }
}

module attributes {stable_mosaic.version = 14 : i64} {
  func.func @_tc1_body(%arg0: i32, %arg1: memref<256x128xf32, #tpu.memory_space<vmem>>, %arg2: memref<128x128xf32, #tpu.memory_space<vmem>>, %arg3: memref<256x16xf32, #tpu.memory_space<vmem>>, %arg4: memref<256x16xf32, #tpu.memory_space<vmem>>, %arg5: memref<256x128xf32, #tpu.memory_space<vmem>>) attributes {dimension_semantics = [#tpu.dimension_semantics<arbitrary>], iteration_bounds = array<i64: 40>, scalar_prefetch = 0 : i64, scratch_operands = 0 : i64, tpu.core_type = #tpu.core_type<tc>, window_params = [{transform_indices = @transform_0, window_bounds = array<i64: 256, 128>}, {pipeline_mode = #tpu.pipeline_mode<synchronous>, transform_indices = @transform_1, window_bounds = array<i64: 128, 128>}, {transform_indices = @transform_2, window_bounds = array<i64: 256, 16>}, {transform_indices = @transform_3, window_bounds = array<i64: 256, 16>}, {transform_indices = @transform_4, window_bounds = array<i64: 256, 128>}]} {
    %get3A = arith.constant 0 : index
    %get3A_0 = arith.constant 0 : index
    %get3A_1 = vector.load %arg3[%get3A, %get3A_0] : memref<256x16xf32, #tpu.memory_space<vmem>>, vector<256x16xf32>
    %get3A_2 = arith.constant 0 : index
    %get3A_3 = arith.constant 0 : index
    %get3A_4 = vector.load %arg4[%get3A_2, %get3A_3] : memref<256x16xf32, #tpu.memory_space<vmem>>, vector<256x16xf32>
    %add3A = arith.addf %get3A_1, %get3A_4 : vector<256x16xf32>
    %add3A_5 = arith.constant 1.000000e+00 : f32
    %add3A_6 = vector.broadcast %add3A_5 : f32 to vector<256x16xf32>
    %add3A_7 = arith.addf %add3A, %add3A_6 : vector<256x16xf32>
    %rsqrt3A = math.rsqrt %add3A_7 : vector<256x16xf32>
    %slice3A = vector.extract_strided_slice %rsqrt3A {offsets = [0, 0], sizes = [256, 1], strides = [1, 1]} : vector<256x16xf32> to vector<256x1xf32>
    %get3A_8 = arith.constant 0 : index
    %get3A_9 = arith.constant 0 : index
    %get3A_10 = vector.load %arg1[%get3A_8, %get3A_9] : memref<256x128xf32, #tpu.memory_space<vmem>>, vector<256x128xf32>
    %get3A_11 = arith.constant 0 : index
    %get3A_12 = arith.constant 0 : index
    %get3A_13 = vector.load %arg2[%get3A_11, %get3A_12] : memref<128x128xf32, #tpu.memory_space<vmem>>, vector<128x128xf32>
    %dot_general3A = arith.constant dense<0.000000e+00> : vector<256x128xf32>
    %dot_general3A_14 = tpu.matmul %get3A_10, %get3A_13, %dot_general3A {dimension_numbers = #tpu.dot_dimension_numbers<[1], [0], [0], [1], [0, 0, 1, 1], [], []>, transpose_lhs_hint = false} : vector<256x128xf32>, vector<128x128xf32>, vector<256x128xf32> -> vector<256x128xf32>
    %mul3A = vector.broadcast %slice3A : vector<256x1xf32> to vector<256x128xf32>
    %mul3A_15 = arith.mulf %dot_general3A_14, %mul3A : vector<256x128xf32>
    %swap3A = arith.constant 0 : index
    %swap3A_16 = arith.constant 0 : index
    %swap3A_17 = vector.load %arg5[%swap3A, %swap3A_16] : memref<256x128xf32, #tpu.memory_space<vmem>>, vector<256x128xf32>
    tpu.vector_store %arg5[%swap3A, %swap3A_16], %mul3A_15 {strides = array<i32>} : memref<256x128xf32, #tpu.memory_space<vmem>>, vector<256x128xf32>,
    return
  }
  func.func @transform_0(%arg0: i32) -> (i32, i32) {
    %c0_i32 = arith.constant 0 : i32
    %c0_i32_0 = arith.constant 0 : i32
    return %arg0, %c0_i32 : i32, i32
  }
  func.func @transform_1(%arg0: i32) -> (i32, i32) {
    %c0_i32 = arith.constant 0 : i32
    %c0_i32_0 = arith.constant 0 : i32
    %c0_i32_1 = arith.constant 0 : i32
    return %c0_i32, %c0_i32_0 : i32, i32
  }
  func.func @transform_2(%arg0: i32) -> (i32, i32) {
    %c0_i32 = arith.constant 0 : i32
    %c0_i32_0 = arith.constant 0 : i32
    return %arg0, %c0_i32 : i32, i32
  }
  func.func @transform_3(%arg0: i32) -> (i32, i32) {
    %add3A = arith.constant 40 : i32
    %add3A_0 = arith.addi %arg0, %add3A : i32
    %c0_i32 = arith.constant 0 : i32
    %c0_i32_1 = arith.constant 0 : i32
    return %add3A_0, %c0_i32 : i32, i32
  }
  func.func @transform_4(%arg0: i32) -> (i32, i32) {
    %c0_i32 = arith.constant 0 : i32
    %c0_i32_0 = arith.constant 0 : i32
    return %arg0, %c0_i32 : i32, i32
  }
}

module attributes {stable_mosaic.version = 14 : i64} {
  func.func @_tc2_body(%arg0: i32, %arg1: memref<256x128xf32, #tpu.memory_space<vmem>>, %arg2: memref<256x128xf32, #tpu.memory_space<vmem>>, %arg3: memref<256x128xf32, #tpu.memory_space<vmem>>, %arg4: memref<256x16xf32, #tpu.memory_space<vmem>>, %arg5: memref<256x16xf32, #tpu.memory_space<vmem>>, %arg6: memref<1x128xf32, #tpu.memory_space<vmem>>, %arg7: memref<128x128xf32, #tpu.memory_space<vmem>>, %arg8: memref<256x128xf32, #tpu.memory_space<vmem>>) attributes {dimension_semantics = [#tpu.dimension_semantics<arbitrary>], iteration_bounds = array<i64: 40>, scalar_prefetch = 0 : i64, scratch_operands = 0 : i64, tpu.core_type = #tpu.core_type<tc>, window_params = [{transform_indices = @transform_0, window_bounds = array<i64: 256, 128>}, {transform_indices = @transform_1, window_bounds = array<i64: 256, 128>}, {transform_indices = @transform_2, window_bounds = array<i64: 256, 128>}, {transform_indices = @transform_3, window_bounds = array<i64: 256, 16>}, {transform_indices = @transform_4, window_bounds = array<i64: 256, 16>}, {pipeline_mode = #tpu.pipeline_mode<synchronous>, transform_indices = @transform_5, window_bounds = array<i64: 1, 128>}, {pipeline_mode = #tpu.pipeline_mode<synchronous>, transform_indices = @transform_6, window_bounds = array<i64: 128, 128>}, {transform_indices = @transform_7, window_bounds = array<i64: 256, 128>}]} {
    %get3A = arith.constant 0 : index
    %get3A_0 = arith.constant 0 : index
    %get3A_1 = vector.load %arg4[%get3A, %get3A_0] : memref<256x16xf32, #tpu.memory_space<vmem>>, vector<256x16xf32>
    %get3A_2 = arith.constant 0 : index
    %get3A_3 = arith.constant 0 : index
    %get3A_4 = vector.load %arg5[%get3A_2, %get3A_3] : memref<256x16xf32, #tpu.memory_space<vmem>>, vector<256x16xf32>
    %add3A = arith.addf %get3A_1, %get3A_4 : vector<256x16xf32>
    %add3A_5 = arith.constant 1.000000e+00 : f32
    %add3A_6 = vector.broadcast %add3A_5 : f32 to vector<256x16xf32>
    %add3A_7 = arith.addf %add3A, %add3A_6 : vector<256x16xf32>
    %rsqrt3A = math.rsqrt %add3A_7 : vector<256x16xf32>
    %slice3A = vector.extract_strided_slice %rsqrt3A {offsets = [0, 0], sizes = [256, 1], strides = [1, 1]} : vector<256x16xf32> to vector<256x1xf32>
    %get3A_8 = arith.constant 0 : index
    %get3A_9 = arith.constant 0 : index
    %get3A_10 = vector.load %arg1[%get3A_8, %get3A_9] : memref<256x128xf32, #tpu.memory_space<vmem>>, vector<256x128xf32>
    %get3A_11 = arith.constant 0 : index
    %get3A_12 = arith.constant 0 : index
    %get3A_13 = vector.load %arg2[%get3A_11, %get3A_12] : memref<256x128xf32, #tpu.memory_space<vmem>>, vector<256x128xf32>
    %add3A_14 = arith.addf %get3A_10, %get3A_13 : vector<256x128xf32>
    %get3A_15 = arith.constant 0 : index
    %get3A_16 = arith.constant 0 : index
    %get3A_17 = vector.load %arg3[%get3A_15, %get3A_16] : memref<256x128xf32, #tpu.memory_space<vmem>>, vector<256x128xf32>
    %add3A_18 = arith.addf %add3A_14, %get3A_17 : vector<256x128xf32>
    %mul3A = vector.broadcast %slice3A : vector<256x1xf32> to vector<256x128xf32>
    %mul3A_19 = arith.mulf %add3A_18, %mul3A : vector<256x128xf32>
    %get3A_20 = arith.constant 0 : index
    %get3A_21 = arith.constant 0 : index
    %get3A_22 = vector.load %arg6[%get3A_20, %get3A_21] : memref<1x128xf32, #tpu.memory_space<vmem>>, vector<1x128xf32>
    %add3A_23 = vector.broadcast %get3A_22 : vector<1x128xf32> to vector<256x128xf32>
    %add3A_24 = arith.addf %mul3A_19, %add3A_23 : vector<256x128xf32>
    %max3A = arith.constant 0.000000e+00 : f32
    %max3A_25 = vector.broadcast %max3A : f32 to vector<256x128xf32>
    %max3A_26 = arith.maximumf %add3A_24, %max3A_25 : vector<256x128xf32>
    %mul3A_27 = arith.constant 256 : i32
    %mul3A_28 = arith.muli %arg0, %mul3A_27 : i32
    %iota3A = tpu.iota {dimensions = array<i32: 0>} : vector<256x1xi32>
    %add3A_29 = vector.broadcast %mul3A_28 : i32 to vector<256x1xi32>
    %add3A_30 = arith.addi %add3A_29, %iota3A : vector<256x1xi32>
    %lt3A = arith.constant 10000 : i32
    %lt3A_31 = vector.broadcast %lt3A : i32 to vector<256x1xi32>
    %lt3A_32 = arith.cmpi slt, %add3A_30, %lt3A_31 : vector<256x1xi32>
    %jit3A = arith.constant 0.000000e+00 : f32
    %broadcast_in_dim3A = vector.shape_cast %lt3A_32 : vector<256x1xi1> to vector<256x1xi1>
    %broadcast_in_dim3A_33 = vector.broadcast %broadcast_in_dim3A : vector<256x1xi1> to vector<256x128xi1>
    %broadcast_in_dim3A_34 = vector.broadcast %jit3A : f32 to vector<256x128xf32>
    %select_n3A = arith.select %broadcast_in_dim3A_33, %max3A_26, %broadcast_in_dim3A_34 : vector<256x128xi1>, vector<256x128xf32>
    %get3A_35 = arith.constant 0 : index
    %get3A_36 = arith.constant 0 : index
    %get3A_37 = vector.load %arg7[%get3A_35, %get3A_36] : memref<128x128xf32, #tpu.memory_space<vmem>>, vector<128x128xf32>
    %dot_general3A = arith.constant dense<0.000000e+00> : vector<256x128xf32>
    %dot_general3A_38 = tpu.matmul %select_n3A, %get3A_37, %dot_general3A {dimension_numbers = #tpu.dot_dimension_numbers<[1], [0], [0], [1], [0, 0, 1, 1], [], []>, transpose_lhs_hint = false} : vector<256x128xf32>, vector<128x128xf32>, vector<256x128xf32> -> vector<256x128xf32>
    %mul3A_39 = vector.broadcast %slice3A : vector<256x1xf32> to vector<256x128xf32>
    %mul3A_40 = arith.mulf %dot_general3A_38, %mul3A_39 : vector<256x128xf32>
    %swap3A = arith.constant 0 : index
    %swap3A_41 = arith.constant 0 : index
    %swap3A_42 = vector.load %arg8[%swap3A, %swap3A_41] : memref<256x128xf32, #tpu.memory_space<vmem>>, vector<256x128xf32>
    tpu.vector_store %arg8[%swap3A, %swap3A_41], %mul3A_40 {strides = array<i32>} : memref<256x128xf32, #tpu.memory_space<vmem>>, vector<256x128xf32>,
    return
  }
  func.func @transform_0(%arg0: i32) -> (i32, i32) {
    %c0_i32 = arith.constant 0 : i32
    %c0_i32_0 = arith.constant 0 : i32
    return %arg0, %c0_i32 : i32, i32
  }
  func.func @transform_1(%arg0: i32) -> (i32, i32) {
    %add3A = arith.constant 40 : i32
    %add3A_0 = arith.addi %arg0, %add3A : i32
    %c0_i32 = arith.constant 0 : i32
    %c0_i32_1 = arith.constant 0 : i32
    return %add3A_0, %c0_i32 : i32, i32
  }
  func.func @transform_2(%arg0: i32) -> (i32, i32) {
    %c0_i32 = arith.constant 0 : i32
    %c0_i32_0 = arith.constant 0 : i32
    return %arg0, %c0_i32 : i32, i32
  }
  func.func @transform_3(%arg0: i32) -> (i32, i32) {
    %c0_i32 = arith.constant 0 : i32
    %c0_i32_0 = arith.constant 0 : i32
    return %arg0, %c0_i32 : i32, i32
  }
  func.func @transform_4(%arg0: i32) -> (i32, i32) {
    %add3A = arith.constant 40 : i32
    %add3A_0 = arith.addi %arg0, %add3A : i32
    %c0_i32 = arith.constant 0 : i32
    %c0_i32_1 = arith.constant 0 : i32
    return %add3A_0, %c0_i32 : i32, i32
  }
  func.func @transform_5(%arg0: i32) -> (i32, i32) {
    %c0_i32 = arith.constant 0 : i32
    %c0_i32_0 = arith.constant 0 : i32
    %c0_i32_1 = arith.constant 0 : i32
    return %c0_i32, %c0_i32_0 : i32, i32
  }
  func.func @transform_6(%arg0: i32) -> (i32, i32) {
    %c0_i32 = arith.constant 0 : i32
    %c0_i32_0 = arith.constant 0 : i32
    %c0_i32_1 = arith.constant 0 : i32
    return %c0_i32, %c0_i32_0 : i32, i32
  }
  func.func @transform_7(%arg0: i32) -> (i32, i32) {
    %c0_i32 = arith.constant 0 : i32
    %c0_i32_0 = arith.constant 0 : i32
    return %arg0, %c0_i32 : i32, i32
  }
}

module attributes {stable_mosaic.version = 14 : i64} {
  func.func @_tc3_body(%arg0: i32, %arg1: memref<256x128xf32, #tpu.memory_space<vmem>>, %arg2: memref<256x128xf32, #tpu.memory_space<vmem>>, %arg3: memref<256x128xf32, #tpu.memory_space<vmem>>, %arg4: memref<256x16xf32, #tpu.memory_space<vmem>>, %arg5: memref<256x16xf32, #tpu.memory_space<vmem>>, %arg6: memref<1x128xf32, #tpu.memory_space<vmem>>, %arg7: memref<1x1x256xi32, #tpu.memory_space<vmem>>, %arg8: memref<128x64xf32, #tpu.memory_space<vmem>>, %arg9: memref<1x64xf32, #tpu.memory_space<vmem>>, %arg10: memref<64x64xf32, #tpu.memory_space<vmem>>, %arg11: memref<64x128xf32, #tpu.memory_space<vmem>>, %arg12: memref<64x128xf32, #tpu.memory_space<vmem>>) attributes {dimension_semantics = [#tpu.dimension_semantics<arbitrary>], iteration_bounds = array<i64: 40>, scalar_prefetch = 0 : i64, scratch_operands = 2 : i64, tpu.core_type = #tpu.core_type<tc>, window_params = [{transform_indices = @transform_0, window_bounds = array<i64: 256, 128>}, {transform_indices = @transform_1, window_bounds = array<i64: 256, 128>}, {transform_indices = @transform_2, window_bounds = array<i64: 256, 128>}, {transform_indices = @transform_3, window_bounds = array<i64: 256, 16>}, {transform_indices = @transform_4, window_bounds = array<i64: 256, 16>}, {pipeline_mode = #tpu.pipeline_mode<synchronous>, transform_indices = @transform_5, window_bounds = array<i64: 1, 128>}, {transform_indices = @transform_6, window_bounds = array<i64: 1, 1, 256>}, {pipeline_mode = #tpu.pipeline_mode<synchronous>, transform_indices = @transform_7, window_bounds = array<i64: 128, 64>}, {pipeline_mode = #tpu.pipeline_mode<synchronous>, transform_indices = @transform_8, window_bounds = array<i64: 1, 64>}, {pipeline_mode = #tpu.pipeline_mode<synchronous>, transform_indices = @transform_9, window_bounds = array<i64: 64, 64>}]} {
    %eq3A = arith.constant 0 : i32
    %eq3A_0 = arith.cmpi eq, %arg0, %eq3A : i32
    %convert_element_type3A = arith.extui %eq3A_0 : i1 to i32
    %cond3A = arith.constant 0 : i32
    %cond3A_1 = arith.cmpi ne, %convert_element_type3A, %cond3A : i32
    scf.if %cond3A_1 {
      %broadcast_in_dim3A_61 = arith.constant 0.000000e+00 : f32
      %broadcast_in_dim3A_62 = vector.broadcast %broadcast_in_dim3A_61 : f32 to vector<64x128xf32>
      %swap3A_63 = arith.constant 0 : index
      %swap3A_64 = arith.constant 0 : index
      %swap3A_65 = vector.load %arg11[%swap3A_63, %swap3A_64] : memref<64x128xf32, #tpu.memory_space<vmem>>, vector<64x128xf32>
      tpu.vector_store %arg11[%swap3A_63, %swap3A_64], %broadcast_in_dim3A_62 {strides = array<i32>} : memref<64x128xf32, #tpu.memory_space<vmem>>, vector<64x128xf32>,
      %broadcast_in_dim3A_66 = arith.constant 0.000000e+00 : f32
      %broadcast_in_dim3A_67 = vector.broadcast %broadcast_in_dim3A_66 : f32 to vector<64x128xf32>
      %swap3A_68 = arith.constant 0 : index
      %swap3A_69 = arith.constant 0 : index
      %swap3A_70 = vector.load %arg12[%swap3A_68, %swap3A_69] : memref<64x128xf32, #tpu.memory_space<vmem>>, vector<64x128xf32>
      tpu.vector_store %arg12[%swap3A_68, %swap3A_69], %broadcast_in_dim3A_67 {strides = array<i32>} : memref<64x128xf32, #tpu.memory_space<vmem>>, vector<64x128xf32>,
    } else {
    }
    %get3A = arith.constant 0 : index
    %get3A_2 = arith.constant 0 : index
    %get3A_3 = vector.load %arg4[%get3A, %get3A_2] : memref<256x16xf32, #tpu.memory_space<vmem>>, vector<256x16xf32>
    %get3A_4 = arith.constant 0 : index
    %get3A_5 = arith.constant 0 : index
    %get3A_6 = vector.load %arg5[%get3A_4, %get3A_5] : memref<256x16xf32, #tpu.memory_space<vmem>>, vector<256x16xf32>
    %add3A = arith.addf %get3A_3, %get3A_6 : vector<256x16xf32>
    %add3A_7 = arith.constant 1.000000e+00 : f32
    %add3A_8 = vector.broadcast %add3A_7 : f32 to vector<256x16xf32>
    %add3A_9 = arith.addf %add3A, %add3A_8 : vector<256x16xf32>
    %rsqrt3A = math.rsqrt %add3A_9 : vector<256x16xf32>
    %slice3A = vector.extract_strided_slice %rsqrt3A {offsets = [0, 0], sizes = [256, 1], strides = [1, 1]} : vector<256x16xf32> to vector<256x1xf32>
    %get3A_10 = arith.constant 0 : index
    %get3A_11 = arith.constant 0 : index
    %get3A_12 = vector.load %arg1[%get3A_10, %get3A_11] : memref<256x128xf32, #tpu.memory_space<vmem>>, vector<256x128xf32>
    %get3A_13 = arith.constant 0 : index
    %get3A_14 = arith.constant 0 : index
    %get3A_15 = vector.load %arg2[%get3A_13, %get3A_14] : memref<256x128xf32, #tpu.memory_space<vmem>>, vector<256x128xf32>
    %add3A_16 = arith.addf %get3A_12, %get3A_15 : vector<256x128xf32>
    %get3A_17 = arith.constant 0 : index
    %get3A_18 = arith.constant 0 : index
    %get3A_19 = vector.load %arg3[%get3A_17, %get3A_18] : memref<256x128xf32, #tpu.memory_space<vmem>>, vector<256x128xf32>
    %add3A_20 = arith.addf %add3A_16, %get3A_19 : vector<256x128xf32>
    %mul3A = vector.broadcast %slice3A : vector<256x1xf32> to vector<256x128xf32>
    %mul3A_21 = arith.mulf %add3A_20, %mul3A : vector<256x128xf32>
    %get3A_22 = arith.constant 0 : index
    %get3A_23 = arith.constant 0 : index
    %get3A_24 = vector.load %arg6[%get3A_22, %get3A_23] : memref<1x128xf32, #tpu.memory_space<vmem>>, vector<1x128xf32>
    %add3A_25 = vector.broadcast %get3A_24 : vector<1x128xf32> to vector<256x128xf32>
    %add3A_26 = arith.addf %mul3A_21, %add3A_25 : vector<256x128xf32>
    %max3A = arith.constant 0.000000e+00 : f32
    %max3A_27 = vector.broadcast %max3A : f32 to vector<256x128xf32>
    %max3A_28 = arith.maximumf %add3A_26, %max3A_27 : vector<256x128xf32>
    %get3A_29 = arith.constant 0 : index
    %get3A_30 = arith.constant 0 : index
    %get3A_31 = arith.constant 0 : index
    %get3A_32 = vector.load %arg7[%get3A_29, %get3A_30, %get3A_31] : memref<1x1x256xi32, #tpu.memory_space<vmem>>, vector<1x1x256xi32>
    %get3A_33 = vector.shape_cast %get3A_32 : vector<1x1x256xi32> to vector<256xi32>
    %broadcast_in_dim3A = vector.shape_cast %get3A_33 : vector<256xi32> to vector<256x1xi32>
    %iota3A = tpu.iota {dimensions = array<i32: 1>} : vector<256x64xi32>
    %eq3A_34 = vector.broadcast %broadcast_in_dim3A : vector<256x1xi32> to vector<256x64xi32>
    %eq3A_35 = arith.cmpi eq, %eq3A_34, %iota3A : vector<256x64xi32>
    %convert_element_type3A_36 = arith.extui %eq3A_35 : vector<256x64xi1> to vector<256x64xi32>
    %convert_element_type3A_37 = arith.sitofp %convert_element_type3A_36 : vector<256x64xi32> to vector<256x64xf32>
    %get3A_38 = arith.constant 0 : index
    %get3A_39 = arith.constant 0 : index
    %get3A_40 = vector.load %arg11[%get3A_38, %get3A_39] : memref<64x128xf32, #tpu.memory_space<vmem>>, vector<64x128xf32>
    %dot_general3A = arith.constant dense<0.000000e+00> : vector<64x128xf32>
    %dot_general3A_41 = tpu.matmul %convert_element_type3A_37, %max3A_28, %dot_general3A {dimension_numbers = #tpu.dot_dimension_numbers<[0], [0], [1], [1], [0, 1, 1, 1], [], []>, transpose_lhs_hint = false} : vector<256x64xf32>, vector<256x128xf32>, vector<64x128xf32> -> vector<64x128xf32>
    %add3A_42 = arith.addf %get3A_40, %dot_general3A_41 : vector<64x128xf32>
    %swap3A = arith.constant 0 : index
    %swap3A_43 = arith.constant 0 : index
    %swap3A_44 = vector.load %arg11[%swap3A, %swap3A_43] : memref<64x128xf32, #tpu.memory_space<vmem>>, vector<64x128xf32>
    tpu.vector_store %arg11[%swap3A, %swap3A_43], %add3A_42 {strides = array<i32>} : memref<64x128xf32, #tpu.memory_space<vmem>>, vector<64x128xf32>,
    %get3A_45 = arith.constant 0 : index
    %get3A_46 = arith.constant 0 : index
    %get3A_47 = vector.load %arg12[%get3A_45, %get3A_46] : memref<64x128xf32, #tpu.memory_space<vmem>>, vector<64x128xf32>
    %broadcast_in_dim3A_48 = arith.constant 1.000000e+00 : f32
    %broadcast_in_dim3A_49 = vector.broadcast %broadcast_in_dim3A_48 : f32 to vector<256x128xf32>
    %dot_general3A_50 = arith.constant dense<0.000000e+00> : vector<64x128xf32>
    %dot_general3A_51 = tpu.matmul %convert_element_type3A_37, %broadcast_in_dim3A_49, %dot_general3A_50 {dimension_numbers = #tpu.dot_dimension_numbers<[0], [0], [1], [1], [0, 1, 1, 1], [], []>, transpose_lhs_hint = false} : vector<256x64xf32>, vector<256x128xf32>, vector<64x128xf32> -> vector<64x128xf32>
    %add3A_52 = arith.addf %get3A_47, %dot_general3A_51 : vector<64x128xf32>
    %swap3A_53 = arith.constant 0 : index
    %swap3A_54 = arith.constant 0 : index
    %swap3A_55 = vector.load %arg12[%swap3A_53, %swap3A_54] : memref<64x128xf32, #tpu.memory_space<vmem>>, vector<64x128xf32>
    tpu.vector_store %arg12[%swap3A_53, %swap3A_54], %add3A_52 {strides = array<i32>} : memref<64x128xf32, #tpu.memory_space<vmem>>, vector<64x128xf32>,
    %eq3A_56 = arith.constant 39 : i32
    %eq3A_57 = arith.cmpi eq, %arg0, %eq3A_56 : i32
    %convert_element_type3A_58 = arith.extui %eq3A_57 : i1 to i32
    %cond3A_59 = arith.constant 0 : i32
    %cond3A_60 = arith.cmpi ne, %convert_element_type3A_58, %cond3A_59 : i32
    scf.if %cond3A_60 {
      %get3A_61 = arith.constant 0 : index
      %get3A_62 = arith.constant 0 : index
      %get3A_63 = vector.load %arg11[%get3A_61, %get3A_62] : memref<64x128xf32, #tpu.memory_space<vmem>>, vector<64x128xf32>
      %get3A_64 = arith.constant 0 : index
      %get3A_65 = arith.constant 0 : index
      %get3A_66 = vector.load %arg12[%get3A_64, %get3A_65] : memref<64x128xf32, #tpu.memory_space<vmem>>, vector<64x128xf32>
      %max3A_67 = arith.constant 1.000000e+00 : f32
      %max3A_68 = vector.broadcast %max3A_67 : f32 to vector<64x128xf32>
      %max3A_69 = arith.maximumf %get3A_66, %max3A_68 : vector<64x128xf32>
      %div3A = arith.divf %get3A_63, %max3A_69 : vector<64x128xf32>
      %get3A_70 = arith.constant 0 : index
      %get3A_71 = arith.constant 0 : index
      %get3A_72 = vector.load %arg8[%get3A_70, %get3A_71] : memref<128x64xf32, #tpu.memory_space<vmem>>, vector<128x64xf32>
      %dot_general3A_73 = arith.constant dense<0.000000e+00> : vector<64x64xf32>
      %dot_general3A_74 = tpu.matmul %div3A, %get3A_72, %dot_general3A_73 {dimension_numbers = #tpu.dot_dimension_numbers<[1], [0], [0], [1], [0, 0, 1, 1], [], []>, transpose_lhs_hint = false} : vector<64x128xf32>, vector<128x64xf32>, vector<64x64xf32> -> vector<64x64xf32>
      %get3A_75 = arith.constant 0 : index
      %get3A_76 = arith.constant 0 : index
      %get3A_77 = vector.load %arg9[%get3A_75, %get3A_76] : memref<1x64xf32, #tpu.memory_space<vmem>>, vector<1x64xf32>
      %add3A_78 = vector.broadcast %get3A_77 : vector<1x64xf32> to vector<64x64xf32>
      %add3A_79 = arith.addf %dot_general3A_74, %add3A_78 : vector<64x64xf32>
      %swap3A_80 = arith.constant 0 : index
      %swap3A_81 = arith.constant 0 : index
      %swap3A_82 = vector.load %arg10[%swap3A_80, %swap3A_81] : memref<64x64xf32, #tpu.memory_space<vmem>>, vector<64x64xf32>
      tpu.vector_store %arg10[%swap3A_80, %swap3A_81], %add3A_79 {strides = array<i32>} : memref<64x64xf32, #tpu.memory_space<vmem>>, vector<64x64xf32>,
    } else {
    }
    return
  }
  func.func @transform_0(%arg0: i32) -> (i32, i32) {
    %c0_i32 = arith.constant 0 : i32
    %c0_i32_0 = arith.constant 0 : i32
    return %arg0, %c0_i32 : i32, i32
  }
  func.func @transform_1(%arg0: i32) -> (i32, i32) {
    %add3A = arith.constant 40 : i32
    %add3A_0 = arith.addi %arg0, %add3A : i32
    %c0_i32 = arith.constant 0 : i32
    %c0_i32_1 = arith.constant 0 : i32
    return %add3A_0, %c0_i32 : i32, i32
  }
  func.func @transform_2(%arg0: i32) -> (i32, i32) {
    %c0_i32 = arith.constant 0 : i32
    %c0_i32_0 = arith.constant 0 : i32
    return %arg0, %c0_i32 : i32, i32
  }
  func.func @transform_3(%arg0: i32) -> (i32, i32) {
    %c0_i32 = arith.constant 0 : i32
    %c0_i32_0 = arith.constant 0 : i32
    return %arg0, %c0_i32 : i32, i32
  }
  func.func @transform_4(%arg0: i32) -> (i32, i32) {
    %add3A = arith.constant 40 : i32
    %add3A_0 = arith.addi %arg0, %add3A : i32
    %c0_i32 = arith.constant 0 : i32
    %c0_i32_1 = arith.constant 0 : i32
    return %add3A_0, %c0_i32 : i32, i32
  }
  func.func @transform_5(%arg0: i32) -> (i32, i32) {
    %c0_i32 = arith.constant 0 : i32
    %c0_i32_0 = arith.constant 0 : i32
    %c0_i32_1 = arith.constant 0 : i32
    return %c0_i32, %c0_i32_0 : i32, i32
  }
  func.func @transform_6(%arg0: i32) -> (i32, i32, i32) {
    %c0_i32 = arith.constant 0 : i32
    %c0_i32_0 = arith.constant 0 : i32
    %c0_i32_1 = arith.constant 0 : i32
    return %arg0, %c0_i32, %c0_i32_0 : i32, i32, i32
  }
  func.func @transform_7(%arg0: i32) -> (i32, i32) {
    %c0_i32 = arith.constant 0 : i32
    %c0_i32_0 = arith.constant 0 : i32
    %c0_i32_1 = arith.constant 0 : i32
    return %c0_i32, %c0_i32_0 : i32, i32
  }
  func.func @transform_8(%arg0: i32) -> (i32, i32) {
    %c0_i32 = arith.constant 0 : i32
    %c0_i32_0 = arith.constant 0 : i32
    %c0_i32_1 = arith.constant 0 : i32
    return %c0_i32, %c0_i32_0 : i32, i32
  }
  func.func @transform_9(%arg0: i32) -> (i32, i32) {
    %c0_i32 = arith.constant 0 : i32
    %c0_i32_0 = arith.constant 0 : i32
    %c0_i32_1 = arith.constant 0 : i32
    return %c0_i32, %c0_i32_0 : i32, i32
  }
}

</mosaic_0001>

<sc_bundles>
// kernel: kernel.11.cloned.1.call-start
scs
__scs_entry_jumppad:
0x0: {  	(pc) =	sbr.rel $0x88, $3  }
0x1: {  	(tag) =	ssettag $0x0;
	lr =	simm.s32 $0x1  }
0x2: {  	[smem:$0x3F98] =	sst lr;
	_ =	strace $0xD0000000  }
0x3: {  	_ = 	snop  }
0x4: {  	_ = 	snop  }
0x5: {  	_ = 	snop  }
0x6: {  	_ = 	snop  }
0x7: {  	_ = 	snop  }
__scs_overlays_trampoline_lowered:
0x8: {  	[smem:$0x3FA7] =	sst s0  }
0x9: {  	[smem:$0x3FA8] =	sst s1  }
0xa: {  	[smem:$0x3FA9] =	sst s2  }
0xb: {  	[smem:$0x3FAA] =	sst s3  }
0xc: {  	[smem:$0x3FAB] =	sst s4  }
0xd: {  	[smem:$0x3FAC] =	sst s5  }
0xe: {  	[smem:$0x3FAD] =	sst s6  }
0xf: {  	[smem:$0x3FAE] =	sst s7  }
0x10: {  	[smem:$0x3FAF] =	sst s8  }
0x11: {  	[smem:$0x3FB0] =	sst s9;
	s0 =	simm.s32 @!p0 $0x0  }
0x12: {  	s1 =	sld [smem:$0x3F96];
	s0 =	simm.s32 @p0 $0x1  }
0x13: {  	[smem:$0x3FB1] =	sst s0;
	s0 =	simm.s32 @!p1 $0x0  }
0x14: {  	s2 =	sld [smem:$0x3F95];
	s0 =	simm.s32 @p1 $0x1  }
0x15: {  	[smem:$0x3FB2] =	sst s0;
	s0 =	simm.s32 @!p2 $0x0  }
0x16: {  	s3 =	sld [smem:$0x3FDB];
	s0 =	simm.s32 @p2 $0x1  }
0x17: {  	s4 =	simm.s32 $0x1BF5;
	[smem:$0x3FB4] =	sst s0  }
0x18: {  	s0 =	sld [smem:$0x3F97];
	_ =	swait.ge [sflag:s4], $0x0  }
0x19: {  	s7 =	sld [smem:$0x3F98]  }
0x1a: {  	s8 =	sadd.s32 $0xFFFFE003, lr  }
0x1b: {  	s9 =	sadd.s32 $0xFFFFFEF7, lr;
	s5 =	simm.s32 $0xFFFFFFFF;
	p2 =	slt.u32 s8, $0xFFFFF086  }
0x1c: {  	p1 =	slt.u32 s9, $0xF7A;
	s5 =	simm.s32 @!p2 $0x0  }
0x1d: {  	s5 =	simm.s32 @p1 $0x1;
	p0 =	seq.s32 s7, s2  }
0x1e: {  	s7 =	smul.u32 @!p0 $0xF7A, s2;
	p2 =	seq.s32 @!p0 s5, $0x0  }
0x1f: {  	s9 =	smul.u32 $0xF7A, s1;
	s8 =	simm.s32 @!p0 $0x1BF5;
	p2 =	por !p2, p0  }
0x20: {  	[sflag:s8] =	ssyncset.s32 @!p0 $0xFFFFF086;
	s6 =	sadd.s32 @!p0 s3, s7;
	s7 =	simm.s32 @!p0 $0x108  }
0x21: {  	s3 =	sadd.s32 s3, s9;
	s6 =	sadd.s32 @!p0 $0x88, s6;
	s7 =	simm.s32 @p2 $0x1082  }
0x22: {  	[simem:s7], [sflag:s8] =	dma.local @!p0 [hbm:s6], $0xF7A  }
0x23: {  	s9 =	sor.u32 $0xD0000000, s2;
	s6 =	simm.s32 $0x108;
	_ =	swait.ge @!p0 [sflag:s8], $0x0  }
0x24: {  	s3 =	sadd.s32 $0x88, s3;
	s6 =	simm.s32 @!p1 $0x1082;
	[sflag:s4] =	ssyncset.s32 $0xFFFFF086  }
0x25: {  	[simem:s6], [sflag:s4] =	dma.local [hbm:s3], $0xF7A  }
0x26: {  	[smem:$0x3F98] =	sst s1;
	(tag) =	ssettag s2;
	_ =	strace s9  }
0x27: {  	s1 =	sld [smem:$0x3FA8]  }
0x28: {  	s2 =	sld [smem:$0x3FA9]  }
0x29: {  	s4 =	sld [smem:$0x3FAB]  }
0x2a: {  	p0 =	seq.s32 s5, $0x0;
	s5 =	sld [smem:$0x3FAC]  }
0x2b: {  	s6 =	sld [smem:$0x3FAD]  }
0x2c: {  	s7 =	sld [smem:$0x3FAE]  }
0x2d: {  	s3 =	simm.s32 $0x108;
	s8 =	sld [smem:$0x3FAF]  }
0x2e: {  	s3 =	simm.s32 @!p0 $0x1082;
	s9 =	sld [smem:$0x3FB0]  }
0x2f: {  	lr =	sadd.s32 s0, s3;
	s0 =	sld [smem:$0x3FA7]  }
0x30: {  	s3 =	sld [smem:$0x3FAA]  }
0x31: {  	[smem:$0x3FB3] =	sst s10  }
0x32: {  	s10 =	sld [smem:$0x3FB1];
	_ =	sdelay $0x3  }
0x33: {  	p0 =	seq.s32 s10, $0x1;
	s10 =	sld [smem:$0x3FB3];
	_ =	sdelay $0x3  }
0x34: {  	[smem:$0x3FB3] =	sst s10  }
0x35: {  	s10 =	sld [smem:$0x3FB2];
	_ =	sdelay $0x3  }
0x36: {  	p1 =	seq.s32 s10, $0x1;
	s10 =	sld [smem:$0x3FB3];
	_ =	sdelay $0x3  }
0x37: {  	[smem:$0x3FB3] =	sst s10  }
0x38: {  	s10 =	sld [smem:$0x3FB4]  }
0x39: {  	_ = 	snop;
	(pc) =	sbr.ind lr, $3  }
0x3a: {  	_ = 	snop  }
0x3b: {  	_ = 	snop  }
0x3c: {  	p2 =	seq.s32 s10, $0x1;
	s10 =	sld [smem:$0x3FB3]  }
0x3d: {  	_ =	shalt  }
0x3e: {  	_ =	shalt  }
0x3f: {  	_ =	shalt  }
0x40: {  	_ =	shalt  }
0x41: {  	_ =	shalt  }
0x42: {  	_ =	shalt  }
0x43: {  	_ =	shalt  }
0x44: {  	_ =	shalt  }
0x45: {  	_ =	shalt  }
0x46: {  	_ =	shalt  }
0x47: {  	_ =	shalt  }
0x48: {  	_ =	shalt  }
0x49: {  	_ =	shalt  }
0x4a: {  	_ =	shalt  }
0x4b: {  	_ =	shalt  }
0x4c: {  	_ =	shalt  }
0x4d: {  	_ =	shalt  }
0x4e: {  	_ =	shalt  }
0x4f: {  	_ =	shalt  }
0x50: {  	_ =	shalt  }
0x51: {  	_ =	shalt  }
0x52: {  	_ =	shalt  }
0x53: {  	_ =	shalt  }
0x54: {  	_ =	shalt  }
0x55: {  	_ =	shalt  }
0x56: {  	_ =	shalt  }
0x57: {  	_ =	shalt  }
0x58: {  	_ =	shalt  }
0x59: {  	_ =	shalt  }
0x5a: {  	_ =	shalt  }
0x5b: {  	_ =	shalt  }
0x5c: {  	_ =	shalt  }
0x5d: {  	_ =	shalt  }
0x5e: {  	_ =	shalt  }
0x5f: {  	_ =	shalt  }
0x60: {  	_ =	shalt  }
0x61: {  	_ =	shalt  }
0x62: {  	_ =	shalt  }
0x63: {  	_ =	shalt  }
0x64: {  	_ =	shalt  }
0x65: {  	_ =	shalt  }
0x66: {  	_ =	shalt  }
0x67: {  	_ =	shalt  }
0x68: {  	_ =	shalt  }
0x69: {  	_ =	shalt  }
0x6a: {  	_ =	shalt  }
0x6b: {  	_ =	shalt  }
0x6c: {  	_ =	shalt  }
0x6d: {  	_ =	shalt  }
0x6e: {  	_ =	shalt  }
0x6f: {  	_ =	shalt  }
0x70: {  	_ =	shalt  }
0x71: {  	_ =	shalt  }
0x72: {  	_ =	shalt  }
0x73: {  	_ =	shalt  }
0x74: {  	_ =	shalt  }
0x75: {  	_ =	shalt  }
0x76: {  	_ =	shalt  }
0x77: {  	_ =	shalt  }
0x78: {  	_ =	shalt  }
0x79: {  	_ =	shalt  }
0x7a: {  	_ =	shalt  }
0x7b: {  	_ =	shalt  }
0x7c: {  	_ =	shalt  }
0x7d: {  	_ =	shalt  }
0x7e: {  	_ =	shalt  }
0x7f: {  	_ =	shalt  }
0x80: {  	_ =	shalt  }
0x81: {  	_ =	shalt  }
0x82: {  	_ =	shalt  }
0x83: {  	_ =	shalt  }
0x84: {  	_ =	shalt  }
0x85: {  	_ =	shalt  }
0x86: {  	_ =	shalt  }
0x87: {  	_ =	shalt  }
.Lfunc_end0:
.L_simem_size_0:
called_computation.1_lowered:
.L_overlay_start_0:
0x88: {  	s2 =	sld [smem:$0x3FD9]  }
0x89: {  	s3 =	sld [smem:$0x3FFE];
	_ =	sdelay $0x1  }
0x8a: {  	s1 =	srdreg.scid  }
0x8b: {  	s0 =	sand.u32 $0x1, s1  }
0x8c: {  	s16 =	sshll.u32 s0, $0xA;
	s2 =	sadd.s32 s3, s2  }
0x8d: {  	s2 =	sadd.s32 s2, s16  }
0x8e: {  	[smem:$0x3FBF] =	sst s2  }
0x8f: {  	_ = 	snop  }
0x90: {  	(tm) =	ssettm $0x1  }
0x91: {  	s17 =	sld [smem:$0x3FFB];
	_ =	sdelay $0x3  }
0x92: {  	_ =	strace s17  }
0x93: {  	s2 =	sld [smem:$0x3FFC];
	_ =	sdelay $0x3  }
0x94: {  	_ =	strace s2  }
0x95: {  	s2 =	sld [smem:$0x3FFD];
	_ =	sdelay $0x3  }
0x96: {  	_ =	strace s2  }
0x97: {  	_ =	strace $0x8FFFFFFF  }
0x98: {  	s18 =	sld [smem:$0x3FDB];
	_ =	sdelay $0x1  }
0x99: {  	s19 =	simm.s32 $_scs_section_size  }
0x9a: {  	s4 =	simm.s32 $_size__tile_overlayer_lowered;
	s5 =	simm.s32 $_tile_overlayer_lowered  }
0x9b: {  	s22 =	simm.s32 $0x1BFF;
	s21 =	sshll.u32 s5, $0x1;
	s2 =	sadd.s32 s19, s18  }
0x9c: {  	s6 =	simm.s32 $0x0;
	s20 =	sshll.u32 s4, $0x1;
	s4 =	sadd.s32 s21, s2  }
0x9d: {  	[timem:s6], [sflag:s22] =	dma.local [hbm:s4], s20  }
0x9e: {  	_ =	swait.ge [sflag:s22], s20  }
0x9f: {  	s3 =	ssub.s32 $0x0, s20;
	[sflag:s22] =	ssyncset.done $0x0  }
0xa0: {  	[sflag:s22] =	ssyncadd.s32 s3;
	_ =	sdelay $0x1  }
0xa1: {  	s23 =	simm.s32 $0x1B8B  }
0xa2: {  	_ =	swait.ge [sflag:s23], $0x1  }
0xa3: {  	[sflag:s23] =	ssyncset.done $0x0  }
0xa4: {  	s25 =	simm.s32 $0x1B8E;
	s24 =	sld [smem:$0x3FFE];
	[sflag:s23] =	ssyncadd.s32 $0xFFFFFFFF  }
0xa5: {  	s26 =	simm.s32 $execute0_lowered;
	[smem:$0x3FD2] =	sst s25  }
0xa6: {  	s4 =	sshll.u32 s26, $0x1;
	_ =	strace $0x80000049;
	[dreg:$0x1] =	wrdreg $0xFFFFFFFF  }
0xa7: {  	s28 =	simm.s32 $_size_execute0_lowered;
	s2 =	sadd.s32 s2, s4;
	[dreg:$0x0] =	wrdreg $0x0  }
0xa8: {  	s4 =	sshll.u32 s28, $0x1;
	[dreg:$0x2] =	wrdreg s2  }
0xa9: {  	[dreg:$0x3] =	wrdreg s4  }
0xaa: {  	[dreg:$0x4] =	wrdreg $0xC0  }
0xab: {  	_ =	task [dreg:s6], $0x5FFFF  }
0xac: {  	[dreg:$0x1] =	wrdreg $0xFFFFFFFF  }
0xad: {  	[dreg:$0x0] =	wrdreg $0x60  }
0xae: {  	[dreg:$0x2] =	wrdreg s24  }
0xaf: {  	[dreg:$0x3] =	wrdreg $0xA4000  }
0xb0: {  	[dreg:$0x4] =	wrdreg $0x9  }
0xb1: {  	_ =	task.clear_ibuf [dreg:s6], $0x5FFFF;
	_ =	strace $0x90000049  }
0xb2: {  	s29 =	simm.s32 $0x9;
	_ =	strace $0x8000004B  }
0xb3: {  	_ =	swait.ge [sflag:s29], $0x1  }
0xb4: {  	[sflag:s29] =	ssyncadd.s32 $0xFFFFFFFF  }
0xb5: {  	_ =	strace $0x9000004B  }
0xb6: {  	_ =	sfence  }
0xb7: {  	s30 =	sld [smem:$0x0];
	_ =	sdelay $0x2  }
0xb8: {  	s31 =	sshll.u32 s1, $0xD;
	s1 =	sshrl.u32 s1, $0x2  }
0xb9: {  	s3 =	sand.u32 $0x4000, s31;
	s1 =	sadd.s32 s1, s30  }
0xba: {  	s0 =	sor.u32 s3, s0;
	s1 =	sshll.u32 s1, $0x11  }
0xbb: {  	s0 =	sor.u32 s1, s0  }
0xbc: {  	s0 =	sadd.s32 $0x8F2B, s0  }
0xbd: {  	[sflag:s0] =	ssyncadd.remote.s32 $0x1  }
0xbe: {  	_ =	sfence.sel $0xFFFF  }
0xbf: {  	[dreg:$0x0] =	wrdreg $0xFFFFFFFF;
	(pc) =	sbr.abs _section_cstart, $3  }
0xc0: {  	[dreg:$0x1] =	wrdreg $0xFFFFFFFF  }
0xc1: {  	_ =	task.clear_ibuf [dreg:s6], $0x2FFFF;
	_ =	strace $0x9FFFFFFF  }
0xc2: {  	(tm) =	ssettm $0x7FFFFFFF  }
0xc3: {  	_ =	shalt  }
tec
execute0_lowered:
.L_overlay_start_1:
0x0: {  	(tag) =	ssettag $0x1  }
0x1: {  	s0 =	rddreg [dreg:$0x0]  }
0x2: {  	s1 =	rddreg [dreg:$0x1];
	s2 =	srdreg.scid;
	s3 =	simm.s32 $0x0  }
0x3: {  	s9 =	stileid.u32;
	s29 =	simm.s32 $0x8400;
	s30 =	simm.s32 $0x7  }
0x4: {  	s31 =	simm.s32 $0x200;
	s2 =	sand.u32 $0x1, s2;
	s6 =	smul.u32 $0x2800, s9  }
0x5: {  	[smem:$0x7FF] =	sst s3;
	s8 =	sadd.s32 $0x5C800, s0;
	s21 =	smul.u32 $0x50000, s9  }
0x6: {  	s5 =	smul.u32 $0x28000, s2;
	s4 =	sshll.u32 s2, $0x4;
	_ =	strace $0x8000004A  }
0x7: {  	s2 =	ssub.s32 $0x2, s2;
	s7 =	sor.u32 s9, s4;
	s4 =	sadd.s32 $0x66800, s0  }
0x8: {  	s9 =	sadd.s32 $0x2800, s0;
	s10 =	sshrl.u32 s2, $0x1;
	s7 =	smul.u32 $0x2800, s7  }
0x9: {  	s6 =	sadd.s32 s6, s5;
	s5 =	sshrl.u32 s21, $0x2;
	s2 =	ssub.s32 s2, s10  }
0xa: {  	s0 =	sadd.s32 s6, s0;
	s5 =	sadd.s32 s5, s1;
	s2 =	smax.u32 s2, $0x1  }
0xb: {  	s12 =	sor.u32 $0x380, s6;
	s0 =	sadd.s32 $0x8E800, s0;
	[dreg:$0x11] =	wrdreg s2  }
0xc: {  	s16 =	sor.u32 $0x300, s6;
	s13 =	sadd.s32 $0x2000, s5;
	[dreg:$0x10] =	wrdreg s0  }
0xd: {  	s21 =	sor.u32 $0x280, s6;
	s14 =	sadd.s32 $0x4000, s5;
	[dreg:$0x12] =	wrdreg s13  }
0xe: {  	s6 =	sor.u32 $0x200, s6;
	s18 =	sadd.s32 $0x6000, s5;
	[dreg:$0x13] =	wrdreg s14  }
0xf: {  	s7 =	sshrl.u32 s7, $0x3;
	s20 =	sadd.s32 $0x8000, s5;
	[dreg:$0x14] =	wrdreg s18  }
0x10: {  	s17 =	sshrl.u32 s16, $0x3;
	s11 =	sadd.s32 s8, s7;
	[dreg:$0x15] =	wrdreg s20  }
0x11: {  	s28 =	sadd.s32 $0x12000, s5;
	s23 =	sadd.s32 s9, s7;
	[dreg:$0x8] =	wrdreg s11  }
0x12: {  	s16 =	simm.s32 $0x6;
	s19 =	sadd.s32 s17, s9;
	[dreg:$0x9] =	wrdreg s23  }
0x13: {  	s22 =	sor.u32 $0x10, s7;
	s2 =	sadd.s32 s17, s8;
	[dreg:$0x5] =	wrdreg s19  }
0x14: {  	s25 =	sor.u32 $0x20, s7;
	s24 =	sadd.s32 s8, s22;
	[dreg:$0x6] =	wrdreg s2  }
0x15: {  	s7 =	sor.u32 $0x30, s7;
	s10 =	sadd.s32 s9, s22;
	[dreg:$0xa] =	wrdreg s24  }
0x16: {  	s0 =	sshrl.u32 s12, $0x3;
	s26 =	sadd.s32 s8, s25;
	[dreg:$0xb] =	wrdreg s10  }
0x17: {  	s12 =	simm.s32 $0x2;
	s11 =	sadd.s32 s8, s7;
	[dreg:$0xc] =	wrdreg s26  }
0x18: {  	s13 =	simm.s32 $0x4400;
	s7 =	sadd.s32 s9, s7;
	[dreg:$0xe] =	wrdreg s11  }
0x19: {  	s14 =	simm.s32 $0x5;
	s15 =	sadd.s32 s0, s9;
	[dreg:$0xf] =	wrdreg s7  }
0x1a: {  	s17 =	simm.s32 $0x4;
	s0 =	sadd.s32 s0, s8;
	[dreg:$0x3] =	wrdreg s15  }
0x1b: {  	s18 =	simm.s32 $0x0;
	s22 =	sadd.s32 $0xA000, s5;
	[dreg:$0x4] =	wrdreg s0  }
0x1c: {  	s2 =	simm.s32 $0x280;
	s10 =	sadd.s32 s9, s25;
	[dreg:$0x16] =	wrdreg s22  }
0x1d: {  	s0 =	sshrl.u32 s21, $0x3;
	s24 =	sadd.s32 $0xC000, s5;
	s25 =	sshrl.u32 s6, $0x3  }
0x1e: {  	s26 =	sadd.s32 $0xE000, s5;
	s6 =	simm.s32 $0x100;
	s7 =	simm.s32 $0x300  }
0x1f: {  	s11 =	simm.s32 $0x400;
	s15 =	simm.s32 $0x3;
	[dreg:$0xd] =	wrdreg s10  }
0x20: {  	s23 =	sadd.s32 s0, s9;
	[dreg:$0x17] =	wrdreg s24;
	s22 =	sadd.s32 s0, s8  }
0x21: {  	s24 =	sadd.s32 s25, s8;
	[dreg:$0x18] =	wrdreg s26;
	s26 =	sadd.s32 $0x10000, s5  }
0x22: {  	s0 =	simm.s32 $0x80;
	s8 =	simm.s32 $0x180;
	s10 =	simm.s32 $0x1  }
0x23: {  	v0 =	vimm.f32 $0.0e+00;
	[dreg:$0x7] =	wrdreg s23;
	s23 =	sadd.s32 s25, s9;
	s9 =	simm.s32 $0x380  }
.LBB2_1:
0x24: {  	s19 =	sand.u32 $0x7E00, s3  }
0x25: {  	s20 =	sand.u32 $0x70, s3;
	s21 =	sshrl.u32 s19, $0x2  }
0x26: {  	s19 =	simm.s32 $0x40;
	s21 =	sor.u32 s20, s21;
	s20 =	simm.s32 $0x0  }
.LBB2_2:
0x27: {  	p0 =	sne.s32 s19, $0x7FC0  }
0x28: {  	[tilespmem:s21+$0x8400] =	vst v0;
	s20 =	sadd.s32 $0x10, s20;
	s21 =	smov.u32 s19;
	s19 =	sadd.s32 $0x40, s19  }
.Ltmp0:
0x29: {  	(pc) =	sbr.rel @p0 .LBB2_2-.Ltmp0, $4  }
0x2a: {  	_ = 	snop  }
0x2b: {  	s21 =	sand.u32 $0x7E00, s21  }
0x2c: {  	s25 =	sand.u32 $0x70, s20;
	s21 =	sshrl.u32 s21, $0x2  }
0x2d: {  	s21 =	sor.u32 s25, s21  }
0x2e: {  	[tilespmem:s21+$0x8400] =	vst v0  }
0x2f: {  	[spmem:s5] =	stream.linear.scatter [tilespmem:s29], [sflag:$0x7], $0x2000, $0x38;
	[tilespmem:$0x1E400] =	vst v63  }
0x30: {  	_ =	swait.ge [sflag:s30], $0x2000  }
0x31: {  	[sflag:s30] =	ssyncset.done $0x0  }
0x32: {  	s19 =	rddreg [dreg:$0x12];
	[sflag:s30] =	ssyncadd.s32 $0xFFFFE000  }
0x33: {  	[spmem:s19] =	stream.linear.scatter [tilespmem:s29], [sflag:$0x7], $0x2000, $0x38;
	[tilespmem:$0x1E400] =	vst v63  }
0x34: {  	_ =	swait.ge [sflag:s30], $0x2000  }
0x35: {  	[sflag:s30] =	ssyncset.done $0x0  }
0x36: {  	s21 =	rddreg [dreg:$0x13];
	[sflag:s30] =	ssyncadd.s32 $0xFFFFE000  }
0x37: {  	[spmem:s21] =	stream.linear.scatter [tilespmem:s29], [sflag:$0x7], $0x2000, $0x38;
	[tilespmem:$0x1E400] =	vst v63  }
0x38: {  	_ =	swait.ge [sflag:s30], $0x2000  }
0x39: {  	[sflag:s30] =	ssyncset.done $0x0  }
0x3a: {  	s25 =	rddreg [dreg:$0x14];
	[sflag:s30] =	ssyncadd.s32 $0xFFFFE000  }
0x3b: {  	[spmem:s25] =	stream.linear.scatter [tilespmem:s29], [sflag:$0x7], $0x2000, $0x38;
	[tilespmem:$0x1E400] =	vst v63  }
0x3c: {  	_ =	swait.ge [sflag:s30], $0x2000  }
0x3d: {  	[sflag:s30] =	ssyncset.done $0x0  }
0x3e: {  	s20 =	rddreg [dreg:$0x15];
	[sflag:s30] =	ssyncadd.s32 $0xFFFFE000  }
0x3f: {  	[spmem:s20] =	stream.linear.scatter [tilespmem:s29], [sflag:$0x7], $0x2000, $0x38;
	[tilespmem:$0x1E400] =	vst v63  }
0x40: {  	_ =	swait.ge [sflag:s30], $0x2000  }
0x41: {  	[sflag:s30] =	ssyncset.done $0x0  }
0x42: {  	s21 =	rddreg [dreg:$0x16];
	[sflag:s30] =	ssyncadd.s32 $0xFFFFE000  }
0x43: {  	[spmem:s21] =	stream.linear.scatter [tilespmem:s29], [sflag:$0x7], $0x2000, $0x38;
	[tilespmem:$0x1E400] =	vst v63  }
0x44: {  	_ =	swait.ge [sflag:s30], $0x2000  }
0x45: {  	[sflag:s30] =	ssyncset.done $0x0  }
0x46: {  	s25 =	rddreg [dreg:$0x17];
	[sflag:s30] =	ssyncadd.s32 $0xFFFFE000  }
0x47: {  	[spmem:s25] =	stream.linear.scatter [tilespmem:s29], [sflag:$0x7], $0x2000, $0x38;
	[tilespmem:$0x1E400] =	vst v63  }
0x48: {  	_ =	swait.ge [sflag:s30], $0x2000  }
0x49: {  	[sflag:s30] =	ssyncset.done $0x0  }
0x4a: {  	s20 =	rddreg [dreg:$0x18];
	[sflag:s30] =	ssyncadd.s32 $0xFFFFE000  }
0x4b: {  	[spmem:s20] =	stream.linear.scatter [tilespmem:s29], [sflag:$0x7], $0x2000, $0x38;
	[tilespmem:$0x1E400] =	vst v63  }
0x4c: {  	_ =	swait.ge [sflag:s30], $0x2000  }
0x4d: {  	[sflag:s30] =	ssyncset.done $0x0  }
0x4e: {  	[sflag:s30] =	ssyncadd.s32 $0xFFFFE000  }
0x4f: {  	[spmem:s26] =	stream.linear.scatter [tilespmem:s29], [sflag:$0x7], $0x2000, $0x38;
	[tilespmem:$0x1E400] =	vst v63  }
0x50: {  	_ =	swait.ge [sflag:s30], $0x2000  }
0x51: {  	[sflag:s30] =	ssyncset.done $0x0  }
0x52: {  	[sflag:s30] =	ssyncadd.s32 $0xFFFFE000  }
0x53: {  	[spmem:s28] =	stream.linear.scatter [tilespmem:s29], [sflag:$0x7], $0x2000, $0x38;
	[tilespmem:$0x1E400] =	vst v63  }
0x54: {  	_ =	swait.ge [sflag:s30], $0x2000  }
0x55: {  	[sflag:s30] =	ssyncset.done $0x0  }
0x56: {  	[sflag:s30] =	ssyncadd.s32 $0xFFFFE000  }
0x57: {  	[bflag:$0x0] =	sbarrier.arrive $0xFFFF  }
0x58: {  	s19 =	simm.s32 $0x0;
	s20 =	rddreg [dreg:$0x8]  }
0x59: {  	[tilespmem:s19], [sflag:$0x1] =	stream.linear.gather [hbm4b:s20+s19], $0x80, $0x38;
	[tilespmem:$0x1E400] =	vst v63  }
0x5a: {  	s21 =	rddreg [dreg:$0x9]  }
0x5b: {  	[tilespmem:s31], [sflag:$0x1] =	stream.linear.gather [hbm4b:s21+s19], $0x80, $0x38;
	[tilespmem:$0x1E400] =	vst v63  }
0x5c: {  	s25 =	rddreg [dreg:$0xa]  }
0x5d: {  	[tilespmem:s0], [sflag:$0x2] =	stream.linear.gather [hbm4b:s25+s19], $0x80, $0x38;
	[tilespmem:$0x1E400] =	vst v63  }
0x5e: {  	s21 =	rddreg [dreg:$0xb]  }
0x5f: {  	[tilespmem:s2], [sflag:$0x2] =	stream.linear.gather [hbm4b:s21+s19], $0x80, $0x38;
	[tilespmem:$0x1E400] =	vst v63  }
0x60: {  	s25 =	rddreg [dreg:$0xc]  }
0x61: {  	[tilespmem:s6], [sflag:$0x3] =	stream.linear.gather [hbm4b:s25+s19], $0x80, $0x38;
	[tilespmem:$0x1E400] =	vst v63  }
0x62: {  	s21 =	rddreg [dreg:$0xd]  }
0x63: {  	[tilespmem:s7], [sflag:$0x3] =	stream.linear.gather [hbm4b:s21+s19], $0x80, $0x38;
	[tilespmem:$0x1E400] =	vst v63  }
0x64: {  	s25 =	rddreg [dreg:$0xe]  }
0x65: {  	[tilespmem:s8], [sflag:$0x4] =	stream.linear.gather [hbm4b:s25+s19], $0x80, $0x38;
	[tilespmem:$0x1E400] =	vst v63  }
0x66: {  	s21 =	rddreg [dreg:$0xf]  }
0x67: {  	[tilespmem:s9], [sflag:$0x4] =	stream.linear.gather [hbm4b:s21+s19], $0x80, $0x38;
	[tilespmem:$0x1E400] =	vst v63  }
0x68: {  	_ =	swait.ge [sflag:s10], $0x80  }
0x69: {  	[sflag:s10] =	ssyncset.done $0x0  }
0x6a: {  	[sflag:s10] =	ssyncadd.s32 $0xFFFFFF80  }
0x6b: {  	_ =	swait.ge [sflag:s10], $0x80  }
0x6c: {  	[sflag:s10] =	ssyncset.done $0x0  }
0x6d: {  	[sflag:s10] =	ssyncadd.s32 $0xFFFFFF80  }
0x6e: {  	[tilespmem:s11], [sflag:$0x5] =	stream.indirect.gather [hbm4b:s4+s0], $0x80, s19, s0, $0xb8;
	[tilespmem:$0x1E400] =	vst v63  }
0x6f: {  	_ =	swait.ge [sflag:s12], $0x80  }
0x70: {  	[sflag:s12] =	ssyncset.done $0x0  }
0x71: {  	[sflag:s12] =	ssyncadd.s32 $0xFFFFFF80  }
0x72: {  	_ =	swait.ge [sflag:s12], $0x80  }
0x73: {  	[sflag:s12] =	ssyncset.done $0x0  }
0x74: {  	[sflag:s12] =	ssyncadd.s32 $0xFFFFFF80  }
0x75: {  	[tilespmem:s13], [sflag:$0x6] =	stream.indirect.gather [hbm4b:s4+s0], $0x80, s0, s0, $0xb8;
	[tilespmem:$0x1E400] =	vst v63  }
0x76: {  	_ =	swait.ge [sflag:s14], $0x4000  }
0x77: {  	[sflag:s14] =	ssyncset.done $0x0  }
0x78: {  	[sflag:s14] =	ssyncadd.s32 $0xFFFFC000  }
0x79: {  	[spmem:s1] =	stream.indirect.scatter.add.f32 [tilespmem:s11], [sflag:$0x7], $0x80, s31, s0, $0xb8;
	[tilespmem:$0x1E400] =	vst v63  }
0x7a: {  	_ =	swait.ge [sflag:s30], $0x4000  }
0x7b: {  	[sflag:s30] =	ssyncset.done $0x0  }
0x7c: {  	[sflag:s30] =	ssyncadd.s32 $0xFFFFC000  }
0x7d: {  	_ =	swait.ge [sflag:s15], $0x80  }
0x7e: {  	[sflag:s15] =	ssyncset.done $0x0  }
0x7f: {  	[sflag:s15] =	ssyncadd.s32 $0xFFFFFF80  }
0x80: {  	_ =	swait.ge [sflag:s15], $0x80  }
0x81: {  	[sflag:s15] =	ssyncset.done $0x0  }
0x82: {  	[sflag:s15] =	ssyncadd.s32 $0xFFFFFF80  }
0x83: {  	[tilespmem:s11], [sflag:$0x5] =	stream.indirect.gather [hbm4b:s4+s0], $0x80, s6, s0, $0xb8;
	[tilespmem:$0x1E400] =	vst v63  }
0x84: {  	s25 =	sadd.s32 $0x0, s24  }
0x85: {  	[tilespmem:s3], [sflag:$0x1] =	stream.linear.gather [hbm4b:s25+s3], $0x80, $0x38;
	[tilespmem:$0x1E400] =	vst v63  }
0x86: {  	s20 =	sadd.s32 $0x0, s23  }
0x87: {  	[tilespmem:s31], [sflag:$0x1] =	stream.linear.gather [hbm4b:s20+s3], $0x80, $0x38;
	[tilespmem:$0x1E400] =	vst v63  }
0x88: {  	_ =	swait.ge [sflag:s16], $0x4000  }
0x89: {  	[sflag:s16] =	ssyncset.done $0x0  }
0x8a: {  	[sflag:s16] =	ssyncadd.s32 $0xFFFFC000  }
0x8b: {  	[spmem:s1] =	stream.indirect.scatter.add.f32 [tilespmem:s13], [sflag:$0x7], $0x80, s2, s0, $0xb8;
	[tilespmem:$0x1E400] =	vst v63  }
0x8c: {  	_ =	swait.ge [sflag:s30], $0x4000  }
0x8d: {  	[sflag:s30] =	ssyncset.done $0x0  }
0x8e: {  	[sflag:s30] =	ssyncadd.s32 $0xFFFFC000  }
0x8f: {  	_ =	swait.ge [sflag:s17], $0x80  }
0x90: {  	[sflag:s17] =	ssyncset.done $0x0  }
0x91: {  	[sflag:s17] =	ssyncadd.s32 $0xFFFFFF80  }
0x92: {  	_ =	swait.ge [sflag:s17], $0x80  }
0x93: {  	[sflag:s17] =	ssyncset.done $0x0  }
0x94: {  	[sflag:s17] =	ssyncadd.s32 $0xFFFFFF80  }
0x95: {  	[tilespmem:s13], [sflag:$0x6] =	stream.indirect.gather [hbm4b:s4+s0], $0x80, s8, s0, $0xb8;
	[tilespmem:$0x1E400] =	vst v63  }
0x96: {  	s25 =	sadd.s32 $0x0, s22;
	s21 =	rddreg [dreg:$0x7]  }
0x97: {  	[tilespmem:s0], [sflag:$0x2] =	stream.linear.gather [hbm4b:s25+s3], $0x80, $0x38;
	[tilespmem:$0x1E400] =	vst v63  }
0x98: {  	s19 =	sadd.s32 $0x0, s21  }
0x99: {  	[tilespmem:s2], [sflag:$0x2] =	stream.linear.gather [hbm4b:s19+s3], $0x80, $0x38;
	[tilespmem:$0x1E400] =	vst v63  }
0x9a: {  	_ =	swait.ge [sflag:s14], $0x4000  }
0x9b: {  	[sflag:s14] =	ssyncset.done $0x0  }
0x9c: {  	[sflag:s14] =	ssyncadd.s32 $0xFFFFC000  }
0x9d: {  	[spmem:s1] =	stream.indirect.scatter.add.f32 [tilespmem:s11], [sflag:$0x7], $0x80, s7, s0, $0xb8;
	[tilespmem:$0x1E400] =	vst v63  }
0x9e: {  	_ =	swait.ge [sflag:s30], $0x4000  }
0x9f: {  	[sflag:s30] =	ssyncset.done $0x0  }
0xa0: {  	[sflag:s30] =	ssyncadd.s32 $0xFFFFC000  }
0xa1: {  	_ =	swait.ge [sflag:s10], $0x80  }
0xa2: {  	[sflag:s10] =	ssyncset.done $0x0  }
0xa3: {  	[sflag:s10] =	ssyncadd.s32 $0xFFFFFF80  }
0xa4: {  	_ =	swait.ge [sflag:s10], $0x80  }
0xa5: {  	[sflag:s10] =	ssyncset.done $0x0  }
0xa6: {  	s21 =	rddreg [dreg:$0x6];
	[sflag:s10] =	ssyncadd.s32 $0xFFFFFF80  }
0xa7: {  	[tilespmem:s11], [sflag:$0x5] =	stream.indirect.gather [hbm4b:s4+s0], $0x80, s3, s0, $0xb8;
	[tilespmem:$0x1E400] =	vst v63  }
0xa8: {  	s25 =	rddreg [dreg:$0x5];
	s19 =	sadd.s32 $0x0, s21  }
0xa9: {  	[tilespmem:s6], [sflag:$0x3] =	stream.linear.gather [hbm4b:s19+s3], $0x80, $0x38;
	[tilespmem:$0x1E400] =	vst v63  }
0xaa: {  	s20 =	sadd.s32 $0x0, s25  }
0xab: {  	[tilespmem:s7], [sflag:$0x3] =	stream.linear.gather [hbm4b:s20+s3], $0x80, $0x38;
	[tilespmem:$0x1E400] =	vst v63  }
0xac: {  	_ =	swait.ge [sflag:s16], $0x4000  }
0xad: {  	[sflag:s16] =	ssyncset.done $0x0  }
0xae: {  	[sflag:s16] =	ssyncadd.s32 $0xFFFFC000  }
0xaf: {  	[spmem:s1] =	stream.indirect.scatter.add.f32 [tilespmem:s13], [sflag:$0x7], $0x80, s9, s0, $0xb8;
	[tilespmem:$0x1E400] =	vst v63  }
0xb0: {  	_ =	swait.ge [sflag:s30], $0x4000  }
0xb1: {  	[sflag:s30] =	ssyncset.done $0x0  }
0xb2: {  	[sflag:s30] =	ssyncadd.s32 $0xFFFFC000  }
0xb3: {  	_ =	swait.ge [sflag:s12], $0x80  }
0xb4: {  	[sflag:s12] =	ssyncset.done $0x0  }
0xb5: {  	[sflag:s12] =	ssyncadd.s32 $0xFFFFFF80  }
0xb6: {  	_ =	swait.ge [sflag:s12], $0x80  }
0xb7: {  	[sflag:s12] =	ssyncset.done $0x0  }
0xb8: {  	s21 =	rddreg [dreg:$0x4];
	[sflag:s12] =	ssyncadd.s32 $0xFFFFFF80  }
0xb9: {  	[tilespmem:s13], [sflag:$0x6] =	stream.indirect.gather [hbm4b:s4+s0], $0x80, s0, s0, $0xb8;
	[tilespmem:$0x1E400] =	vst v63  }
0xba: {  	s25 =	rddreg [dreg:$0x3];
	s19 =	sadd.s32 $0x0, s21  }
0xbb: {  	[tilespmem:s8], [sflag:$0x4] =	stream.linear.gather [hbm4b:s19+s3], $0x80, $0x38;
	[tilespmem:$0x1E400] =	vst v63  }
0xbc: {  	s20 =	sadd.s32 $0x0, s25;
	s19 =	simm.s32 $0x40  }
.LBB2_4:
0xbd: {  	[tilespmem:s9], [sflag:$0x4] =	stream.linear.gather [hbm4b:s20+s3], $0x80, $0x38;
	[tilespmem:$0x1E400] =	vst v63  }
0xbe: {  	_ =	swait.ge [sflag:s14], $0x4000  }
0xbf: {  	[sflag:s14] =	ssyncset.done $0x0  }
0xc0: {  	[sflag:s14] =	ssyncadd.s32 $0xFFFFC000  }
0xc1: {  	[spmem:s1] =	stream.indirect.scatter.add.f32 [tilespmem:s11], [sflag:$0x7], $0x80, s31, s0, $0xb8;
	[tilespmem:$0x1E400] =	vst v63  }
0xc2: {  	_ =	swait.ge [sflag:s30], $0x4000  }
0xc3: {  	[sflag:s30] =	ssyncset.done $0x0  }
0xc4: {  	[sflag:s30] =	ssyncadd.s32 $0xFFFFC000  }
0xc5: {  	_ =	swait.ge [sflag:s15], $0x80  }
0xc6: {  	[sflag:s15] =	ssyncset.done $0x0  }
0xc7: {  	[sflag:s15] =	ssyncadd.s32 $0xFFFFFF80  }
0xc8: {  	_ =	swait.ge [sflag:s15], $0x80  }
0xc9: {  	[sflag:s15] =	ssyncset.done $0x0  }
0xca: {  	s20 =	smov.u32 s19;
	[sflag:s15] =	ssyncadd.s32 $0xFFFFFF80  }
0xcb: {  	[tilespmem:s11], [sflag:$0x5] =	stream.indirect.gather [hbm4b:s4+s0], $0x80, s6, s0, $0xb8;
	[tilespmem:$0x1E400] =	vst v63  }
0xcc: {  	s21 =	sadd.s32 s20, s24  }
0xcd: {  	[tilespmem:s3], [sflag:$0x1] =	stream.linear.gather [hbm4b:s21+s3], $0x80, $0x38;
	[tilespmem:$0x1E400] =	vst v63  }
0xce: {  	s25 =	sadd.s32 s20, s23  }
0xcf: {  	[tilespmem:s31], [sflag:$0x1] =	stream.linear.gather [hbm4b:s25+s3], $0x80, $0x38;
	[tilespmem:$0x1E400] =	vst v63  }
0xd0: {  	_ =	swait.ge [sflag:s16], $0x4000  }
0xd1: {  	[sflag:s16] =	ssyncset.done $0x0  }
0xd2: {  	[sflag:s16] =	ssyncadd.s32 $0xFFFFC000  }
0xd3: {  	[spmem:s1] =	stream.indirect.scatter.add.f32 [tilespmem:s13], [sflag:$0x7], $0x80, s2, s0, $0xb8;
	[tilespmem:$0x1E400] =	vst v63  }
0xd4: {  	_ =	swait.ge [sflag:s30], $0x4000  }
0xd5: {  	[sflag:s30] =	ssyncset.done $0x0  }
0xd6: {  	[sflag:s30] =	ssyncadd.s32 $0xFFFFC000  }
0xd7: {  	_ =	swait.ge [sflag:s17], $0x80  }
0xd8: {  	[sflag:s17] =	ssyncset.done $0x0  }
0xd9: {  	[sflag:s17] =	ssyncadd.s32 $0xFFFFFF80  }
0xda: {  	_ =	swait.ge [sflag:s17], $0x80  }
0xdb: {  	[sflag:s17] =	ssyncset.done $0x0  }
0xdc: {  	[sflag:s17] =	ssyncadd.s32 $0xFFFFFF80  }
0xdd: {  	[tilespmem:s13], [sflag:$0x6] =	stream.indirect.gather [hbm4b:s4+s0], $0x80, s8, s0, $0xb8;
	[tilespmem:$0x1E400] =	vst v63  }
0xde: {  	s25 =	sadd.s32 s20, s22;
	s21 =	rddreg [dreg:$0x7]  }
0xdf: {  	[tilespmem:s0], [sflag:$0x2] =	stream.linear.gather [hbm4b:s25+s3], $0x80, $0x38;
	[tilespmem:$0x1E400] =	vst v63  }
0xe0: {  	s21 =	sadd.s32 s20, s21  }
0xe1: {  	[tilespmem:s2], [sflag:$0x2] =	stream.linear.gather [hbm4b:s21+s3], $0x80, $0x38;
	[tilespmem:$0x1E400] =	vst v63  }
0xe2: {  	_ =	swait.ge [sflag:s14], $0x4000  }
0xe3: {  	[sflag:s14] =	ssyncset.done $0x0  }
0xe4: {  	[sflag:s14] =	ssyncadd.s32 $0xFFFFC000  }
0xe5: {  	[spmem:s1] =	stream.indirect.scatter.add.f32 [tilespmem:s11], [sflag:$0x7], $0x80, s7, s0, $0xb8;
	[tilespmem:$0x1E400] =	vst v63  }
0xe6: {  	_ =	swait.ge [sflag:s30], $0x4000  }
0xe7: {  	[sflag:s30] =	ssyncset.done $0x0  }
0xe8: {  	[sflag:s30] =	ssyncadd.s32 $0xFFFFC000  }
0xe9: {  	_ =	swait.ge [sflag:s10], $0x80  }
0xea: {  	[sflag:s10] =	ssyncset.done $0x0  }
0xeb: {  	[sflag:s10] =	ssyncadd.s32 $0xFFFFFF80  }
0xec: {  	_ =	swait.ge [sflag:s10], $0x80  }
0xed: {  	[sflag:s10] =	ssyncset.done $0x0  }
0xee: {  	s21 =	rddreg [dreg:$0x6];
	[sflag:s10] =	ssyncadd.s32 $0xFFFFFF80  }
0xef: {  	[tilespmem:s11], [sflag:$0x5] =	stream.indirect.gather [hbm4b:s4+s0], $0x80, s3, s0, $0xb8;
	[tilespmem:$0x1E400] =	vst v63  }
0xf0: {  	s25 =	rddreg [dreg:$0x5];
	s21 =	sadd.s32 s20, s21  }
0xf1: {  	[tilespmem:s6], [sflag:$0x3] =	stream.linear.gather [hbm4b:s21+s3], $0x80, $0x38;
	[tilespmem:$0x1E400] =	vst v63  }
0xf2: {  	s25 =	sadd.s32 s20, s25  }
0xf3: {  	[tilespmem:s7], [sflag:$0x3] =	stream.linear.gather [hbm4b:s25+s3], $0x80, $0x38;
	[tilespmem:$0x1E400] =	vst v63  }
0xf4: {  	_ =	swait.ge [sflag:s16], $0x4000  }
0xf5: {  	[sflag:s16] =	ssyncset.done $0x0  }
0xf6: {  	[sflag:s16] =	ssyncadd.s32 $0xFFFFC000  }
0xf7: {  	[spmem:s1] =	stream.indirect.scatter.add.f32 [tilespmem:s13], [sflag:$0x7], $0x80, s9, s0, $0xb8;
	[tilespmem:$0x1E400] =	vst v63  }
0xf8: {  	_ =	swait.ge [sflag:s30], $0x4000  }
0xf9: {  	[sflag:s30] =	ssyncset.done $0x0  }
0xfa: {  	[sflag:s30] =	ssyncadd.s32 $0xFFFFC000  }
0xfb: {  	_ =	swait.ge [sflag:s12], $0x80  }
0xfc: {  	[sflag:s12] =	ssyncset.done $0x0  }
0xfd: {  	[sflag:s12] =	ssyncadd.s32 $0xFFFFFF80  }
0xfe: {  	p0 =	sne.s32 s19, $0x480;
	_ =	swait.ge [sflag:s12], $0x80  }
.Ltmp1:
0xff: {  	[sflag:s12] =	ssyncset.done $0x0;
	s21 =	rddreg [dreg:$0x4];
	(pc) =	sbr.rel @p0 .LBB2_4-.Ltmp1, $4  }
0x100: {  	s25 =	rddreg [dreg:$0x3];
	[sflag:s12] =	ssyncadd.s32 $0xFFFFFF80  }
0x101: {  	[tilespmem:s13], [sflag:$0x6] =	stream.indirect.gather [hbm4b:s4+s0], $0x80, s0, s0, $0xb8;
	[tilespmem:$0x1E400] =	vst v63  }
0x102: {  	s19 =	sadd.s32 $0x40, s19;
	s21 =	sadd.s32 s20, s21;
	s20 =	sadd.s32 s20, s25  }
0x103: {  	[tilespmem:s8], [sflag:$0x4] =	stream.linear.gather [hbm4b:s21+s3], $0x80, $0x38;
	[tilespmem:$0x1E400] =	vst v63  }
0x104: {  	[tilespmem:s9], [sflag:$0x4] =	stream.linear.gather [hbm4b:s20+s3], $0x80, $0x38;
	[tilespmem:$0x1E400] =	vst v63  }
0x105: {  	_ =	swait.ge [sflag:s14], $0x4000  }
0x106: {  	[sflag:s14] =	ssyncset.done $0x0  }
0x107: {  	[sflag:s14] =	ssyncadd.s32 $0xFFFFC000  }
0x108: {  	[spmem:s1] =	stream.indirect.scatter.add.f32 [tilespmem:s11], [sflag:$0x7], $0x80, s31, s0, $0xb8;
	[tilespmem:$0x1E400] =	vst v63  }
0x109: {  	_ =	swait.ge [sflag:s30], $0x4000  }
0x10a: {  	[sflag:s30] =	ssyncset.done $0x0  }
0x10b: {  	[sflag:s30] =	ssyncadd.s32 $0xFFFFC000  }
0x10c: {  	_ =	swait.ge [sflag:s15], $0x80  }
0x10d: {  	[sflag:s15] =	ssyncset.done $0x0  }
0x10e: {  	[sflag:s15] =	ssyncadd.s32 $0xFFFFFF80  }
0x10f: {  	_ =	swait.ge [sflag:s15], $0x80  }
0x110: {  	[sflag:s15] =	ssyncset.done $0x0  }
0x111: {  	[sflag:s15] =	ssyncadd.s32 $0xFFFFFF80  }
0x112: {  	[tilespmem:s11], [sflag:$0x5] =	stream.indirect.gather [hbm4b:s4+s0], $0x80, s6, s0, $0xb8;
	[tilespmem:$0x1E400] =	vst v63  }
0x113: {  	_ =	swait.ge [sflag:s16], $0x4000  }
0x114: {  	[sflag:s16] =	ssyncset.done $0x0  }
0x115: {  	[sflag:s16] =	ssyncadd.s32 $0xFFFFC000  }
0x116: {  	[spmem:s1] =	stream.indirect.scatter.add.f32 [tilespmem:s13], [sflag:$0x7], $0x80, s2, s0, $0xb8;
	[tilespmem:$0x1E400] =	vst v63  }
0x117: {  	_ =	swait.ge [sflag:s30], $0x4000  }
0x118: {  	[sflag:s30] =	ssyncset.done $0x0  }
0x119: {  	[sflag:s30] =	ssyncadd.s32 $0xFFFFC000  }
0x11a: {  	_ =	swait.ge [sflag:s17], $0x80  }
0x11b: {  	[sflag:s17] =	ssyncset.done $0x0  }
0x11c: {  	[sflag:s17] =	ssyncadd.s32 $0xFFFFFF80  }
0x11d: {  	_ =	swait.ge [sflag:s17], $0x80  }
0x11e: {  	[sflag:s17] =	ssyncset.done $0x0  }
0x11f: {  	[sflag:s17] =	ssyncadd.s32 $0xFFFFFF80  }
0x120: {  	[tilespmem:s13], [sflag:$0x6] =	stream.indirect.gather [hbm4b:s4+s0], $0x80, s8, s0, $0xb8;
	[tilespmem:$0x1E400] =	vst v63  }
0x121: {  	_ =	swait.ge [sflag:s14], $0x4000  }
0x122: {  	[sflag:s14] =	ssyncset.done $0x0  }
0x123: {  	[sflag:s14] =	ssyncadd.s32 $0xFFFFC000  }
0x124: {  	[spmem:s1] =	stream.indirect.scatter.add.f32 [tilespmem:s11], [sflag:$0x7], $0x80, s7, s0, $0xb8;
	[tilespmem:$0x1E400] =	vst v63  }
0x125: {  	_ =	swait.ge [sflag:s30], $0x4000  }
0x126: {  	[sflag:s30] =	ssyncset.done $0x0  }
0x127: {  	[sflag:s30] =	ssyncadd.s32 $0xFFFFC000  }
0x128: {  	_ =	swait.ge [sflag:s16], $0x4000  }
0x129: {  	[sflag:s16] =	ssyncset.done $0x0  }
0x12a: {  	[sflag:s16] =	ssyncadd.s32 $0xFFFFC000  }
0x12b: {  	[spmem:s1] =	stream.indirect.scatter.add.f32 [tilespmem:s13], [sflag:$0x7], $0x80, s9, s0, $0xb8;
	[tilespmem:$0x1E400] =	vst v63  }
0x12c: {  	_ =	swait.ge [sflag:s30], $0x4000  }
0x12d: {  	[sflag:s30] =	ssyncset.done $0x0  }
0x12e: {  	s19 =	stileid.u32;
	[sflag:s30] =	ssyncadd.s32 $0xFFFFC000  }
0x12f: {  	s19 =	sshll.u32 s19, $0x6;
	[bflag:$0x0] =	sbarrier.arrive $0xFFFF  }
0x130: {  	s25 =	sshrl.u32 s5, $0x3;
	s19 =	sor.u32 $0x1C07, s19;
	s21 =	rddreg [dreg:$0x10]  }
0x131: {  	[hbm:s21], [sflag:s19] =	dma.local [spmem:s25], $0x2800  }
0x132: {  	_ =	swait.ge [sflag:s30], $0x2800  }
0x133: {  	s18 =	sadd.s32 $0x1, s18;
	s25 =	rddreg [dreg:$0x11]  }
0x134: {  	p0 =	sne.s32 s18, s25  }
.Ltmp2:
0x135: {  	_ = 	snop;
	(pc) =	sbr.rel @p0 .LBB2_1-.Ltmp2, $3  }
0x136: {  	_ =	sdelay $0x1  }
0x137: {  	[sflag:s30] =	ssyncset.done $0x0  }
0x138: {  	[sflag:s30] =	ssyncadd.s32 $0xFFFFD800  }
0x139: {  	_ =	sfence.sel $0x180000  }
0x13a: {  	[bflag:$0x0] =	sbarrier.arrive $0xFFFF  }
0x13b: {  	_ =	strace $0x9000004A  }
0x13c: {  	s0 =	stileid.u32;
	[bflag:$0x2] =	sbarrier.arrive $0xFFFF  }
0x13d: {  	p0 =	sne.s32 s0, $0x0;
	s0 =	rddreg [dreg:$0x2]  }
0x13e: {  	s0 =	sadd.s32 @!p0 $0x100000, s0  }
0x13f: {  	[sflag:s0] =	ssyncadd.tile.s32 @!p0 $0x1;
	_ =	shalt  }
.Lfunc_end2:
_tile_overlayer_lowered:
.L_overlay_start_2:
0x140: {  	(tag) =	ssettag $0x2  }
0x141: {  	s0 =	rddreg [dreg:$0x0];
	s2 =	stileid.u32  }
0x142: {  	s1 =	rddreg [dreg:$0x1];
	p0 =	sne.s32 s2, $0x0  }
0x143: {  	s3 =	rddreg [dreg:$0x2];
	[bflag:$0x3] =	sbarrier.arrive $0xFFFF;
	s2 =	simm.s32 @!p0 $0x1C07  }
0x144: {  	[timem:s3], [sflag:s2] =	dma.local @!p0 [hbm:s0], s1  }
0x145: {  	s0 =	simm.s32 @!p0 $0x7  }
0x146: {  	_ =	swait.ge @!p0 [sflag:s0], s1  }
0x147: {  	s1 =	ssub.s32 @!p0 $0x0, s1;
	[sflag:s0] =	ssyncset.done @!p0 $0x0  }
0x148: {  	[sflag:s0] =	ssyncadd.s32 @!p0 s1  }
0x149: {  	[bflag:$0x3] =	sbarrier.arrive $0xFFFF  }
0x14a: {  	_ =	shalt  }

// kernel: kernel.14.cloned.1.call-start
scs
__scs_entry_jumppad:
0x0: {  	(pc) =	sbr.rel $0x88, $3  }
0x1: {  	(tag) =	ssettag $0x0;
	lr =	simm.s32 $0x1  }
0x2: {  	[smem:$0x3F98] =	sst lr;
	_ =	strace $0xD0000000  }
0x3: {  	_ = 	snop  }
0x4: {  	_ = 	snop  }
0x5: {  	_ = 	snop  }
0x6: {  	_ = 	snop  }
0x7: {  	_ = 	snop  }
__scs_overlays_trampoline_lowered:
0x8: {  	[smem:$0x3FA7] =	sst s0  }
0x9: {  	[smem:$0x3FA8] =	sst s1  }
0xa: {  	[smem:$0x3FA9] =	sst s2  }
0xb: {  	[smem:$0x3FAA] =	sst s3  }
0xc: {  	[smem:$0x3FAB] =	sst s4  }
0xd: {  	[smem:$0x3FAC] =	sst s5  }
0xe: {  	[smem:$0x3FAD] =	sst s6  }
0xf: {  	[smem:$0x3FAE] =	sst s7  }
0x10: {  	[smem:$0x3FAF] =	sst s8  }
0x11: {  	[smem:$0x3FB0] =	sst s9;
	s0 =	simm.s32 @!p0 $0x0  }
0x12: {  	s1 =	sld [smem:$0x3F96];
	s0 =	simm.s32 @p0 $0x1  }
0x13: {  	[smem:$0x3FB1] =	sst s0;
	s0 =	simm.s32 @!p1 $0x0  }
0x14: {  	s2 =	sld [smem:$0x3F95];
	s0 =	simm.s32 @p1 $0x1  }
0x15: {  	[smem:$0x3FB2] =	sst s0;
	s0 =	simm.s32 @!p2 $0x0  }
0x16: {  	s3 =	sld [smem:$0x3FDB];
	s0 =	simm.s32 @p2 $0x1  }
0x17: {  	s4 =	simm.s32 $0x1BF5;
	[smem:$0x3FB4] =	sst s0  }
0x18: {  	s0 =	sld [smem:$0x3F97];
	_ =	swait.ge [sflag:s4], $0x0  }
0x19: {  	s7 =	sld [smem:$0x3F98]  }
0x1a: {  	s8 =	sadd.s32 $0xFFFFE003, lr  }
0x1b: {  	s9 =	sadd.s32 $0xFFFFFEF7, lr;
	s5 =	simm.s32 $0xFFFFFFFF;
	p2 =	slt.u32 s8, $0xFFFFF086  }
0x1c: {  	p1 =	slt.u32 s9, $0xF7A;
	s5 =	simm.s32 @!p2 $0x0  }
0x1d: {  	s5 =	simm.s32 @p1 $0x1;
	p0 =	seq.s32 s7, s2  }
0x1e: {  	s7 =	smul.u32 @!p0 $0xF7A, s2;
	p2 =	seq.s32 @!p0 s5, $0x0  }
0x1f: {  	s9 =	smul.u32 $0xF7A, s1;
	s8 =	simm.s32 @!p0 $0x1BF5;
	p2 =	por !p2, p0  }
0x20: {  	[sflag:s8] =	ssyncset.s32 @!p0 $0xFFFFF086;
	s6 =	sadd.s32 @!p0 s3, s7;
	s7 =	simm.s32 @!p0 $0x108  }
0x21: {  	s3 =	sadd.s32 s3, s9;
	s6 =	sadd.s32 @!p0 $0x88, s6;
	s7 =	simm.s32 @p2 $0x1082  }
0x22: {  	[simem:s7], [sflag:s8] =	dma.local @!p0 [hbm:s6], $0xF7A  }
0x23: {  	s9 =	sor.u32 $0xD0000000, s2;
	s6 =	simm.s32 $0x108;
	_ =	swait.ge @!p0 [sflag:s8], $0x0  }
0x24: {  	s3 =	sadd.s32 $0x88, s3;
	s6 =	simm.s32 @!p1 $0x1082;
	[sflag:s4] =	ssyncset.s32 $0xFFFFF086  }
0x25: {  	[simem:s6], [sflag:s4] =	dma.local [hbm:s3], $0xF7A  }
0x26: {  	[smem:$0x3F98] =	sst s1;
	(tag) =	ssettag s2;
	_ =	strace s9  }
0x27: {  	s1 =	sld [smem:$0x3FA8]  }
0x28: {  	s2 =	sld [smem:$0x3FA9]  }
0x29: {  	s4 =	sld [smem:$0x3FAB]  }
0x2a: {  	p0 =	seq.s32 s5, $0x0;
	s5 =	sld [smem:$0x3FAC]  }
0x2b: {  	s6 =	sld [smem:$0x3FAD]  }
0x2c: {  	s7 =	sld [smem:$0x3FAE]  }
0x2d: {  	s3 =	simm.s32 $0x108;
	s8 =	sld [smem:$0x3FAF]  }
0x2e: {  	s3 =	simm.s32 @!p0 $0x1082;
	s9 =	sld [smem:$0x3FB0]  }
0x2f: {  	lr =	sadd.s32 s0, s3;
	s0 =	sld [smem:$0x3FA7]  }
0x30: {  	s3 =	sld [smem:$0x3FAA]  }
0x31: {  	[smem:$0x3FB3] =	sst s10  }
0x32: {  	s10 =	sld [smem:$0x3FB1];
	_ =	sdelay $0x3  }
0x33: {  	p0 =	seq.s32 s10, $0x1;
	s10 =	sld [smem:$0x3FB3];
	_ =	sdelay $0x3  }
0x34: {  	[smem:$0x3FB3] =	sst s10  }
0x35: {  	s10 =	sld [smem:$0x3FB2];
	_ =	sdelay $0x3  }
0x36: {  	p1 =	seq.s32 s10, $0x1;
	s10 =	sld [smem:$0x3FB3];
	_ =	sdelay $0x3  }
0x37: {  	[smem:$0x3FB3] =	sst s10  }
0x38: {  	s10 =	sld [smem:$0x3FB4]  }
0x39: {  	_ = 	snop;
	(pc) =	sbr.ind lr, $3  }
0x3a: {  	_ = 	snop  }
0x3b: {  	_ = 	snop  }
0x3c: {  	p2 =	seq.s32 s10, $0x1;
	s10 =	sld [smem:$0x3FB3]  }
0x3d: {  	_ =	shalt  }
0x3e: {  	_ =	shalt  }
0x3f: {  	_ =	shalt  }
0x40: {  	_ =	shalt  }
0x41: {  	_ =	shalt  }
0x42: {  	_ =	shalt  }
0x43: {  	_ =	shalt  }
0x44: {  	_ =	shalt  }
0x45: {  	_ =	shalt  }
0x46: {  	_ =	shalt  }
0x47: {  	_ =	shalt  }
0x48: {  	_ =	shalt  }
0x49: {  	_ =	shalt  }
0x4a: {  	_ =	shalt  }
0x4b: {  	_ =	shalt  }
0x4c: {  	_ =	shalt  }
0x4d: {  	_ =	shalt  }
0x4e: {  	_ =	shalt  }
0x4f: {  	_ =	shalt  }
0x50: {  	_ =	shalt  }
0x51: {  	_ =	shalt  }
0x52: {  	_ =	shalt  }
0x53: {  	_ =	shalt  }
0x54: {  	_ =	shalt  }
0x55: {  	_ =	shalt  }
0x56: {  	_ =	shalt  }
0x57: {  	_ =	shalt  }
0x58: {  	_ =	shalt  }
0x59: {  	_ =	shalt  }
0x5a: {  	_ =	shalt  }
0x5b: {  	_ =	shalt  }
0x5c: {  	_ =	shalt  }
0x5d: {  	_ =	shalt  }
0x5e: {  	_ =	shalt  }
0x5f: {  	_ =	shalt  }
0x60: {  	_ =	shalt  }
0x61: {  	_ =	shalt  }
0x62: {  	_ =	shalt  }
0x63: {  	_ =	shalt  }
0x64: {  	_ =	shalt  }
0x65: {  	_ =	shalt  }
0x66: {  	_ =	shalt  }
0x67: {  	_ =	shalt  }
0x68: {  	_ =	shalt  }
0x69: {  	_ =	shalt  }
0x6a: {  	_ =	shalt  }
0x6b: {  	_ =	shalt  }
0x6c: {  	_ =	shalt  }
0x6d: {  	_ =	shalt  }
0x6e: {  	_ =	shalt  }
0x6f: {  	_ =	shalt  }
0x70: {  	_ =	shalt  }
0x71: {  	_ =	shalt  }
0x72: {  	_ =	shalt  }
0x73: {  	_ =	shalt  }
0x74: {  	_ =	shalt  }
0x75: {  	_ =	shalt  }
0x76: {  	_ =	shalt  }
0x77: {  	_ =	shalt  }
0x78: {  	_ =	shalt  }
0x79: {  	_ =	shalt  }
0x7a: {  	_ =	shalt  }
0x7b: {  	_ =	shalt  }
0x7c: {  	_ =	shalt  }
0x7d: {  	_ =	shalt  }
0x7e: {  	_ =	shalt  }
0x7f: {  	_ =	shalt  }
0x80: {  	_ =	shalt  }
0x81: {  	_ =	shalt  }
0x82: {  	_ =	shalt  }
0x83: {  	_ =	shalt  }
0x84: {  	_ =	shalt  }
0x85: {  	_ =	shalt  }
0x86: {  	_ =	shalt  }
0x87: {  	_ =	shalt  }
.Lfunc_end0:
.L_simem_size_0:
called_computation.2_lowered:
.L_overlay_start_0:
0x88: {  	s2 =	sld [smem:$0x3FD9]  }
0x89: {  	s3 =	sld [smem:$0x3FFE];
	_ =	sdelay $0x1  }
0x8a: {  	s1 =	srdreg.scid  }
0x8b: {  	s0 =	sand.u32 $0x1, s1  }
0x8c: {  	s16 =	sshll.u32 s0, $0xA;
	s2 =	sadd.s32 s3, s2  }
0x8d: {  	s2 =	sadd.s32 s2, s16  }
0x8e: {  	[smem:$0x3FBF] =	sst s2  }
0x8f: {  	_ = 	snop  }
0x90: {  	(tm) =	ssettm $0x1  }
0x91: {  	s17 =	sld [smem:$0x3FFB];
	_ =	sdelay $0x3  }
0x92: {  	_ =	strace s17  }
0x93: {  	s2 =	sld [smem:$0x3FFC];
	_ =	sdelay $0x3  }
0x94: {  	_ =	strace s2  }
0x95: {  	s2 =	sld [smem:$0x3FFD];
	_ =	sdelay $0x3  }
0x96: {  	_ =	strace s2  }
0x97: {  	_ =	strace $0x8FFFFFFF  }
0x98: {  	s18 =	sld [smem:$0x3FDB];
	_ =	sdelay $0x1  }
0x99: {  	s19 =	simm.s32 $_scs_section_size  }
0x9a: {  	s4 =	simm.s32 $_size__tile_overlayer_lowered;
	s5 =	simm.s32 $_tile_overlayer_lowered  }
0x9b: {  	s22 =	simm.s32 $0x1BFF;
	s21 =	sshll.u32 s5, $0x1;
	s2 =	sadd.s32 s19, s18  }
0x9c: {  	s6 =	simm.s32 $0x0;
	s20 =	sshll.u32 s4, $0x1;
	s4 =	sadd.s32 s21, s2  }
0x9d: {  	[timem:s6], [sflag:s22] =	dma.local [hbm:s4], s20  }
0x9e: {  	_ =	swait.ge [sflag:s22], s20  }
0x9f: {  	s3 =	ssub.s32 $0x0, s20;
	[sflag:s22] =	ssyncset.done $0x0  }
0xa0: {  	[sflag:s22] =	ssyncadd.s32 s3;
	_ =	sdelay $0x1  }
0xa1: {  	s23 =	simm.s32 $0x1B8B  }
0xa2: {  	_ =	swait.ge [sflag:s23], $0x1  }
0xa3: {  	[sflag:s23] =	ssyncset.done $0x0  }
0xa4: {  	s25 =	simm.s32 $0x1B8E;
	s24 =	sld [smem:$0x3FFE];
	[sflag:s23] =	ssyncadd.s32 $0xFFFFFFFF  }
0xa5: {  	s26 =	simm.s32 $execute0_lowered;
	[smem:$0x3FD2] =	sst s25  }
0xa6: {  	s4 =	sshll.u32 s26, $0x1;
	_ =	strace $0x8000004C;
	[dreg:$0x1] =	wrdreg $0xFFFFFFFF  }
0xa7: {  	s28 =	simm.s32 $_size_execute0_lowered;
	s2 =	sadd.s32 s2, s4;
	[dreg:$0x0] =	wrdreg $0x0  }
0xa8: {  	s4 =	sshll.u32 s28, $0x1;
	[dreg:$0x2] =	wrdreg s2  }
0xa9: {  	[dreg:$0x3] =	wrdreg s4  }
0xaa: {  	[dreg:$0x4] =	wrdreg $0xC0  }
0xab: {  	_ =	task [dreg:s6], $0x5FFFF  }
0xac: {  	[dreg:$0x1] =	wrdreg $0xFFFFFFFF  }
0xad: {  	[dreg:$0x0] =	wrdreg $0x60  }
0xae: {  	[dreg:$0x2] =	wrdreg s24  }
0xaf: {  	[dreg:$0x3] =	wrdreg $0xA4000  }
0xb0: {  	[dreg:$0x4] =	wrdreg $0x9  }
0xb1: {  	_ =	task.clear_ibuf [dreg:s6], $0x5FFFF;
	_ =	strace $0x9000004C  }
0xb2: {  	s29 =	simm.s32 $0x9;
	_ =	strace $0x8000004E  }
0xb3: {  	_ =	swait.ge [sflag:s29], $0x1  }
0xb4: {  	[sflag:s29] =	ssyncadd.s32 $0xFFFFFFFF  }
0xb5: {  	_ =	strace $0x9000004E  }
0xb6: {  	_ =	sfence  }
0xb7: {  	s30 =	sld [smem:$0x0];
	_ =	sdelay $0x2  }
0xb8: {  	s31 =	sshll.u32 s1, $0xD;
	s1 =	sshrl.u32 s1, $0x2  }
0xb9: {  	s3 =	sand.u32 $0x4000, s31;
	s1 =	sadd.s32 s1, s30  }
0xba: {  	s0 =	sor.u32 s3, s0;
	s1 =	sshll.u32 s1, $0x11  }
0xbb: {  	s0 =	sor.u32 s1, s0  }
0xbc: {  	s0 =	sadd.s32 $0x8F2B, s0  }
0xbd: {  	[sflag:s0] =	ssyncadd.remote.s32 $0x1  }
0xbe: {  	_ =	sfence.sel $0xFFFF  }
0xbf: {  	[dreg:$0x0] =	wrdreg $0xFFFFFFFF;
	(pc) =	sbr.abs _section_cstart, $3  }
0xc0: {  	[dreg:$0x1] =	wrdreg $0xFFFFFFFF  }
0xc1: {  	_ =	task.clear_ibuf [dreg:s6], $0x2FFFF;
	_ =	strace $0x9FFFFFFF  }
0xc2: {  	(tm) =	ssettm $0x7FFFFFFF  }
0xc3: {  	_ =	shalt  }
tec
execute0_lowered:
.L_overlay_start_1:
0x0: {  	(tag) =	ssettag $0x1  }
0x1: {  	s0 =	rddreg [dreg:$0x0]  }
0x2: {  	s1 =	rddreg [dreg:$0x1];
	s2 =	srdreg.scid;
	s3 =	simm.s32 $0x0  }
0x3: {  	s9 =	stileid.u32;
	s29 =	simm.s32 $0x8400;
	s30 =	simm.s32 $0x7  }
0x4: {  	s31 =	simm.s32 $0x200;
	s2 =	sand.u32 $0x1, s2;
	s6 =	smul.u32 $0x2800, s9  }
0x5: {  	[smem:$0x7FF] =	sst s3;
	s8 =	sadd.s32 $0x5C800, s0;
	s21 =	smul.u32 $0x50000, s9  }
0x6: {  	s5 =	smul.u32 $0x28000, s2;
	s4 =	sshll.u32 s2, $0x4;
	_ =	strace $0x8000004D  }
0x7: {  	s2 =	ssub.s32 $0x2, s2;
	s7 =	sor.u32 s9, s4;
	s4 =	sadd.s32 $0x66800, s0  }
0x8: {  	s9 =	sadd.s32 $0x2800, s0;
	s10 =	sshrl.u32 s2, $0x1;
	s7 =	smul.u32 $0x2800, s7  }
0x9: {  	s6 =	sadd.s32 s6, s5;
	s5 =	sshrl.u32 s21, $0x2;
	s2 =	ssub.s32 s2, s10  }
0xa: {  	s0 =	sadd.s32 s6, s0;
	s5 =	sadd.s32 s5, s1;
	s2 =	smax.u32 s2, $0x1  }
0xb: {  	s12 =	sor.u32 $0x380, s6;
	s0 =	sadd.s32 $0x8E800, s0;
	[dreg:$0x11] =	wrdreg s2  }
0xc: {  	s16 =	sor.u32 $0x300, s6;
	s13 =	sadd.s32 $0x2000, s5;
	[dreg:$0x10] =	wrdreg s0  }
0xd: {  	s21 =	sor.u32 $0x280, s6;
	s14 =	sadd.s32 $0x4000, s5;
	[dreg:$0x12] =	wrdreg s13  }
0xe: {  	s6 =	sor.u32 $0x200, s6;
	s18 =	sadd.s32 $0x6000, s5;
	[dreg:$0x13] =	wrdreg s14  }
0xf: {  	s7 =	sshrl.u32 s7, $0x3;
	s20 =	sadd.s32 $0x8000, s5;
	[dreg:$0x14] =	wrdreg s18  }
0x10: {  	s17 =	sshrl.u32 s16, $0x3;
	s11 =	sadd.s32 s8, s7;
	[dreg:$0x15] =	wrdreg s20  }
0x11: {  	s28 =	sadd.s32 $0x12000, s5;
	s23 =	sadd.s32 s9, s7;
	[dreg:$0x8] =	wrdreg s11  }
0x12: {  	s16 =	simm.s32 $0x6;
	s19 =	sadd.s32 s17, s9;
	[dreg:$0x9] =	wrdreg s23  }
0x13: {  	s22 =	sor.u32 $0x10, s7;
	s2 =	sadd.s32 s17, s8;
	[dreg:$0x5] =	wrdreg s19  }
0x14: {  	s25 =	sor.u32 $0x20, s7;
	s24 =	sadd.s32 s8, s22;
	[dreg:$0x6] =	wrdreg s2  }
0x15: {  	s7 =	sor.u32 $0x30, s7;
	s10 =	sadd.s32 s9, s22;
	[dreg:$0xa] =	wrdreg s24  }
0x16: {  	s0 =	sshrl.u32 s12, $0x3;
	s26 =	sadd.s32 s8, s25;
	[dreg:$0xb] =	wrdreg s10  }
0x17: {  	s12 =	simm.s32 $0x2;
	s11 =	sadd.s32 s8, s7;
	[dreg:$0xc] =	wrdreg s26  }
0x18: {  	s13 =	simm.s32 $0x4400;
	s7 =	sadd.s32 s9, s7;
	[dreg:$0xe] =	wrdreg s11  }
0x19: {  	s14 =	simm.s32 $0x5;
	s15 =	sadd.s32 s0, s9;
	[dreg:$0xf] =	wrdreg s7  }
0x1a: {  	s17 =	simm.s32 $0x4;
	s0 =	sadd.s32 s0, s8;
	[dreg:$0x3] =	wrdreg s15  }
0x1b: {  	s18 =	simm.s32 $0x0;
	s22 =	sadd.s32 $0xA000, s5;
	[dreg:$0x4] =	wrdreg s0  }
0x1c: {  	s2 =	simm.s32 $0x280;
	s10 =	sadd.s32 s9, s25;
	[dreg:$0x16] =	wrdreg s22  }
0x1d: {  	s0 =	sshrl.u32 s21, $0x3;
	s24 =	sadd.s32 $0xC000, s5;
	s25 =	sshrl.u32 s6, $0x3  }
0x1e: {  	s26 =	sadd.s32 $0xE000, s5;
	s6 =	simm.s32 $0x100;
	s7 =	simm.s32 $0x300  }
0x1f: {  	s11 =	simm.s32 $0x400;
	s15 =	simm.s32 $0x3;
	[dreg:$0xd] =	wrdreg s10  }
0x20: {  	s23 =	sadd.s32 s0, s9;
	[dreg:$0x17] =	wrdreg s24;
	s22 =	sadd.s32 s0, s8  }
0x21: {  	s24 =	sadd.s32 s25, s8;
	[dreg:$0x18] =	wrdreg s26;
	s26 =	sadd.s32 $0x10000, s5  }
0x22: {  	s0 =	simm.s32 $0x80;
	s8 =	simm.s32 $0x180;
	s10 =	simm.s32 $0x1  }
0x23: {  	v0 =	vimm.f32 $0.0e+00;
	[dreg:$0x7] =	wrdreg s23;
	s23 =	sadd.s32 s25, s9;
	s9 =	simm.s32 $0x380  }
.LBB2_1:
0x24: {  	s19 =	sand.u32 $0x7E00, s3  }
0x25: {  	s20 =	sand.u32 $0x70, s3;
	s21 =	sshrl.u32 s19, $0x2  }
0x26: {  	s19 =	simm.s32 $0x40;
	s21 =	sor.u32 s20, s21;
	s20 =	simm.s32 $0x0  }
.LBB2_2:
0x27: {  	p0 =	sne.s32 s19, $0x7FC0  }
0x28: {  	[tilespmem:s21+$0x8400] =	vst v0;
	s20 =	sadd.s32 $0x10, s20;
	s21 =	smov.u32 s19;
	s19 =	sadd.s32 $0x40, s19  }
.Ltmp0:
0x29: {  	(pc) =	sbr.rel @p0 .LBB2_2-.Ltmp0, $4  }
0x2a: {  	_ = 	snop  }
0x2b: {  	s21 =	sand.u32 $0x7E00, s21  }
0x2c: {  	s25 =	sand.u32 $0x70, s20;
	s21 =	sshrl.u32 s21, $0x2  }
0x2d: {  	s21 =	sor.u32 s25, s21  }
0x2e: {  	[tilespmem:s21+$0x8400] =	vst v0  }
0x2f: {  	[spmem:s5] =	stream.linear.scatter [tilespmem:s29], [sflag:$0x7], $0x2000, $0x38;
	[tilespmem:$0x1E400] =	vst v63  }
0x30: {  	_ =	swait.ge [sflag:s30], $0x2000  }
0x31: {  	[sflag:s30] =	ssyncset.done $0x0  }
0x32: {  	s19 =	rddreg [dreg:$0x12];
	[sflag:s30] =	ssyncadd.s32 $0xFFFFE000  }
0x33: {  	[spmem:s19] =	stream.linear.scatter [tilespmem:s29], [sflag:$0x7], $0x2000, $0x38;
	[tilespmem:$0x1E400] =	vst v63  }
0x34: {  	_ =	swait.ge [sflag:s30], $0x2000  }
0x35: {  	[sflag:s30] =	ssyncset.done $0x0  }
0x36: {  	s21 =	rddreg [dreg:$0x13];
	[sflag:s30] =	ssyncadd.s32 $0xFFFFE000  }
0x37: {  	[spmem:s21] =	stream.linear.scatter [tilespmem:s29], [sflag:$0x7], $0x2000, $0x38;
	[tilespmem:$0x1E400] =	vst v63  }
0x38: {  	_ =	swait.ge [sflag:s30], $0x2000  }
0x39: {  	[sflag:s30] =	ssyncset.done $0x0  }
0x3a: {  	s25 =	rddreg [dreg:$0x14];
	[sflag:s30] =	ssyncadd.s32 $0xFFFFE000  }
0x3b: {  	[spmem:s25] =	stream.linear.scatter [tilespmem:s29], [sflag:$0x7], $0x2000, $0x38;
	[tilespmem:$0x1E400] =	vst v63  }
0x3c: {  	_ =	swait.ge [sflag:s30], $0x2000  }
0x3d: {  	[sflag:s30] =	ssyncset.done $0x0  }
0x3e: {  	s20 =	rddreg [dreg:$0x15];
	[sflag:s30] =	ssyncadd.s32 $0xFFFFE000  }
0x3f: {  	[spmem:s20] =	stream.linear.scatter [tilespmem:s29], [sflag:$0x7], $0x2000, $0x38;
	[tilespmem:$0x1E400] =	vst v63  }
0x40: {  	_ =	swait.ge [sflag:s30], $0x2000  }
0x41: {  	[sflag:s30] =	ssyncset.done $0x0  }
0x42: {  	s21 =	rddreg [dreg:$0x16];
	[sflag:s30] =	ssyncadd.s32 $0xFFFFE000  }
0x43: {  	[spmem:s21] =	stream.linear.scatter [tilespmem:s29], [sflag:$0x7], $0x2000, $0x38;
	[tilespmem:$0x1E400] =	vst v63  }
0x44: {  	_ =	swait.ge [sflag:s30], $0x2000  }
0x45: {  	[sflag:s30] =	ssyncset.done $0x0  }
0x46: {  	s25 =	rddreg [dreg:$0x17];
	[sflag:s30] =	ssyncadd.s32 $0xFFFFE000  }
0x47: {  	[spmem:s25] =	stream.linear.scatter [tilespmem:s29], [sflag:$0x7], $0x2000, $0x38;
	[tilespmem:$0x1E400] =	vst v63  }
0x48: {  	_ =	swait.ge [sflag:s30], $0x2000  }
0x49: {  	[sflag:s30] =	ssyncset.done $0x0  }
0x4a: {  	s20 =	rddreg [dreg:$0x18];
	[sflag:s30] =	ssyncadd.s32 $0xFFFFE000  }
0x4b: {  	[spmem:s20] =	stream.linear.scatter [tilespmem:s29], [sflag:$0x7], $0x2000, $0x38;
	[tilespmem:$0x1E400] =	vst v63  }
0x4c: {  	_ =	swait.ge [sflag:s30], $0x2000  }
0x4d: {  	[sflag:s30] =	ssyncset.done $0x0  }
0x4e: {  	[sflag:s30] =	ssyncadd.s32 $0xFFFFE000  }
0x4f: {  	[spmem:s26] =	stream.linear.scatter [tilespmem:s29], [sflag:$0x7], $0x2000, $0x38;
	[tilespmem:$0x1E400] =	vst v63  }
0x50: {  	_ =	swait.ge [sflag:s30], $0x2000  }
0x51: {  	[sflag:s30] =	ssyncset.done $0x0  }
0x52: {  	[sflag:s30] =	ssyncadd.s32 $0xFFFFE000  }
0x53: {  	[spmem:s28] =	stream.linear.scatter [tilespmem:s29], [sflag:$0x7], $0x2000, $0x38;
	[tilespmem:$0x1E400] =	vst v63  }
0x54: {  	_ =	swait.ge [sflag:s30], $0x2000  }
0x55: {  	[sflag:s30] =	ssyncset.done $0x0  }
0x56: {  	[sflag:s30] =	ssyncadd.s32 $0xFFFFE000  }
0x57: {  	[bflag:$0x0] =	sbarrier.arrive $0xFFFF  }
0x58: {  	s19 =	simm.s32 $0x0;
	s20 =	rddreg [dreg:$0x8]  }
0x59: {  	[tilespmem:s19], [sflag:$0x1] =	stream.linear.gather [hbm4b:s20+s19], $0x80, $0x38;
	[tilespmem:$0x1E400] =	vst v63  }
0x5a: {  	s21 =	rddreg [dreg:$0x9]  }
0x5b: {  	[tilespmem:s31], [sflag:$0x1] =	stream.linear.gather [hbm4b:s21+s19], $0x80, $0x38;
	[tilespmem:$0x1E400] =	vst v63  }
0x5c: {  	s25 =	rddreg [dreg:$0xa]  }
0x5d: {  	[tilespmem:s0], [sflag:$0x2] =	stream.linear.gather [hbm4b:s25+s19], $0x80, $0x38;
	[tilespmem:$0x1E400] =	vst v63  }
0x5e: {  	s21 =	rddreg [dreg:$0xb]  }
0x5f: {  	[tilespmem:s2], [sflag:$0x2] =	stream.linear.gather [hbm4b:s21+s19], $0x80, $0x38;
	[tilespmem:$0x1E400] =	vst v63  }
0x60: {  	s25 =	rddreg [dreg:$0xc]  }
0x61: {  	[tilespmem:s6], [sflag:$0x3] =	stream.linear.gather [hbm4b:s25+s19], $0x80, $0x38;
	[tilespmem:$0x1E400] =	vst v63  }
0x62: {  	s21 =	rddreg [dreg:$0xd]  }
0x63: {  	[tilespmem:s7], [sflag:$0x3] =	stream.linear.gather [hbm4b:s21+s19], $0x80, $0x38;
	[tilespmem:$0x1E400] =	vst v63  }
0x64: {  	s25 =	rddreg [dreg:$0xe]  }
0x65: {  	[tilespmem:s8], [sflag:$0x4] =	stream.linear.gather [hbm4b:s25+s19], $0x80, $0x38;
	[tilespmem:$0x1E400] =	vst v63  }
0x66: {  	s21 =	rddreg [dreg:$0xf]  }
0x67: {  	[tilespmem:s9], [sflag:$0x4] =	stream.linear.gather [hbm4b:s21+s19], $0x80, $0x38;
	[tilespmem:$0x1E400] =	vst v63  }
0x68: {  	_ =	swait.ge [sflag:s10], $0x80  }
0x69: {  	[sflag:s10] =	ssyncset.done $0x0  }
0x6a: {  	[sflag:s10] =	ssyncadd.s32 $0xFFFFFF80  }
0x6b: {  	_ =	swait.ge [sflag:s10], $0x80  }
0x6c: {  	[sflag:s10] =	ssyncset.done $0x0  }
0x6d: {  	[sflag:s10] =	ssyncadd.s32 $0xFFFFFF80  }
0x6e: {  	[tilespmem:s11], [sflag:$0x5] =	stream.indirect.gather [hbm4b:s4+s0], $0x80, s19, s0, $0xb8;
	[tilespmem:$0x1E400] =	vst v63  }
0x6f: {  	_ =	swait.ge [sflag:s12], $0x80  }
0x70: {  	[sflag:s12] =	ssyncset.done $0x0  }
0x71: {  	[sflag:s12] =	ssyncadd.s32 $0xFFFFFF80  }
0x72: {  	_ =	swait.ge [sflag:s12], $0x80  }
0x73: {  	[sflag:s12] =	ssyncset.done $0x0  }
0x74: {  	[sflag:s12] =	ssyncadd.s32 $0xFFFFFF80  }
0x75: {  	[tilespmem:s13], [sflag:$0x6] =	stream.indirect.gather [hbm4b:s4+s0], $0x80, s0, s0, $0xb8;
	[tilespmem:$0x1E400] =	vst v63  }
0x76: {  	_ =	swait.ge [sflag:s14], $0x4000  }
0x77: {  	[sflag:s14] =	ssyncset.done $0x0  }
0x78: {  	[sflag:s14] =	ssyncadd.s32 $0xFFFFC000  }
0x79: {  	[spmem:s1] =	stream.indirect.scatter.add.f32 [tilespmem:s11], [sflag:$0x7], $0x80, s31, s0, $0xb8;
	[tilespmem:$0x1E400] =	vst v63  }
0x7a: {  	_ =	swait.ge [sflag:s30], $0x4000  }
0x7b: {  	[sflag:s30] =	ssyncset.done $0x0  }
0x7c: {  	[sflag:s30] =	ssyncadd.s32 $0xFFFFC000  }
0x7d: {  	_ =	swait.ge [sflag:s15], $0x80  }
0x7e: {  	[sflag:s15] =	ssyncset.done $0x0  }
0x7f: {  	[sflag:s15] =	ssyncadd.s32 $0xFFFFFF80  }
0x80: {  	_ =	swait.ge [sflag:s15], $0x80  }
0x81: {  	[sflag:s15] =	ssyncset.done $0x0  }
0x82: {  	[sflag:s15] =	ssyncadd.s32 $0xFFFFFF80  }
0x83: {  	[tilespmem:s11], [sflag:$0x5] =	stream.indirect.gather [hbm4b:s4+s0], $0x80, s6, s0, $0xb8;
	[tilespmem:$0x1E400] =	vst v63  }
0x84: {  	s25 =	sadd.s32 $0x0, s24  }
0x85: {  	[tilespmem:s3], [sflag:$0x1] =	stream.linear.gather [hbm4b:s25+s3], $0x80, $0x38;
	[tilespmem:$0x1E400] =	vst v63  }
0x86: {  	s20 =	sadd.s32 $0x0, s23  }
0x87: {  	[tilespmem:s31], [sflag:$0x1] =	stream.linear.gather [hbm4b:s20+s3], $0x80, $0x38;
	[tilespmem:$0x1E400] =	vst v63  }
0x88: {  	_ =	swait.ge [sflag:s16], $0x4000  }
0x89: {  	[sflag:s16] =	ssyncset.done $0x0  }
0x8a: {  	[sflag:s16] =	ssyncadd.s32 $0xFFFFC000  }
0x8b: {  	[spmem:s1] =	stream.indirect.scatter.add.f32 [tilespmem:s13], [sflag:$0x7], $0x80, s2, s0, $0xb8;
	[tilespmem:$0x1E400] =	vst v63  }
0x8c: {  	_ =	swait.ge [sflag:s30], $0x4000  }
0x8d: {  	[sflag:s30] =	ssyncset.done $0x0  }
0x8e: {  	[sflag:s30] =	ssyncadd.s32 $0xFFFFC000  }
0x8f: {  	_ =	swait.ge [sflag:s17], $0x80  }
0x90: {  	[sflag:s17] =	ssyncset.done $0x0  }
0x91: {  	[sflag:s17] =	ssyncadd.s32 $0xFFFFFF80  }
0x92: {  	_ =	swait.ge [sflag:s17], $0x80  }
0x93: {  	[sflag:s17] =	ssyncset.done $0x0  }
0x94: {  	[sflag:s17] =	ssyncadd.s32 $0xFFFFFF80  }
0x95: {  	[tilespmem:s13], [sflag:$0x6] =	stream.indirect.gather [hbm4b:s4+s0], $0x80, s8, s0, $0xb8;
	[tilespmem:$0x1E400] =	vst v63  }
0x96: {  	s25 =	sadd.s32 $0x0, s22;
	s21 =	rddreg [dreg:$0x7]  }
0x97: {  	[tilespmem:s0], [sflag:$0x2] =	stream.linear.gather [hbm4b:s25+s3], $0x80, $0x38;
	[tilespmem:$0x1E400] =	vst v63  }
0x98: {  	s19 =	sadd.s32 $0x0, s21  }
0x99: {  	[tilespmem:s2], [sflag:$0x2] =	stream.linear.gather [hbm4b:s19+s3], $0x80, $0x38;
	[tilespmem:$0x1E400] =	vst v63  }
0x9a: {  	_ =	swait.ge [sflag:s14], $0x4000  }
0x9b: {  	[sflag:s14] =	ssyncset.done $0x0  }
0x9c: {  	[sflag:s14] =	ssyncadd.s32 $0xFFFFC000  }
0x9d: {  	[spmem:s1] =	stream.indirect.scatter.add.f32 [tilespmem:s11], [sflag:$0x7], $0x80, s7, s0, $0xb8;
	[tilespmem:$0x1E400] =	vst v63  }
0x9e: {  	_ =	swait.ge [sflag:s30], $0x4000  }
0x9f: {  	[sflag:s30] =	ssyncset.done $0x0  }
0xa0: {  	[sflag:s30] =	ssyncadd.s32 $0xFFFFC000  }
0xa1: {  	_ =	swait.ge [sflag:s10], $0x80  }
0xa2: {  	[sflag:s10] =	ssyncset.done $0x0  }
0xa3: {  	[sflag:s10] =	ssyncadd.s32 $0xFFFFFF80  }
0xa4: {  	_ =	swait.ge [sflag:s10], $0x80  }
0xa5: {  	[sflag:s10] =	ssyncset.done $0x0  }
0xa6: {  	s21 =	rddreg [dreg:$0x6];
	[sflag:s10] =	ssyncadd.s32 $0xFFFFFF80  }
0xa7: {  	[tilespmem:s11], [sflag:$0x5] =	stream.indirect.gather [hbm4b:s4+s0], $0x80, s3, s0, $0xb8;
	[tilespmem:$0x1E400] =	vst v63  }
0xa8: {  	s25 =	rddreg [dreg:$0x5];
	s19 =	sadd.s32 $0x0, s21  }
0xa9: {  	[tilespmem:s6], [sflag:$0x3] =	stream.linear.gather [hbm4b:s19+s3], $0x80, $0x38;
	[tilespmem:$0x1E400] =	vst v63  }
0xaa: {  	s20 =	sadd.s32 $0x0, s25  }
0xab: {  	[tilespmem:s7], [sflag:$0x3] =	stream.linear.gather [hbm4b:s20+s3], $0x80, $0x38;
	[tilespmem:$0x1E400] =	vst v63  }
0xac: {  	_ =	swait.ge [sflag:s16], $0x4000  }
0xad: {  	[sflag:s16] =	ssyncset.done $0x0  }
0xae: {  	[sflag:s16] =	ssyncadd.s32 $0xFFFFC000  }
0xaf: {  	[spmem:s1] =	stream.indirect.scatter.add.f32 [tilespmem:s13], [sflag:$0x7], $0x80, s9, s0, $0xb8;
	[tilespmem:$0x1E400] =	vst v63  }
0xb0: {  	_ =	swait.ge [sflag:s30], $0x4000  }
0xb1: {  	[sflag:s30] =	ssyncset.done $0x0  }
0xb2: {  	[sflag:s30] =	ssyncadd.s32 $0xFFFFC000  }
0xb3: {  	_ =	swait.ge [sflag:s12], $0x80  }
0xb4: {  	[sflag:s12] =	ssyncset.done $0x0  }
0xb5: {  	[sflag:s12] =	ssyncadd.s32 $0xFFFFFF80  }
0xb6: {  	_ =	swait.ge [sflag:s12], $0x80  }
0xb7: {  	[sflag:s12] =	ssyncset.done $0x0  }
0xb8: {  	s21 =	rddreg [dreg:$0x4];
	[sflag:s12] =	ssyncadd.s32 $0xFFFFFF80  }
0xb9: {  	[tilespmem:s13], [sflag:$0x6] =	stream.indirect.gather [hbm4b:s4+s0], $0x80, s0, s0, $0xb8;
	[tilespmem:$0x1E400] =	vst v63  }
0xba: {  	s25 =	rddreg [dreg:$0x3];
	s19 =	sadd.s32 $0x0, s21  }
0xbb: {  	[tilespmem:s8], [sflag:$0x4] =	stream.linear.gather [hbm4b:s19+s3], $0x80, $0x38;
	[tilespmem:$0x1E400] =	vst v63  }
0xbc: {  	s20 =	sadd.s32 $0x0, s25;
	s19 =	simm.s32 $0x40  }
.LBB2_4:
0xbd: {  	[tilespmem:s9], [sflag:$0x4] =	stream.linear.gather [hbm4b:s20+s3], $0x80, $0x38;
	[tilespmem:$0x1E400] =	vst v63  }
0xbe: {  	_ =	swait.ge [sflag:s14], $0x4000  }
0xbf: {  	[sflag:s14] =	ssyncset.done $0x0  }
0xc0: {  	[sflag:s14] =	ssyncadd.s32 $0xFFFFC000  }
0xc1: {  	[spmem:s1] =	stream.indirect.scatter.add.f32 [tilespmem:s11], [sflag:$0x7], $0x80, s31, s0, $0xb8;
	[tilespmem:$0x1E400] =	vst v63  }
0xc2: {  	_ =	swait.ge [sflag:s30], $0x4000  }
0xc3: {  	[sflag:s30] =	ssyncset.done $0x0  }
0xc4: {  	[sflag:s30] =	ssyncadd.s32 $0xFFFFC000  }
0xc5: {  	_ =	swait.ge [sflag:s15], $0x80  }
0xc6: {  	[sflag:s15] =	ssyncset.done $0x0  }
0xc7: {  	[sflag:s15] =	ssyncadd.s32 $0xFFFFFF80  }
0xc8: {  	_ =	swait.ge [sflag:s15], $0x80  }
0xc9: {  	[sflag:s15] =	ssyncset.done $0x0  }
0xca: {  	s20 =	smov.u32 s19;
	[sflag:s15] =	ssyncadd.s32 $0xFFFFFF80  }
0xcb: {  	[tilespmem:s11], [sflag:$0x5] =	stream.indirect.gather [hbm4b:s4+s0], $0x80, s6, s0, $0xb8;
	[tilespmem:$0x1E400] =	vst v63  }
0xcc: {  	s21 =	sadd.s32 s20, s24  }
0xcd: {  	[tilespmem:s3], [sflag:$0x1] =	stream.linear.gather [hbm4b:s21+s3], $0x80, $0x38;
	[tilespmem:$0x1E400] =	vst v63  }
0xce: {  	s25 =	sadd.s32 s20, s23  }
0xcf: {  	[tilespmem:s31], [sflag:$0x1] =	stream.linear.gather [hbm4b:s25+s3], $0x80, $0x38;
	[tilespmem:$0x1E400] =	vst v63  }
0xd0: {  	_ =	swait.ge [sflag:s16], $0x4000  }
0xd1: {  	[sflag:s16] =	ssyncset.done $0x0  }
0xd2: {  	[sflag:s16] =	ssyncadd.s32 $0xFFFFC000  }
0xd3: {  	[spmem:s1] =	stream.indirect.scatter.add.f32 [tilespmem:s13], [sflag:$0x7], $0x80, s2, s0, $0xb8;
	[tilespmem:$0x1E400] =	vst v63  }
0xd4: {  	_ =	swait.ge [sflag:s30], $0x4000  }
0xd5: {  	[sflag:s30] =	ssyncset.done $0x0  }
0xd6: {  	[sflag:s30] =	ssyncadd.s32 $0xFFFFC000  }
0xd7: {  	_ =	swait.ge [sflag:s17], $0x80  }
0xd8: {  	[sflag:s17] =	ssyncset.done $0x0  }
0xd9: {  	[sflag:s17] =	ssyncadd.s32 $0xFFFFFF80  }
0xda: {  	_ =	swait.ge [sflag:s17], $0x80  }
0xdb: {  	[sflag:s17] =	ssyncset.done $0x0  }
0xdc: {  	[sflag:s17] =	ssyncadd.s32 $0xFFFFFF80  }
0xdd: {  	[tilespmem:s13], [sflag:$0x6] =	stream.indirect.gather [hbm4b:s4+s0], $0x80, s8, s0, $0xb8;
	[tilespmem:$0x1E400] =	vst v63  }
0xde: {  	s25 =	sadd.s32 s20, s22;
	s21 =	rddreg [dreg:$0x7]  }
0xdf: {  	[tilespmem:s0], [sflag:$0x2] =	stream.linear.gather [hbm4b:s25+s3], $0x80, $0x38;
	[tilespmem:$0x1E400] =	vst v63  }
0xe0: {  	s21 =	sadd.s32 s20, s21  }
0xe1: {  	[tilespmem:s2], [sflag:$0x2] =	stream.linear.gather [hbm4b:s21+s3], $0x80, $0x38;
	[tilespmem:$0x1E400] =	vst v63  }
0xe2: {  	_ =	swait.ge [sflag:s14], $0x4000  }
0xe3: {  	[sflag:s14] =	ssyncset.done $0x0  }
0xe4: {  	[sflag:s14] =	ssyncadd.s32 $0xFFFFC000  }
0xe5: {  	[spmem:s1] =	stream.indirect.scatter.add.f32 [tilespmem:s11], [sflag:$0x7], $0x80, s7, s0, $0xb8;
	[tilespmem:$0x1E400] =	vst v63  }
0xe6: {  	_ =	swait.ge [sflag:s30], $0x4000  }
0xe7: {  	[sflag:s30] =	ssyncset.done $0x0  }
0xe8: {  	[sflag:s30] =	ssyncadd.s32 $0xFFFFC000  }
0xe9: {  	_ =	swait.ge [sflag:s10], $0x80  }
0xea: {  	[sflag:s10] =	ssyncset.done $0x0  }
0xeb: {  	[sflag:s10] =	ssyncadd.s32 $0xFFFFFF80  }
0xec: {  	_ =	swait.ge [sflag:s10], $0x80  }
0xed: {  	[sflag:s10] =	ssyncset.done $0x0  }
0xee: {  	s21 =	rddreg [dreg:$0x6];
	[sflag:s10] =	ssyncadd.s32 $0xFFFFFF80  }
0xef: {  	[tilespmem:s11], [sflag:$0x5] =	stream.indirect.gather [hbm4b:s4+s0], $0x80, s3, s0, $0xb8;
	[tilespmem:$0x1E400] =	vst v63  }
0xf0: {  	s25 =	rddreg [dreg:$0x5];
	s21 =	sadd.s32 s20, s21  }
0xf1: {  	[tilespmem:s6], [sflag:$0x3] =	stream.linear.gather [hbm4b:s21+s3], $0x80, $0x38;
	[tilespmem:$0x1E400] =	vst v63  }
0xf2: {  	s25 =	sadd.s32 s20, s25  }
0xf3: {  	[tilespmem:s7], [sflag:$0x3] =	stream.linear.gather [hbm4b:s25+s3], $0x80, $0x38;
	[tilespmem:$0x1E400] =	vst v63  }
0xf4: {  	_ =	swait.ge [sflag:s16], $0x4000  }
0xf5: {  	[sflag:s16] =	ssyncset.done $0x0  }
0xf6: {  	[sflag:s16] =	ssyncadd.s32 $0xFFFFC000  }
0xf7: {  	[spmem:s1] =	stream.indirect.scatter.add.f32 [tilespmem:s13], [sflag:$0x7], $0x80, s9, s0, $0xb8;
	[tilespmem:$0x1E400] =	vst v63  }
0xf8: {  	_ =	swait.ge [sflag:s30], $0x4000  }
0xf9: {  	[sflag:s30] =	ssyncset.done $0x0  }
0xfa: {  	[sflag:s30] =	ssyncadd.s32 $0xFFFFC000  }
0xfb: {  	_ =	swait.ge [sflag:s12], $0x80  }
0xfc: {  	[sflag:s12] =	ssyncset.done $0x0  }
0xfd: {  	[sflag:s12] =	ssyncadd.s32 $0xFFFFFF80  }
0xfe: {  	p0 =	sne.s32 s19, $0x480;
	_ =	swait.ge [sflag:s12], $0x80  }
.Ltmp1:
0xff: {  	[sflag:s12] =	ssyncset.done $0x0;
	s21 =	rddreg [dreg:$0x4];
	(pc) =	sbr.rel @p0 .LBB2_4-.Ltmp1, $4  }
0x100: {  	s25 =	rddreg [dreg:$0x3];
	[sflag:s12] =	ssyncadd.s32 $0xFFFFFF80  }
0x101: {  	[tilespmem:s13], [sflag:$0x6] =	stream.indirect.gather [hbm4b:s4+s0], $0x80, s0, s0, $0xb8;
	[tilespmem:$0x1E400] =	vst v63  }
0x102: {  	s19 =	sadd.s32 $0x40, s19;
	s21 =	sadd.s32 s20, s21;
	s20 =	sadd.s32 s20, s25  }
0x103: {  	[tilespmem:s8], [sflag:$0x4] =	stream.linear.gather [hbm4b:s21+s3], $0x80, $0x38;
	[tilespmem:$0x1E400] =	vst v63  }
0x104: {  	[tilespmem:s9], [sflag:$0x4] =	stream.linear.gather [hbm4b:s20+s3], $0x80, $0x38;
	[tilespmem:$0x1E400] =	vst v63  }
0x105: {  	_ =	swait.ge [sflag:s14], $0x4000  }
0x106: {  	[sflag:s14] =	ssyncset.done $0x0  }
0x107: {  	[sflag:s14] =	ssyncadd.s32 $0xFFFFC000  }
0x108: {  	[spmem:s1] =	stream.indirect.scatter.add.f32 [tilespmem:s11], [sflag:$0x7], $0x80, s31, s0, $0xb8;
	[tilespmem:$0x1E400] =	vst v63  }
0x109: {  	_ =	swait.ge [sflag:s30], $0x4000  }
0x10a: {  	[sflag:s30] =	ssyncset.done $0x0  }
0x10b: {  	[sflag:s30] =	ssyncadd.s32 $0xFFFFC000  }
0x10c: {  	_ =	swait.ge [sflag:s15], $0x80  }
0x10d: {  	[sflag:s15] =	ssyncset.done $0x0  }
0x10e: {  	[sflag:s15] =	ssyncadd.s32 $0xFFFFFF80  }
0x10f: {  	_ =	swait.ge [sflag:s15], $0x80  }
0x110: {  	[sflag:s15] =	ssyncset.done $0x0  }
0x111: {  	[sflag:s15] =	ssyncadd.s32 $0xFFFFFF80  }
0x112: {  	[tilespmem:s11], [sflag:$0x5] =	stream.indirect.gather [hbm4b:s4+s0], $0x80, s6, s0, $0xb8;
	[tilespmem:$0x1E400] =	vst v63  }
0x113: {  	_ =	swait.ge [sflag:s16], $0x4000  }
0x114: {  	[sflag:s16] =	ssyncset.done $0x0  }
0x115: {  	[sflag:s16] =	ssyncadd.s32 $0xFFFFC000  }
0x116: {  	[spmem:s1] =	stream.indirect.scatter.add.f32 [tilespmem:s13], [sflag:$0x7], $0x80, s2, s0, $0xb8;
	[tilespmem:$0x1E400] =	vst v63  }
0x117: {  	_ =	swait.ge [sflag:s30], $0x4000  }
0x118: {  	[sflag:s30] =	ssyncset.done $0x0  }
0x119: {  	[sflag:s30] =	ssyncadd.s32 $0xFFFFC000  }
0x11a: {  	_ =	swait.ge [sflag:s17], $0x80  }
0x11b: {  	[sflag:s17] =	ssyncset.done $0x0  }
0x11c: {  	[sflag:s17] =	ssyncadd.s32 $0xFFFFFF80  }
0x11d: {  	_ =	swait.ge [sflag:s17], $0x80  }
0x11e: {  	[sflag:s17] =	ssyncset.done $0x0  }
0x11f: {  	[sflag:s17] =	ssyncadd.s32 $0xFFFFFF80  }
0x120: {  	[tilespmem:s13], [sflag:$0x6] =	stream.indirect.gather [hbm4b:s4+s0], $0x80, s8, s0, $0xb8;
	[tilespmem:$0x1E400] =	vst v63  }
0x121: {  	_ =	swait.ge [sflag:s14], $0x4000  }
0x122: {  	[sflag:s14] =	ssyncset.done $0x0  }
0x123: {  	[sflag:s14] =	ssyncadd.s32 $0xFFFFC000  }
0x124: {  	[spmem:s1] =	stream.indirect.scatter.add.f32 [tilespmem:s11], [sflag:$0x7], $0x80, s7, s0, $0xb8;
	[tilespmem:$0x1E400] =	vst v63  }
0x125: {  	_ =	swait.ge [sflag:s30], $0x4000  }
0x126: {  	[sflag:s30] =	ssyncset.done $0x0  }
0x127: {  	[sflag:s30] =	ssyncadd.s32 $0xFFFFC000  }
0x128: {  	_ =	swait.ge [sflag:s16], $0x4000  }
0x129: {  	[sflag:s16] =	ssyncset.done $0x0  }
0x12a: {  	[sflag:s16] =	ssyncadd.s32 $0xFFFFC000  }
0x12b: {  	[spmem:s1] =	stream.indirect.scatter.add.f32 [tilespmem:s13], [sflag:$0x7], $0x80, s9, s0, $0xb8;
	[tilespmem:$0x1E400] =	vst v63  }
0x12c: {  	_ =	swait.ge [sflag:s30], $0x4000  }
0x12d: {  	[sflag:s30] =	ssyncset.done $0x0  }
0x12e: {  	s19 =	stileid.u32;
	[sflag:s30] =	ssyncadd.s32 $0xFFFFC000  }
0x12f: {  	s19 =	sshll.u32 s19, $0x6;
	[bflag:$0x0] =	sbarrier.arrive $0xFFFF  }
0x130: {  	s25 =	sshrl.u32 s5, $0x3;
	s19 =	sor.u32 $0x1C07, s19;
	s21 =	rddreg [dreg:$0x10]  }
0x131: {  	[hbm:s21], [sflag:s19] =	dma.local [spmem:s25], $0x2800  }
0x132: {  	_ =	swait.ge [sflag:s30], $0x2800  }
0x133: {  	s18 =	sadd.s32 $0x1, s18;
	s25 =	rddreg [dreg:$0x11]  }
0x134: {  	p0 =	sne.s32 s18, s25  }
.Ltmp2:
0x135: {  	_ = 	snop;
	(pc) =	sbr.rel @p0 .LBB2_1-.Ltmp2, $3  }
0x136: {  	_ =	sdelay $0x1  }
0x137: {  	[sflag:s30] =	ssyncset.done $0x0  }
0x138: {  	[sflag:s30] =	ssyncadd.s32 $0xFFFFD800  }
0x139: {  	_ =	sfence.sel $0x180000  }
0x13a: {  	[bflag:$0x0] =	sbarrier.arrive $0xFFFF  }
0x13b: {  	_ =	strace $0x9000004D  }
0x13c: {  	s0 =	stileid.u32;
	[bflag:$0x2] =	sbarrier.arrive $0xFFFF  }
0x13d: {  	p0 =	sne.s32 s0, $0x0;
	s0 =	rddreg [dreg:$0x2]  }
0x13e: {  	s0 =	sadd.s32 @!p0 $0x100000, s0  }
0x13f: {  	[sflag:s0] =	ssyncadd.tile.s32 @!p0 $0x1;
	_ =	shalt  }
.Lfunc_end2:
_tile_overlayer_lowered:
.L_overlay_start_2:
0x140: {  	(tag) =	ssettag $0x2  }
0x141: {  	s0 =	rddreg [dreg:$0x0];
	s2 =	stileid.u32  }
0x142: {  	s1 =	rddreg [dreg:$0x1];
	p0 =	sne.s32 s2, $0x0  }
0x143: {  	s3 =	rddreg [dreg:$0x2];
	[bflag:$0x3] =	sbarrier.arrive $0xFFFF;
	s2 =	simm.s32 @!p0 $0x1C07  }
0x144: {  	[timem:s3], [sflag:s2] =	dma.local @!p0 [hbm:s0], s1  }
0x145: {  	s0 =	simm.s32 @!p0 $0x7  }
0x146: {  	_ =	swait.ge @!p0 [sflag:s0], s1  }
0x147: {  	s1 =	ssub.s32 @!p0 $0x0, s1;
	[sflag:s0] =	ssyncset.done @!p0 $0x0  }
0x148: {  	[sflag:s0] =	ssyncadd.s32 @!p0 s1  }
0x149: {  	[bflag:$0x3] =	sbarrier.arrive $0xFFFF  }
0x14a: {  	_ =	shalt  }

// kernel: kernel.8.cloned.1.call-start
scs
__scs_entry_jumppad:
0x0: {  	(pc) =	sbr.rel $0x88, $3  }
0x1: {  	(tag) =	ssettag $0x0;
	lr =	simm.s32 $0x1  }
0x2: {  	[smem:$0x3F98] =	sst lr;
	_ =	strace $0xD0000000  }
0x3: {  	_ = 	snop  }
0x4: {  	_ = 	snop  }
0x5: {  	_ = 	snop  }
0x6: {  	_ = 	snop  }
0x7: {  	_ = 	snop  }
__scs_overlays_trampoline_lowered:
0x8: {  	[smem:$0x3FA7] =	sst s0  }
0x9: {  	[smem:$0x3FA8] =	sst s1  }
0xa: {  	[smem:$0x3FA9] =	sst s2  }
0xb: {  	[smem:$0x3FAA] =	sst s3  }
0xc: {  	[smem:$0x3FAB] =	sst s4  }
0xd: {  	[smem:$0x3FAC] =	sst s5  }
0xe: {  	[smem:$0x3FAD] =	sst s6  }
0xf: {  	[smem:$0x3FAE] =	sst s7  }
0x10: {  	[smem:$0x3FAF] =	sst s8  }
0x11: {  	[smem:$0x3FB0] =	sst s9;
	s0 =	simm.s32 @!p0 $0x0  }
0x12: {  	s1 =	sld [smem:$0x3F96];
	s0 =	simm.s32 @p0 $0x1  }
0x13: {  	[smem:$0x3FB1] =	sst s0;
	s0 =	simm.s32 @!p1 $0x0  }
0x14: {  	s2 =	sld [smem:$0x3F95];
	s0 =	simm.s32 @p1 $0x1  }
0x15: {  	[smem:$0x3FB2] =	sst s0;
	s0 =	simm.s32 @!p2 $0x0  }
0x16: {  	s3 =	sld [smem:$0x3FDB];
	s0 =	simm.s32 @p2 $0x1  }
0x17: {  	s4 =	simm.s32 $0x1BF5;
	[smem:$0x3FB4] =	sst s0  }
0x18: {  	s0 =	sld [smem:$0x3F97];
	_ =	swait.ge [sflag:s4], $0x0  }
0x19: {  	s7 =	sld [smem:$0x3F98]  }
0x1a: {  	s8 =	sadd.s32 $0xFFFFE003, lr  }
0x1b: {  	s9 =	sadd.s32 $0xFFFFFEF7, lr;
	s5 =	simm.s32 $0xFFFFFFFF;
	p2 =	slt.u32 s8, $0xFFFFF086  }
0x1c: {  	p1 =	slt.u32 s9, $0xF7A;
	s5 =	simm.s32 @!p2 $0x0  }
0x1d: {  	s5 =	simm.s32 @p1 $0x1;
	p0 =	seq.s32 s7, s2  }
0x1e: {  	s7 =	smul.u32 @!p0 $0xF7A, s2;
	p2 =	seq.s32 @!p0 s5, $0x0  }
0x1f: {  	s9 =	smul.u32 $0xF7A, s1;
	s8 =	simm.s32 @!p0 $0x1BF5;
	p2 =	por !p2, p0  }
0x20: {  	[sflag:s8] =	ssyncset.s32 @!p0 $0xFFFFF086;
	s6 =	sadd.s32 @!p0 s3, s7;
	s7 =	simm.s32 @!p0 $0x108  }
0x21: {  	s3 =	sadd.s32 s3, s9;
	s6 =	sadd.s32 @!p0 $0x88, s6;
	s7 =	simm.s32 @p2 $0x1082  }
0x22: {  	[simem:s7], [sflag:s8] =	dma.local @!p0 [hbm:s6], $0xF7A  }
0x23: {  	s9 =	sor.u32 $0xD0000000, s2;
	s6 =	simm.s32 $0x108;
	_ =	swait.ge @!p0 [sflag:s8], $0x0  }
0x24: {  	s3 =	sadd.s32 $0x88, s3;
	s6 =	simm.s32 @!p1 $0x1082;
	[sflag:s4] =	ssyncset.s32 $0xFFFFF086  }
0x25: {  	[simem:s6], [sflag:s4] =	dma.local [hbm:s3], $0xF7A  }
0x26: {  	[smem:$0x3F98] =	sst s1;
	(tag) =	ssettag s2;
	_ =	strace s9  }
0x27: {  	s1 =	sld [smem:$0x3FA8]  }
0x28: {  	s2 =	sld [smem:$0x3FA9]  }
0x29: {  	s4 =	sld [smem:$0x3FAB]  }
0x2a: {  	p0 =	seq.s32 s5, $0x0;
	s5 =	sld [smem:$0x3FAC]  }
0x2b: {  	s6 =	sld [smem:$0x3FAD]  }
0x2c: {  	s7 =	sld [smem:$0x3FAE]  }
0x2d: {  	s3 =	simm.s32 $0x108;
	s8 =	sld [smem:$0x3FAF]  }
0x2e: {  	s3 =	simm.s32 @!p0 $0x1082;
	s9 =	sld [smem:$0x3FB0]  }
0x2f: {  	lr =	sadd.s32 s0, s3;
	s0 =	sld [smem:$0x3FA7]  }
0x30: {  	s3 =	sld [smem:$0x3FAA]  }
0x31: {  	[smem:$0x3FB3] =	sst s10  }
0x32: {  	s10 =	sld [smem:$0x3FB1];
	_ =	sdelay $0x3  }
0x33: {  	p0 =	seq.s32 s10, $0x1;
	s10 =	sld [smem:$0x3FB3];
	_ =	sdelay $0x3  }
0x34: {  	[smem:$0x3FB3] =	sst s10  }
0x35: {  	s10 =	sld [smem:$0x3FB2];
	_ =	sdelay $0x3  }
0x36: {  	p1 =	seq.s32 s10, $0x1;
	s10 =	sld [smem:$0x3FB3];
	_ =	sdelay $0x3  }
0x37: {  	[smem:$0x3FB3] =	sst s10  }
0x38: {  	s10 =	sld [smem:$0x3FB4]  }
0x39: {  	_ = 	snop;
	(pc) =	sbr.ind lr, $3  }
0x3a: {  	_ = 	snop  }
0x3b: {  	_ = 	snop  }
0x3c: {  	p2 =	seq.s32 s10, $0x1;
	s10 =	sld [smem:$0x3FB3]  }
0x3d: {  	_ =	shalt  }
0x3e: {  	_ =	shalt  }
0x3f: {  	_ =	shalt  }
0x40: {  	_ =	shalt  }
0x41: {  	_ =	shalt  }
0x42: {  	_ =	shalt  }
0x43: {  	_ =	shalt  }
0x44: {  	_ =	shalt  }
0x45: {  	_ =	shalt  }
0x46: {  	_ =	shalt  }
0x47: {  	_ =	shalt  }
0x48: {  	_ =	shalt  }
0x49: {  	_ =	shalt  }
0x4a: {  	_ =	shalt  }
0x4b: {  	_ =	shalt  }
0x4c: {  	_ =	shalt  }
0x4d: {  	_ =	shalt  }
0x4e: {  	_ =	shalt  }
0x4f: {  	_ =	shalt  }
0x50: {  	_ =	shalt  }
0x51: {  	_ =	shalt  }
0x52: {  	_ =	shalt  }
0x53: {  	_ =	shalt  }
0x54: {  	_ =	shalt  }
0x55: {  	_ =	shalt  }
0x56: {  	_ =	shalt  }
0x57: {  	_ =	shalt  }
0x58: {  	_ =	shalt  }
0x59: {  	_ =	shalt  }
0x5a: {  	_ =	shalt  }
0x5b: {  	_ =	shalt  }
0x5c: {  	_ =	shalt  }
0x5d: {  	_ =	shalt  }
0x5e: {  	_ =	shalt  }
0x5f: {  	_ =	shalt  }
0x60: {  	_ =	shalt  }
0x61: {  	_ =	shalt  }
0x62: {  	_ =	shalt  }
0x63: {  	_ =	shalt  }
0x64: {  	_ =	shalt  }
0x65: {  	_ =	shalt  }
0x66: {  	_ =	shalt  }
0x67: {  	_ =	shalt  }
0x68: {  	_ =	shalt  }
0x69: {  	_ =	shalt  }
0x6a: {  	_ =	shalt  }
0x6b: {  	_ =	shalt  }
0x6c: {  	_ =	shalt  }
0x6d: {  	_ =	shalt  }
0x6e: {  	_ =	shalt  }
0x6f: {  	_ =	shalt  }
0x70: {  	_ =	shalt  }
0x71: {  	_ =	shalt  }
0x72: {  	_ =	shalt  }
0x73: {  	_ =	shalt  }
0x74: {  	_ =	shalt  }
0x75: {  	_ =	shalt  }
0x76: {  	_ =	shalt  }
0x77: {  	_ =	shalt  }
0x78: {  	_ =	shalt  }
0x79: {  	_ =	shalt  }
0x7a: {  	_ =	shalt  }
0x7b: {  	_ =	shalt  }
0x7c: {  	_ =	shalt  }
0x7d: {  	_ =	shalt  }
0x7e: {  	_ =	shalt  }
0x7f: {  	_ =	shalt  }
0x80: {  	_ =	shalt  }
0x81: {  	_ =	shalt  }
0x82: {  	_ =	shalt  }
0x83: {  	_ =	shalt  }
0x84: {  	_ =	shalt  }
0x85: {  	_ =	shalt  }
0x86: {  	_ =	shalt  }
0x87: {  	_ =	shalt  }
.Lfunc_end0:
.L_simem_size_0:
called_computation_lowered:
.L_overlay_start_0:
0x88: {  	s2 =	sld [smem:$0x3FD9]  }
0x89: {  	s3 =	sld [smem:$0x3FFE];
	_ =	sdelay $0x1  }
0x8a: {  	s1 =	srdreg.scid  }
0x8b: {  	s0 =	sand.u32 $0x1, s1  }
0x8c: {  	s16 =	sshll.u32 s0, $0xA;
	s2 =	sadd.s32 s3, s2  }
0x8d: {  	s2 =	sadd.s32 s2, s16  }
0x8e: {  	[smem:$0x3FBF] =	sst s2  }
0x8f: {  	_ = 	snop  }
0x90: {  	(tm) =	ssettm $0x1  }
0x91: {  	s17 =	sld [smem:$0x3FFB];
	_ =	sdelay $0x3  }
0x92: {  	_ =	strace s17  }
0x93: {  	s2 =	sld [smem:$0x3FFC];
	_ =	sdelay $0x3  }
0x94: {  	_ =	strace s2  }
0x95: {  	s2 =	sld [smem:$0x3FFD];
	_ =	sdelay $0x3  }
0x96: {  	_ =	strace s2  }
0x97: {  	_ =	strace $0x8FFFFFFF  }
0x98: {  	s18 =	sld [smem:$0x3FDB];
	_ =	sdelay $0x1  }
0x99: {  	s19 =	simm.s32 $_scs_section_size  }
0x9a: {  	s4 =	simm.s32 $_size__tile_overlayer_lowered;
	s5 =	simm.s32 $_tile_overlayer_lowered  }
0x9b: {  	s22 =	simm.s32 $0x1BFF;
	s21 =	sshll.u32 s5, $0x1;
	s2 =	sadd.s32 s19, s18  }
0x9c: {  	s6 =	simm.s32 $0x0;
	s20 =	sshll.u32 s4, $0x1;
	s4 =	sadd.s32 s21, s2  }
0x9d: {  	[timem:s6], [sflag:s22] =	dma.local [hbm:s4], s20  }
0x9e: {  	_ =	swait.ge [sflag:s22], s20  }
0x9f: {  	s3 =	ssub.s32 $0x0, s20;
	[sflag:s22] =	ssyncset.done $0x0  }
0xa0: {  	[sflag:s22] =	ssyncadd.s32 s3;
	_ =	sdelay $0x1  }
0xa1: {  	s23 =	simm.s32 $0x1B8B  }
0xa2: {  	_ =	swait.ge [sflag:s23], $0x1  }
0xa3: {  	[sflag:s23] =	ssyncset.done $0x0  }
0xa4: {  	s25 =	simm.s32 $0x1B8E;
	s24 =	sld [smem:$0x3FFE];
	[sflag:s23] =	ssyncadd.s32 $0xFFFFFFFF  }
0xa5: {  	s26 =	simm.s32 $execute0_lowered;
	[smem:$0x3FD2] =	sst s25  }
0xa6: {  	s4 =	sshll.u32 s26, $0x1;
	_ =	strace $0x80000046;
	[dreg:$0x1] =	wrdreg $0xFFFFFFFF  }
0xa7: {  	s28 =	simm.s32 $_size_execute0_lowered;
	s2 =	sadd.s32 s2, s4;
	[dreg:$0x0] =	wrdreg $0x0  }
0xa8: {  	s4 =	sshll.u32 s28, $0x1;
	[dreg:$0x2] =	wrdreg s2  }
0xa9: {  	[dreg:$0x3] =	wrdreg s4  }
0xaa: {  	[dreg:$0x4] =	wrdreg $0xC0  }
0xab: {  	_ =	task [dreg:s6], $0x5FFFF  }
0xac: {  	[dreg:$0x1] =	wrdreg $0xFFFFFFFF  }
0xad: {  	[dreg:$0x0] =	wrdreg $0x60  }
0xae: {  	[dreg:$0x2] =	wrdreg s24  }
0xaf: {  	[dreg:$0x3] =	wrdreg $0x88800  }
0xb0: {  	[dreg:$0x4] =	wrdreg $0x9  }
0xb1: {  	_ =	task.clear_ibuf [dreg:s6], $0x5FFFF;
	_ =	strace $0x90000046  }
0xb2: {  	s29 =	simm.s32 $0x9;
	_ =	strace $0x80000048  }
0xb3: {  	_ =	swait.ge [sflag:s29], $0x1  }
0xb4: {  	[sflag:s29] =	ssyncadd.s32 $0xFFFFFFFF  }
0xb5: {  	_ =	strace $0x90000048  }
0xb6: {  	_ =	sfence  }
0xb7: {  	s30 =	sld [smem:$0x0];
	_ =	sdelay $0x2  }
0xb8: {  	s31 =	sshll.u32 s1, $0xD;
	s1 =	sshrl.u32 s1, $0x2  }
0xb9: {  	s3 =	sand.u32 $0x4000, s31;
	s1 =	sadd.s32 s1, s30  }
0xba: {  	s0 =	sor.u32 s3, s0;
	s1 =	sshll.u32 s1, $0x11  }
0xbb: {  	s0 =	sor.u32 s1, s0  }
0xbc: {  	s0 =	sadd.s32 $0x8F2B, s0  }
0xbd: {  	[sflag:s0] =	ssyncadd.remote.s32 $0x1  }
0xbe: {  	_ =	sfence.sel $0xFFFF  }
0xbf: {  	[dreg:$0x0] =	wrdreg $0xFFFFFFFF;
	(pc) =	sbr.abs _section_cstart, $3  }
0xc0: {  	[dreg:$0x1] =	wrdreg $0xFFFFFFFF  }
0xc1: {  	_ =	task.clear_ibuf [dreg:s6], $0x2FFFF;
	_ =	strace $0x9FFFFFFF  }
0xc2: {  	(tm) =	ssettm $0x7FFFFFFF  }
0xc3: {  	_ =	shalt  }
tec
execute0_lowered:
.L_overlay_start_1:
0x0: {  	(tag) =	ssettag $0x1  }
0x1: {  	s4 =	rddreg [dreg:$0x0]  }
0x2: {  	s1 =	rddreg [dreg:$0x1]  }
0x3: {  	s2 =	srdreg.scid;
	s0 =	rddreg [dreg:$0x2];
	s3 =	simm.s32 $0x0  }
0x4: {  	s17 =	simm.s32 $0x1;
	s18 =	simm.s32 $0x6880;
	s19 =	simm.s32 $0x80  }
0x5: {  	s20 =	simm.s32 $0x2800;
	s21 =	simm.s32 $0x2880;
	s5 =	sand.u32 $0x1, s2  }
0x6: {  	s22 =	simm.s32 $0x0;
	s2 =	stileid.u32;
	s7 =	smul.u32 $0x28000, s5  }
0x7: {  	[smem:$0x7FF] =	sst s3;
	s6 =	sshll.u32 s5, $0x4;
	s8 =	smul.u32 $0x2800, s2  }
0x8: {  	s5 =	ssub.s32 $0x2, s5;
	s29 =	smul.u32 $0x50000, s2;
	s6 =	sor.u32 s2, s6  }
0x9: {  	_ =	strace $0x80000047;
	s30 =	sshrl.u32 s5, $0x1;
	s6 =	smul.u32 $0x500, s6  }
0xa: {  	s7 =	sadd.s32 s8, s7;
	s9 =	ssub.s32 s5, s30;
	s31 =	sshrl.u32 s29, $0x2  }
0xb: {  	s7 =	sadd.s32 s7, s4;
	s5 =	sadd.s32 s31, s1;
	s6 =	sadd.s32 s6, s4  }
0xc: {  	s8 =	sadd.s32 $0x2000, s5;
	s10 =	sadd.s32 $0x6000, s5;
	s11 =	sadd.s32 $0x8000, s5  }
0xd: {  	s12 =	sadd.s32 $0xA000, s5;
	s13 =	sadd.s32 $0xC000, s5;
	s14 =	sadd.s32 $0xE000, s5  }
0xe: {  	s15 =	sadd.s32 $0x10000, s5;
	s16 =	sadd.s32 $0x12000, s5;
	s4 =	sadd.s32 $0x2800, s6  }
0xf: {  	v0 =	vimm.f32 $1.000000000e+00;
	v1 =	vimm.f32 $0.0e+00;
	s6 =	sadd.s32 $0xC800, s7;
	s7 =	smax.u32 s9, $0x1;
	s9 =	sadd.s32 $0x4000, s5  }
.LBB2_1:
0x10: {  	[tilespmem:s3], [sflag:$0x1] =	stream.linear.gather [hbm4b:s4+s3], $0x2800, $0x38;
	[tilespmem:$0xB080] =	vst v63  }
0x11: {  	_ =	swait.ge [sflag:s17], $0x2800  }
0x12: {  	[sflag:s17] =	ssyncset.done $0x0  }
0x13: {  	s23 =	simm.s32 $0x0;
	[sflag:s17] =	ssyncadd.s32 $0xFFFFD800  }
.LBB2_2:
0x14: {  	p0 =	sne.s32 s23, $0xFE00  }
.Ltmp0:
0x15: {  	_ = 	snop;
	(pc) =	sbr.rel @p0 .LBB2_2-.Ltmp0, $3  }
0x16: {  	_ =	sdelay $0x1  }
0x17: {  	s24 =	sshra.s32 s23, $0x2  }
0x18: {  	s23 =	sadd.s32 $0x200, s23;
	[tilespmem:s24+$0x2880] =	vst v0  }
0x19: {  	s23 =	simm.s32 $0x200;
	s24 =	simm.s32 $0x0  }
.LBB2_4:
0x1a: {  	p0 =	sne.s32 s23, $0x7E00;
	[tilespmem:s24+$0x6880] =	vst v1;
	s24 =	smov.u32 s23;
	s23 =	sadd.s32 $0x200, s23  }
.Ltmp1:
0x1b: {  	(pc) =	sbr.rel @p0 .LBB2_4-.Ltmp1, $2  }
0x1c: {  	_ =	sdelay $0x2  }
0x1d: {  	s24 =	sshra.s32 s24, $0x2  }
0x1e: {  	[tilespmem:s24+$0x6880] =	vst v1  }
0x1f: {  	[spmem:s5] =	stream.linear.scatter [tilespmem:s18], [sflag:$0x1], $0x2000, $0x38;
	[tilespmem:$0xB080] =	vst v63  }
0x20: {  	_ =	swait.ge [sflag:s17], $0x2000  }
0x21: {  	[sflag:s17] =	ssyncset.done $0x0  }
0x22: {  	[sflag:s17] =	ssyncadd.s32 $0xFFFFE000  }
0x23: {  	[spmem:s8] =	stream.linear.scatter [tilespmem:s18], [sflag:$0x1], $0x2000, $0x38;
	[tilespmem:$0xB080] =	vst v63  }
0x24: {  	_ =	swait.ge [sflag:s17], $0x2000  }
0x25: {  	[sflag:s17] =	ssyncset.done $0x0  }
0x26: {  	[sflag:s17] =	ssyncadd.s32 $0xFFFFE000  }
0x27: {  	[spmem:s9] =	stream.linear.scatter [tilespmem:s18], [sflag:$0x1], $0x2000, $0x38;
	[tilespmem:$0xB080] =	vst v63  }
0x28: {  	_ =	swait.ge [sflag:s17], $0x2000  }
0x29: {  	[sflag:s17] =	ssyncset.done $0x0  }
0x2a: {  	[sflag:s17] =	ssyncadd.s32 $0xFFFFE000  }
0x2b: {  	[spmem:s10] =	stream.linear.scatter [tilespmem:s18], [sflag:$0x1], $0x2000, $0x38;
	[tilespmem:$0xB080] =	vst v63  }
0x2c: {  	_ =	swait.ge [sflag:s17], $0x2000  }
0x2d: {  	[sflag:s17] =	ssyncset.done $0x0  }
0x2e: {  	[sflag:s17] =	ssyncadd.s32 $0xFFFFE000  }
0x2f: {  	[spmem:s11] =	stream.linear.scatter [tilespmem:s18], [sflag:$0x1], $0x2000, $0x38;
	[tilespmem:$0xB080] =	vst v63  }
0x30: {  	_ =	swait.ge [sflag:s17], $0x2000  }
0x31: {  	[sflag:s17] =	ssyncset.done $0x0  }
0x32: {  	[sflag:s17] =	ssyncadd.s32 $0xFFFFE000  }
0x33: {  	[spmem:s12] =	stream.linear.scatter [tilespmem:s18], [sflag:$0x1], $0x2000, $0x38;
	[tilespmem:$0xB080] =	vst v63  }
0x34: {  	_ =	swait.ge [sflag:s17], $0x2000  }
0x35: {  	[sflag:s17] =	ssyncset.done $0x0  }
0x36: {  	[sflag:s17] =	ssyncadd.s32 $0xFFFFE000  }
0x37: {  	[spmem:s13] =	stream.linear.scatter [tilespmem:s18], [sflag:$0x1], $0x2000, $0x38;
	[tilespmem:$0xB080] =	vst v63  }
0x38: {  	_ =	swait.ge [sflag:s17], $0x2000  }
0x39: {  	[sflag:s17] =	ssyncset.done $0x0  }
0x3a: {  	[sflag:s17] =	ssyncadd.s32 $0xFFFFE000  }
0x3b: {  	[spmem:s14] =	stream.linear.scatter [tilespmem:s18], [sflag:$0x1], $0x2000, $0x38;
	[tilespmem:$0xB080] =	vst v63  }
0x3c: {  	_ =	swait.ge [sflag:s17], $0x2000  }
0x3d: {  	[sflag:s17] =	ssyncset.done $0x0  }
0x3e: {  	[sflag:s17] =	ssyncadd.s32 $0xFFFFE000  }
0x3f: {  	[spmem:s15] =	stream.linear.scatter [tilespmem:s18], [sflag:$0x1], $0x2000, $0x38;
	[tilespmem:$0xB080] =	vst v63  }
0x40: {  	_ =	swait.ge [sflag:s17], $0x2000  }
0x41: {  	[sflag:s17] =	ssyncset.done $0x0  }
0x42: {  	[sflag:s17] =	ssyncadd.s32 $0xFFFFE000  }
0x43: {  	[spmem:s16] =	stream.linear.scatter [tilespmem:s18], [sflag:$0x1], $0x2000, $0x38;
	[tilespmem:$0xB080] =	vst v63  }
0x44: {  	_ =	swait.ge [sflag:s17], $0x2000  }
0x45: {  	[sflag:s17] =	ssyncset.done $0x0  }
0x46: {  	[sflag:s17] =	ssyncadd.s32 $0xFFFFE000  }
0x47: {  	s23 =	simm.s32 $0x0;
	[bflag:$0x0] =	sbarrier.arrive $0xFFFF  }
0x48: {  	v2 =	vld [tilespmem:s23+$0x0];
	_ =	sdelay $0x4  }
0x49: {  	[tilespmem:$0x2800] =	vst v2  }
0x4a: {  	v2 =	vld [tilespmem:s23+$0x10];
	_ =	sdelay $0x4  }
0x4b: {  	[tilespmem:$0x2810] =	vst v2  }
0x4c: {  	v2 =	vld [tilespmem:s23+$0x20];
	_ =	sdelay $0x4  }
0x4d: {  	[tilespmem:$0x2820] =	vst v2  }
0x4e: {  	v2 =	vld [tilespmem:s23+$0x30];
	_ =	sdelay $0x4  }
0x4f: {  	[tilespmem:$0x2830] =	vst v2  }
0x50: {  	v2 =	vld [tilespmem:s23+$0x40];
	_ =	sdelay $0x4  }
0x51: {  	[tilespmem:$0x2840] =	vst v2  }
0x52: {  	v2 =	vld [tilespmem:s23+$0x50];
	_ =	sdelay $0x4  }
0x53: {  	[tilespmem:$0x2850] =	vst v2  }
0x54: {  	v2 =	vld [tilespmem:s23+$0x60];
	_ =	sdelay $0x4  }
0x55: {  	[tilespmem:$0x2860] =	vst v2  }
0x56: {  	v2 =	vld [tilespmem:s23+$0x70];
	_ =	sdelay $0x4  }
0x57: {  	[tilespmem:$0x2870] =	vst v2  }
0x58: {  	[spmem:s1] =	stream.indirect.scatter.add.f32 [tilespmem:s21], [sflag:$0x1], $0x10, s20, s19, $0xb8;
	[tilespmem:$0xB080] =	vst v63  }
0x59: {  	_ =	swait.ge [sflag:s17], $0x800  }
0x5a: {  	s25 =	simm.s32 $0x400;
	s23 =	simm.s32 $0x200;
	[sflag:s17] =	ssyncset.done $0x0  }
.LBB2_6:
0x5b: {  	s26 =	sshra.s32 s23, $0x2  }
0x5c: {  	[sflag:s17] =	ssyncadd.s32 $0xFFFFF800;
	s23 =	smov.u32 s25;
	s24 =	sadd.s32 $0x200, s25  }
0x5d: {  	p0 =	sne.s32 s25, $0x9E00;
	v2 =	vld [tilespmem:s26+$0x0];
	_ =	sdelay $0x4  }
0x5e: {  	[tilespmem:$0x2800] =	vst v2  }
0x5f: {  	v2 =	vld [tilespmem:s26+$0x10];
	_ =	sdelay $0x4  }
0x60: {  	[tilespmem:$0x2810] =	vst v2  }
0x61: {  	v2 =	vld [tilespmem:s26+$0x20];
	_ =	sdelay $0x4  }
0x62: {  	[tilespmem:$0x2820] =	vst v2  }
0x63: {  	v2 =	vld [tilespmem:s26+$0x30];
	_ =	sdelay $0x4  }
0x64: {  	[tilespmem:$0x2830] =	vst v2  }
0x65: {  	v2 =	vld [tilespmem:s26+$0x40];
	_ =	sdelay $0x4  }
0x66: {  	[tilespmem:$0x2840] =	vst v2  }
0x67: {  	v2 =	vld [tilespmem:s26+$0x50];
	_ =	sdelay $0x4  }
0x68: {  	[tilespmem:$0x2850] =	vst v2  }
0x69: {  	v2 =	vld [tilespmem:s26+$0x60];
	_ =	sdelay $0x4  }
0x6a: {  	[tilespmem:$0x2860] =	vst v2  }
0x6b: {  	v2 =	vld [tilespmem:s26+$0x70];
	_ =	sdelay $0x3  }
.Ltmp2:
0x6c: {  	(pc) =	sbr.rel @p0 .LBB2_6-.Ltmp2, $4  }
0x6d: {  	[tilespmem:$0x2870] =	vst v2  }
0x6e: {  	[spmem:s1] =	stream.indirect.scatter.add.f32 [tilespmem:s21], [sflag:$0x1], $0x10, s20, s19, $0xb8;
	[tilespmem:$0xB080] =	vst v63  }
0x6f: {  	_ =	swait.ge [sflag:s17], $0x800  }
0x70: {  	s25 =	smov.u32 s24;
	[sflag:s17] =	ssyncset.done $0x0  }
0x71: {  	s23 =	sshra.s32 s23, $0x2;
	[sflag:s17] =	ssyncadd.s32 $0xFFFFF800  }
0x72: {  	v2 =	vld [tilespmem:s23+$0x0];
	_ =	sdelay $0x4  }
0x73: {  	[tilespmem:$0x2800] =	vst v2  }
0x74: {  	v2 =	vld [tilespmem:s23+$0x10];
	_ =	sdelay $0x4  }
0x75: {  	[tilespmem:$0x2810] =	vst v2  }
0x76: {  	v2 =	vld [tilespmem:s23+$0x20];
	_ =	sdelay $0x4  }
0x77: {  	[tilespmem:$0x2820] =	vst v2  }
0x78: {  	v2 =	vld [tilespmem:s23+$0x30];
	_ =	sdelay $0x4  }
0x79: {  	[tilespmem:$0x2830] =	vst v2  }
0x7a: {  	v2 =	vld [tilespmem:s23+$0x40];
	_ =	sdelay $0x4  }
0x7b: {  	[tilespmem:$0x2840] =	vst v2  }
0x7c: {  	v2 =	vld [tilespmem:s23+$0x50];
	_ =	sdelay $0x4  }
0x7d: {  	[tilespmem:$0x2850] =	vst v2  }
0x7e: {  	v2 =	vld [tilespmem:s23+$0x60];
	_ =	sdelay $0x4  }
0x7f: {  	[tilespmem:$0x2860] =	vst v2  }
0x80: {  	v2 =	vld [tilespmem:s23+$0x70];
	_ =	sdelay $0x4  }
0x81: {  	[tilespmem:$0x2870] =	vst v2  }
0x82: {  	[spmem:s1] =	stream.indirect.scatter.add.f32 [tilespmem:s21], [sflag:$0x1], $0x10, s20, s19, $0xb8;
	[tilespmem:$0xB080] =	vst v63  }
0x83: {  	_ =	swait.ge [sflag:s17], $0x800  }
0x84: {  	s31 =	sshll.u32 s2, $0x6;
	s22 =	sadd.s32 $0x1, s22;
	[sflag:s17] =	ssyncset.done $0x0  }
0x85: {  	s24 =	sshrl.u32 s5, $0x3;
	p0 =	sne.s32 s22, s7;
	[sflag:s17] =	ssyncadd.s32 $0xFFFFF800  }
.Ltmp3:
0x86: {  	s23 =	sor.u32 $0x1C01, s31;
	[bflag:$0x0] =	sbarrier.arrive $0xFFFF;
	(pc) =	sbr.rel @p0 .LBB2_1-.Ltmp3, $4  }
0x87: {  	[hbm:s6], [sflag:s23] =	dma.local [spmem:s24], $0x2800  }
0x88: {  	_ =	swait.ge [sflag:s17], $0x2800  }
0x89: {  	[sflag:s17] =	ssyncset.done $0x0  }
0x8a: {  	[sflag:s17] =	ssyncadd.s32 $0xFFFFD800  }
0x8b: {  	_ =	sfence.sel $0x180000  }
0x8c: {  	[bflag:$0x0] =	sbarrier.arrive $0xFFFF  }
0x8d: {  	p0 =	sne.s32 s2, $0x0;
	_ =	strace $0x90000047  }
0x8e: {  	s0 =	sadd.s32 @!p0 $0x100000, s0;
	[bflag:$0x2] =	sbarrier.arrive $0xFFFF  }
0x8f: {  	[sflag:s0] =	ssyncadd.tile.s32 @!p0 $0x1;
	_ =	shalt  }
.Lfunc_end2:
_tile_overlayer_lowered:
.L_overlay_start_2:
0x90: {  	(tag) =	ssettag $0x2  }
0x91: {  	s0 =	rddreg [dreg:$0x0];
	s2 =	stileid.u32  }
0x92: {  	s1 =	rddreg [dreg:$0x1];
	p0 =	sne.s32 s2, $0x0  }
0x93: {  	s3 =	rddreg [dreg:$0x2];
	[bflag:$0x3] =	sbarrier.arrive $0xFFFF;
	s2 =	simm.s32 @!p0 $0x1C01  }
0x94: {  	[timem:s3], [sflag:s2] =	dma.local @!p0 [hbm:s0], s1  }
0x95: {  	s0 =	simm.s32 @!p0 $0x1  }
0x96: {  	_ =	swait.ge @!p0 [sflag:s0], s1  }
0x97: {  	s1 =	ssub.s32 @!p0 $0x0, s1;
	[sflag:s0] =	ssyncset.done @!p0 $0x0  }
0x98: {  	[sflag:s0] =	ssyncadd.s32 @!p0 s1  }
0x99: {  	[bflag:$0x3] =	sbarrier.arrive $0xFFFF  }
0x9a: {  	_ =	shalt  }

</sc_bundles>
